<compile_context>
chip_gen: v7x
topology: tpu7x:2x2x1
jax: 0.10.2.dev20260603
libtpu: 0.0.44.dev20260713+nightly
codegen_flags: <defaults>
</compile_context>

<pallas_src>
import functools

import jax
import jax.numpy as jnp
from jax import lax
from jax.experimental import pallas as pl
from jax.experimental.pallas import tpu as pltpu
from jax.experimental.pallas import tpu_sc as plsc

N = 10000
E = 320000
IN_DIM = 128
HID = 16

NC = 2
NS = 16
NW = NC * NS

N_PAD = 10240
RPT = N_PAD // NS
CHUNK = 2000
EPT = E // NW
EPP = E // NS
CH_A = 5
CH_B = 5

_mesh = plsc.VectorSubcoreMesh(core_axis_name="c", subcore_axis_name="s")


@functools.partial(
    pl.kernel,
    out_type=jax.ShapeDtypeStruct((NC, N_PAD), jnp.float32),
    mesh=_mesh,
    compiler_params=pltpu.CompilerParams(use_tc_tiling_on_sc=False),
    scratch_types=[
        pltpu.VMEM((CHUNK,), jnp.int32),
        pltpu.VMEM((CHUNK,), jnp.int32),
        pltpu.VMEM((CHUNK,), jnp.float32),
        pltpu.VMEM_SHARED((N_PAD,), jnp.float32),
        pltpu.SemaphoreType.DMA,
        pltpu.SemaphoreType.DMA,
    ],
)
def _deg(ei_hbm, ones_hbm, zeros_hbm, out_hbm,
         dst0, dst1, ones_v, counts_sh, sem0, sem1):
    cid = lax.axis_index("c")
    sid = lax.axis_index("s")
    wid = sid * NC + cid
    pltpu.sync_copy(zeros_hbm.at[pl.ds(sid * RPT, RPT)],
                    counts_sh.at[pl.ds(sid * RPT, RPT)])
    pltpu.sync_copy(ones_hbm, ones_v)
    plsc.subcore_barrier()
    base = wid * EPT
    nchunks = EPT // CHUNK
    dsts, sems = (dst0, dst1), (sem0, sem1)
    scatters = [None] * nchunks
    for i in range(nchunks):
        b = i % 2
        if i >= 2:
            scatters[i - 2].wait()
        pltpu.sync_copy(ei_hbm.at[1, pl.ds(base + i * CHUNK, CHUNK)], dsts[b])
        scatters[i] = pltpu.async_copy(
            ones_v, counts_sh.at[dsts[b]], sems[b], add=True)
    scatters[nchunks - 2].wait()
    scatters[nchunks - 1].wait()
    plsc.subcore_barrier()
    pltpu.sync_copy(counts_sh.at[pl.ds(sid * RPT, RPT)],
                    out_hbm.at[cid, pl.ds(sid * RPT, RPT)])


def _tc0_body(x_ref, w1_ref, h_ref):
    h_ref[...] = jnp.dot(x_ref[...], w1_ref[...],
                         preferred_element_type=jnp.float32)


_tc0 = pl.pallas_call(
    _tc0_body,
    grid=(10,),
    in_specs=[
        pl.BlockSpec((1000, IN_DIM), lambda i: (i, 0)),
        pl.BlockSpec((IN_DIM, HID), lambda i: (0, 0)),
    ],
    out_specs=pl.BlockSpec((1000, HID), lambda i: (i, 0)),
    out_shape=jax.ShapeDtypeStruct((N, HID), jnp.float32),
)


def _tc1_body(h_ref, dpa_ref, dpb_ref, g1_ref, dis_ref):
    deg = dpa_ref[...] + dpb_ref[...] + 1.0
    dis = lax.rsqrt(deg)
    g1_ref[...] = h_ref[...] * dis
    dis_ref[...] = dis


_tc1 = pl.pallas_call(
    _tc1_body,
    grid=(10,),
    in_specs=[
        pl.BlockSpec((1000, HID), lambda i: (i, 0)),
        pl.BlockSpec((1000, 1), lambda i: (i, 0)),
        pl.BlockSpec((1000, 1), lambda i: (i, 0)),
    ],
    out_specs=[
        pl.BlockSpec((1000, HID), lambda i: (i, 0)),
        pl.BlockSpec((1000, 1), lambda i: (i, 0)),
    ],
    out_shape=[
        jax.ShapeDtypeStruct((N, HID), jnp.float32),
        jax.ShapeDtypeStruct((N, 1), jnp.float32),
    ],
)


@functools.partial(
    pl.kernel,
    out_type=jax.ShapeDtypeStruct((NC, N_PAD, HID), jnp.float32),
    mesh=_mesh,
    compiler_params=pltpu.CompilerParams(use_tc_tiling_on_sc=False),
    scratch_types=[
        pltpu.VMEM((CHUNK,), jnp.int32),
        pltpu.VMEM((CHUNK,), jnp.int32),
        pltpu.VMEM((CHUNK,), jnp.int32),
        pltpu.VMEM((CHUNK,), jnp.int32),
        pltpu.VMEM((CHUNK, HID), jnp.float32),
        pltpu.VMEM((CHUNK, HID), jnp.float32),
        pltpu.VMEM_SHARED((N_PAD, HID), jnp.float32),
        pltpu.SemaphoreType.DMA,
        pltpu.SemaphoreType.DMA,
        pltpu.SemaphoreType.DMA,
        pltpu.SemaphoreType.DMA,
    ],
)
def _agg16(ei_hbm, g_hbm, zeros_hbm, out_hbm,
           src0, src1, dst0, dst1, rows0, rows1, acc_sh,
           sem0, sem1, ssem0, ssem1):
    cid = lax.axis_index("c")
    sid = lax.axis_index("s")
    pltpu.sync_copy(zeros_hbm, acc_sh.at[pl.ds(sid * RPT, RPT)])
    plsc.subcore_barrier()
    srcs, dsts, rows = (src0, src1), (dst0, dst1), (rows0, rows1)
    sems, ssems = (sem0, sem1), (ssem0, ssem1)

    def run(base, nchunks):
        pltpu.sync_copy(ei_hbm.at[0, pl.ds(base, CHUNK)], src0)
        pltpu.sync_copy(ei_hbm.at[1, pl.ds(base, CHUNK)], dst0)
        gathers = [pltpu.async_copy(g_hbm.at[src0], rows0, sem0)]
        scatters = [None] * nchunks
        for i in range(nchunks):
            cur = i % 2
            nxt = (i + 1) % 2
            if i + 1 < nchunks:
                off = base + (i + 1) * CHUNK
                if i >= 1:
                    scatters[i - 1].wait()
                pltpu.sync_copy(ei_hbm.at[0, pl.ds(off, CHUNK)], srcs[nxt])
                pltpu.sync_copy(ei_hbm.at[1, pl.ds(off, CHUNK)], dsts[nxt])
                gathers.append(
                    pltpu.async_copy(g_hbm.at[srcs[nxt]], rows[nxt], sems[nxt]))
            gathers[i].wait()
            scatters[i] = pltpu.async_copy(
                rows[cur], acc_sh.at[dsts[cur]], ssems[cur], add=True)
        scatters[nchunks - 1].wait()

    pair_base = sid * EPP

    @pl.when(cid == 0)
    def _():
        run(pair_base, CH_A)

    @pl.when(cid == 1)
    def _():
        run(pair_base + CH_A * CHUNK, CH_B)

    plsc.subcore_barrier()
    pltpu.sync_copy(acc_sh.at[pl.ds(sid * RPT, RPT)],
                    out_hbm.at[cid, pl.ds(sid * RPT, RPT)])


def _tc2_body(acca_ref, accb_ref, g1_ref, dis_ref, b1_ref, w2_ref, g2_ref):
    dis = dis_ref[...]
    out1 = dis * (acca_ref[0] + accb_ref[0] + g1_ref[...]) + b1_ref[...]
    r = jnp.maximum(out1, 0.0)
    h2 = jnp.dot(r, w2_ref[...], preferred_element_type=jnp.float32)
    g2_ref[...] = dis * h2


_tc2 = pl.pallas_call(
    _tc2_body,
    grid=(10,),
    in_specs=[
        pl.BlockSpec((1, 1000, HID), lambda i: (0, i, 0)),
        pl.BlockSpec((1, 1000, HID), lambda i: (1, i, 0)),
        pl.BlockSpec((1000, HID), lambda i: (i, 0)),
        pl.BlockSpec((1000, 1), lambda i: (i, 0)),
        pl.BlockSpec((1, HID), lambda i: (0, 0)),
        pl.BlockSpec((HID, 1), lambda i: (0, 0)),
    ],
    out_specs=pl.BlockSpec((1000, 1), lambda i: (i, 0)),
    out_shape=jax.ShapeDtypeStruct((N, 1), jnp.float32),
)


@functools.partial(
    pl.kernel,
    out_type=jax.ShapeDtypeStruct((NC, N_PAD), jnp.float32),
    mesh=_mesh,
    compiler_params=pltpu.CompilerParams(
        needs_layout_passes=False, use_tc_tiling_on_sc=False),
    scratch_types=[
        pltpu.VMEM((CHUNK,), jnp.int32),
        pltpu.VMEM((CHUNK,), jnp.int32),
        pltpu.VMEM((CHUNK,), jnp.int32),
        pltpu.VMEM((CHUNK,), jnp.float32),
        pltpu.VMEM((CHUNK,), jnp.float32),
        pltpu.VMEM((N,), jnp.float32),
        pltpu.VMEM_SHARED((N_PAD,), jnp.float32),
        pltpu.SemaphoreType.DMA,
        pltpu.SemaphoreType.DMA,
    ],
)
def _final(ei_hbm, g2_hbm, zeros_hbm, out_hbm,
           src_v, dst0, dst1, vals0, vals1, g2t_v, acc_sh, sem0, sem1):
    cid = lax.axis_index("c")
    sid = lax.axis_index("s")
    wid = sid * NC + cid
    pltpu.sync_copy(zeros_hbm.at[pl.ds(sid * RPT, RPT)],
                    acc_sh.at[pl.ds(sid * RPT, RPT)])
    pltpu.sync_copy(g2_hbm, g2t_v)
    plsc.subcore_barrier()
    base = wid * EPT
    nchunks = EPT // CHUNK
    dsts, vals, sems = (dst0, dst1), (vals0, vals1), (sem0, sem1)
    scatters = [None] * nchunks
    for i in range(nchunks):
        b = i % 2
        pltpu.sync_copy(ei_hbm.at[0, pl.ds(base + i * CHUNK, CHUNK)], src_v)
        if i >= 2:
            scatters[i - 2].wait()
        pltpu.sync_copy(ei_hbm.at[1, pl.ds(base + i * CHUNK, CHUNK)], dsts[b])
        vbuf = vals[b]

        def body(j, _):
            off = pl.multiple_of(j * 80, 16)
            for u in range(5):
                sl = pl.ds(off + u * 16, 16)
                vbuf[sl] = plsc.load_gather(g2t_v, [src_v[sl]])
            return 0

        lax.fori_loop(0, CHUNK // 80, body, 0)
        scatters[i] = pltpu.async_copy(
            vbuf, acc_sh.at[dsts[b]], sems[b], add=True)
    scatters[nchunks - 2].wait()
    scatters[nchunks - 1].wait()
    plsc.subcore_barrier()
    pltpu.sync_copy(acc_sh.at[pl.ds(sid * RPT, RPT)],
                    out_hbm.at[cid, pl.ds(sid * RPT, RPT)])


def _tc3_body(fp_a_ref, fp_b_ref, g2_ref, dis_ref, b2_ref, out_ref):
    acc = fp_a_ref[...] + fp_b_ref[...]
    out_ref[...] = dis_ref[...] * (acc + g2_ref[...]) + b2_ref[...]


_tc3 = pl.pallas_call(
    _tc3_body,
    grid=(10,),
    in_specs=[
        pl.BlockSpec((1000, 1), lambda i: (i, 0)),
        pl.BlockSpec((1000, 1), lambda i: (i, 0)),
        pl.BlockSpec((1000, 1), lambda i: (i, 0)),
        pl.BlockSpec((1000, 1), lambda i: (i, 0)),
        pl.BlockSpec((1, 1), lambda i: (0, 0)),
    ],
    out_specs=pl.BlockSpec((1000, 1), lambda i: (i, 0)),
    out_shape=jax.ShapeDtypeStruct((N, 1), jnp.float32),
)


def kernel(x, edge_index, W1, b1, W2, b2):
    ei = edge_index.astype(jnp.int32)
    ones_c = jnp.ones((CHUNK,), jnp.float32)
    zeros_np = jnp.zeros((N_PAD,), jnp.float32)
    zeros16 = jnp.zeros((RPT, HID), jnp.float32)

    h1 = _tc0(x, W1)
    dp = _deg(ei, ones_c, zeros_np)
    dpa = dp[0, :N, None]
    dpb = dp[1, :N, None]
    g1, dis = _tc1(h1, dpa, dpb)
    acc = _agg16(ei, g1, zeros16)
    g2 = _tc2(acc, acc, g1, dis, b1.reshape(1, HID), W2)
    fp = _final(ei, g2[:, 0], zeros_np)
    out = _tc3(fp[0, :N, None], fp[1, :N, None], g2, dis,
               b2.reshape(1, 1))
    return out[:, 0]

# --- scband reference (transcript-rebuilt; emitter-appended) ---
"""Pipeline reference for scband-edge-score-gnn-28810640622034 (READ-ONLY COPY).

The authoritative reference and input builder live on the scoring server;
editing this copy changes nothing except your own understanding.
"""

import jax, jax.numpy as jnp
import numpy as np

N_NODES = 10000


def gcn_conv(x, edge_index, W, b, n_nodes):
    # PyG GCNConv: add self-loops, symmetric normalization, linear transform,
    # message = norm * x_j, aggregate = scatter-add over dst, then + bias.
    src = edge_index[0]
    dst = edge_index[1]
    loop = jnp.arange(n_nodes, dtype=src.dtype)
    src = jnp.concatenate([src, loop])
    dst = jnp.concatenate([dst, loop])
    ones = jnp.ones(src.shape[0], dtype=x.dtype)
    deg = jax.ops.segment_sum(ones, dst, num_segments=n_nodes)
    deg_inv_sqrt = jnp.where(deg > 0, jax.lax.rsqrt(deg), 0.0)
    norm = deg_inv_sqrt[src] * deg_inv_sqrt[dst]
    h = x @ W
    msg = h[src] * norm[:, None]
    out = jax.ops.segment_sum(msg, dst, num_segments=n_nodes)
    return out + b


def setup_inputs(seed: int = 0) -> dict:
    key = jax.random.key(seed)
    k_x, k_e, k_w1, k_b1, k_w2, k_b2 = jax.random.split(key, 6)
    in_dim, hidden = 128, 16
    x = jax.random.normal(k_x, (N_NODES, in_dim), dtype=jnp.float32)
    edge_index = jax.random.randint(k_e, (2, 320000), 0, N_NODES, dtype=jnp.int64)
    s1 = 1.0 / np.sqrt(in_dim)
    s2 = 1.0 / np.sqrt(hidden)
    W1 = jax.random.uniform(k_w1, (in_dim, hidden), dtype=jnp.float32, minval=-s1, maxval=s1)
    b1 = jnp.zeros((hidden,), dtype=jnp.float32)
    W2 = jax.random.uniform(k_w2, (hidden, 1), dtype=jnp.float32, minval=-s2, maxval=s2)
    b2 = jnp.zeros((1,), dtype=jnp.float32)
    return {"x": x, "edge_index": edge_index, "W1": W1, "b1": b1, "W2": W2, "b2": b2}


def reference(x, edge_index, W1, b1, W2, b2):
    h = gcn_conv(x, edge_index, W1, b1, N_NODES)
    h = jax.nn.relu(h)
    out = gcn_conv(h, edge_index, W2, b2, N_NODES)
    return jnp.squeeze(out, axis=-1)

if __name__ == "__main__":
    import jax
    _d = setup_inputs()
    print(jax.jit(kernel)(*tuple(_d.values())))

</pallas_src>

<mosaic_0001>
#map = affine_map<(d0, d1) -> (0, 0)>
#map1 = affine_map<(d0, d1) -> (0)>
module attributes {stable_mosaic.version = 14 : i64} {
  func.func @_deg(%arg0: i32, %arg1: i32, %arg2: memref<2x320000xi32, #tpu.memory_space<hbm>>, %arg3: memref<2000xf32, #tpu.memory_space<hbm>>, %arg4: memref<10240xf32, #tpu.memory_space<hbm>>, %arg5: memref<2x10240xf32, #tpu.memory_space<hbm>>, %arg6: memref<2000xi32, #tpu.memory_space<vmem>>, %arg7: memref<2000xi32, #tpu.memory_space<vmem>>, %arg8: memref<2000xf32, #tpu.memory_space<vmem>>, %arg9: memref<10240xf32, #tpu.memory_space<vmem_shared>>, %arg10: memref<!tpu.dma_semaphore, #tpu.memory_space<semaphore_mem>>, %arg11: memref<!tpu.dma_semaphore, #tpu.memory_space<semaphore_mem>>) attributes {dimension_semantics = [#tpu.dimension_semantics<core_parallel>, #tpu.dimension_semantics<subcore_parallel>], iteration_bounds = array<i64: 2, 16>, scalar_prefetch = 0 : i64, scratch_operands = 6 : i64, tpu.core_type = #tpu.core_type<sc_vector_subcore>, window_params = [{transform_indices = #map}, {transform_indices = #map1}, {transform_indices = #map1}, {transform_indices = #map}]} {
    %mul3A = arith.constant 2 : i32
    %mul3A_0 = arith.muli %arg1, %mul3A : i32
    %add3A = arith.addi %mul3A_0, %arg0 : i32
    %mul3A_1 = arith.constant 640 : i32
    %mul3A_2 = arith.muli %arg1, %mul3A_1 : i32
    %mul3A_3 = arith.constant 640 : i32
    %mul3A_4 = arith.muli %arg1, %mul3A_3 : i32
    "tpu.region"() ({
      %run_scoped3A_44 = tpu.sem_alloc : memref<!tpu.dma_semaphore, #tpu.memory_space<semaphore_mem>>
      %dma_start3A_45 = tpu.memref_slice %arg9[%mul3A_4] : memref<10240xf32, #tpu.memory_space<vmem_shared>> -> memref<640xf32, #tpu.memory_space<vmem_shared>>
      %dma_start3A_46 = tpu.memref_slice %arg4[%mul3A_2] : memref<10240xf32, #tpu.memory_space<hbm>> -> memref<640xf32, #tpu.memory_space<hbm>>
      tpu.enqueue_dma source(%dma_start3A_46 : memref<640xf32, #tpu.memory_space<hbm>>) target(%dma_start3A_45 : memref<640xf32, #tpu.memory_space<vmem_shared>>) target_semaphore(%run_scoped3A_44 : memref<!tpu.dma_semaphore, #tpu.memory_space<semaphore_mem>>)
      %dma_wait3A_47 = tpu.memref_slice %arg9[%mul3A_4] : memref<10240xf32, #tpu.memory_space<vmem_shared>> -> memref<640xf32, #tpu.memory_space<vmem_shared>>
      %dma_wait3A_48 = tpu.memref_slice %arg4[%mul3A_2] : memref<10240xf32, #tpu.memory_space<hbm>> -> memref<640xf32, #tpu.memory_space<hbm>>
      tpu.wait_dma2 semaphore(%run_scoped3A_44 : memref<!tpu.dma_semaphore, #tpu.memory_space<semaphore_mem>>) src(%dma_wait3A_48 : memref<640xf32, #tpu.memory_space<hbm>>) dst(%dma_wait3A_47 : memref<640xf32, #tpu.memory_space<vmem_shared>>)
      tpu.yield
    }) : () -> ()
    "tpu.region"() ({
      %run_scoped3A_44 = tpu.sem_alloc : memref<!tpu.dma_semaphore, #tpu.memory_space<semaphore_mem>>
      tpu.enqueue_dma source(%arg3 : memref<2000xf32, #tpu.memory_space<hbm>>) target(%arg8 : memref<2000xf32, #tpu.memory_space<vmem>>) target_semaphore(%run_scoped3A_44 : memref<!tpu.dma_semaphore, #tpu.memory_space<semaphore_mem>>)
      tpu.wait_dma2 semaphore(%run_scoped3A_44 : memref<!tpu.dma_semaphore, #tpu.memory_space<semaphore_mem>>) src(%arg3 : memref<2000xf32, #tpu.memory_space<hbm>>) dst(%arg8 : memref<2000xf32, #tpu.memory_space<vmem>>)
      tpu.yield
    }) : () -> ()
    %barrier3A = arith.constant 0 : index
    tpu.barrier barrier_id(%barrier3A)
    %mul3A_5 = arith.constant 10000 : i32
    %mul3A_6 = arith.muli %add3A, %mul3A_5 : i32
    %add3A_7 = arith.constant 0 : i32
    %add3A_8 = arith.addi %mul3A_6, %add3A_7 : i32
    %run_scoped3A = arith.constant 1 : i32
    "tpu.region"() ({
      %run_scoped3A_44 = tpu.sem_alloc : memref<!tpu.dma_semaphore, #tpu.memory_space<semaphore_mem>>
      %dma_start3A_45 = tpu.memref_slice %arg2[%run_scoped3A, %add3A_8] : memref<2x320000xi32, #tpu.memory_space<hbm>> -> memref<1x2000xi32, #tpu.memory_space<hbm>>
      %dma_start3A_46 = tpu.memref_squeeze %dma_start3A_45 : memref<1x2000xi32, #tpu.memory_space<hbm>> -> memref<2000xi32, #tpu.memory_space<hbm>>
      %dma_start3A_47 = tpu.memref_slice %arg2[%run_scoped3A, %add3A_8] : memref<2x320000xi32, #tpu.memory_space<hbm>> -> memref<1x2000xi32, #tpu.memory_space<hbm>>
      %dma_start3A_48 = tpu.memref_squeeze %dma_start3A_47 : memref<1x2000xi32, #tpu.memory_space<hbm>> -> memref<2000xi32, #tpu.memory_space<hbm>>
      tpu.enqueue_dma source(%dma_start3A_48 : memref<2000xi32, #tpu.memory_space<hbm>>) target(%arg6 : memref<2000xi32, #tpu.memory_space<vmem>>) target_semaphore(%run_scoped3A_44 : memref<!tpu.dma_semaphore, #tpu.memory_space<semaphore_mem>>)
      %dma_wait3A_49 = tpu.memref_slice %arg2[%run_scoped3A, %add3A_8] : memref<2x320000xi32, #tpu.memory_space<hbm>> -> memref<1x2000xi32, #tpu.memory_space<hbm>>
      %dma_wait3A_50 = tpu.memref_squeeze %dma_wait3A_49 : memref<1x2000xi32, #tpu.memory_space<hbm>> -> memref<2000xi32, #tpu.memory_space<hbm>>
      %dma_wait3A_51 = tpu.memref_slice %arg2[%run_scoped3A, %add3A_8] : memref<2x320000xi32, #tpu.memory_space<hbm>> -> memref<1x2000xi32, #tpu.memory_space<hbm>>
      %dma_wait3A_52 = tpu.memref_squeeze %dma_wait3A_51 : memref<1x2000xi32, #tpu.memory_space<hbm>> -> memref<2000xi32, #tpu.memory_space<hbm>>
      tpu.wait_dma2 semaphore(%run_scoped3A_44 : memref<!tpu.dma_semaphore, #tpu.memory_space<semaphore_mem>>) src(%dma_wait3A_52 : memref<2000xi32, #tpu.memory_space<hbm>>) dst(%arg6 : memref<2000xi32, #tpu.memory_space<vmem>>)
      tpu.yield
    }) : () -> ()
    %dma_start3A = arith.constant 0 : i32
    %dma_start3A_9 = tpu.memref_slice %arg9[%dma_start3A] : memref<10240xf32, #tpu.memory_space<vmem_shared>> -> memref<10240xf32, #tpu.memory_space<vmem_shared>>
    tpu.enqueue_indirect_dma source(%arg8 : memref<2000xf32, #tpu.memory_space<vmem>>) target(%dma_start3A_9 : memref<10240xf32, #tpu.memory_space<vmem_shared>>) offsets(%arg6 : memref<2000xi32, #tpu.memory_space<vmem>>) semaphore(%arg10 : memref<!tpu.dma_semaphore, #tpu.memory_space<semaphore_mem>>) {add = true}
    %add3A_10 = arith.constant 2000 : i32
    %add3A_11 = arith.addi %mul3A_6, %add3A_10 : i32
    %run_scoped3A_12 = arith.constant 1 : i32
    "tpu.region"() ({
      %run_scoped3A_44 = tpu.sem_alloc : memref<!tpu.dma_semaphore, #tpu.memory_space<semaphore_mem>>
      %dma_start3A_45 = tpu.memref_slice %arg2[%run_scoped3A_12, %add3A_11] : memref<2x320000xi32, #tpu.memory_space<hbm>> -> memref<1x2000xi32, #tpu.memory_space<hbm>>
      %dma_start3A_46 = tpu.memref_squeeze %dma_start3A_45 : memref<1x2000xi32, #tpu.memory_space<hbm>> -> memref<2000xi32, #tpu.memory_space<hbm>>
      %dma_start3A_47 = tpu.memref_slice %arg2[%run_scoped3A_12, %add3A_11] : memref<2x320000xi32, #tpu.memory_space<hbm>> -> memref<1x2000xi32, #tpu.memory_space<hbm>>
      %dma_start3A_48 = tpu.memref_squeeze %dma_start3A_47 : memref<1x2000xi32, #tpu.memory_space<hbm>> -> memref<2000xi32, #tpu.memory_space<hbm>>
      tpu.enqueue_dma source(%dma_start3A_48 : memref<2000xi32, #tpu.memory_space<hbm>>) target(%arg7 : memref<2000xi32, #tpu.memory_space<vmem>>) target_semaphore(%run_scoped3A_44 : memref<!tpu.dma_semaphore, #tpu.memory_space<semaphore_mem>>)
      %dma_wait3A_49 = tpu.memref_slice %arg2[%run_scoped3A_12, %add3A_11] : memref<2x320000xi32, #tpu.memory_space<hbm>> -> memref<1x2000xi32, #tpu.memory_space<hbm>>
      %dma_wait3A_50 = tpu.memref_squeeze %dma_wait3A_49 : memref<1x2000xi32, #tpu.memory_space<hbm>> -> memref<2000xi32, #tpu.memory_space<hbm>>
      %dma_wait3A_51 = tpu.memref_slice %arg2[%run_scoped3A_12, %add3A_11] : memref<2x320000xi32, #tpu.memory_space<hbm>> -> memref<1x2000xi32, #tpu.memory_space<hbm>>
      %dma_wait3A_52 = tpu.memref_squeeze %dma_wait3A_51 : memref<1x2000xi32, #tpu.memory_space<hbm>> -> memref<2000xi32, #tpu.memory_space<hbm>>
      tpu.wait_dma2 semaphore(%run_scoped3A_44 : memref<!tpu.dma_semaphore, #tpu.memory_space<semaphore_mem>>) src(%dma_wait3A_52 : memref<2000xi32, #tpu.memory_space<hbm>>) dst(%arg7 : memref<2000xi32, #tpu.memory_space<vmem>>)
      tpu.yield
    }) : () -> ()
    %dma_start3A_13 = arith.constant 0 : i32
    %dma_start3A_14 = tpu.memref_slice %arg9[%dma_start3A_13] : memref<10240xf32, #tpu.memory_space<vmem_shared>> -> memref<10240xf32, #tpu.memory_space<vmem_shared>>
    tpu.enqueue_indirect_dma source(%arg8 : memref<2000xf32, #tpu.memory_space<vmem>>) target(%dma_start3A_14 : memref<10240xf32, #tpu.memory_space<vmem_shared>>) offsets(%arg7 : memref<2000xi32, #tpu.memory_space<vmem>>) semaphore(%arg11 : memref<!tpu.dma_semaphore, #tpu.memory_space<semaphore_mem>>) {add = true}
    %dma_wait3A = arith.constant 0 : i32
    %dma_wait3A_15 = tpu.memref_slice %arg9[%dma_wait3A] : memref<10240xf32, #tpu.memory_space<vmem_shared>> -> memref<10240xf32, #tpu.memory_space<vmem_shared>>
    tpu.wait_indirect_dma semaphore(%arg10 : memref<!tpu.dma_semaphore, #tpu.memory_space<semaphore_mem>>) src(%arg8 : memref<2000xf32, #tpu.memory_space<vmem>>) dst(%dma_wait3A_15 : memref<10240xf32, #tpu.memory_space<vmem_shared>>)
    %add3A_16 = arith.constant 4000 : i32
    %add3A_17 = arith.addi %mul3A_6, %add3A_16 : i32
    %run_scoped3A_18 = arith.constant 1 : i32
    "tpu.region"() ({
      %run_scoped3A_44 = tpu.sem_alloc : memref<!tpu.dma_semaphore, #tpu.memory_space<semaphore_mem>>
      %dma_start3A_45 = tpu.memref_slice %arg2[%run_scoped3A_18, %add3A_17] : memref<2x320000xi32, #tpu.memory_space<hbm>> -> memref<1x2000xi32, #tpu.memory_space<hbm>>
      %dma_start3A_46 = tpu.memref_squeeze %dma_start3A_45 : memref<1x2000xi32, #tpu.memory_space<hbm>> -> memref<2000xi32, #tpu.memory_space<hbm>>
      %dma_start3A_47 = tpu.memref_slice %arg2[%run_scoped3A_18, %add3A_17] : memref<2x320000xi32, #tpu.memory_space<hbm>> -> memref<1x2000xi32, #tpu.memory_space<hbm>>
      %dma_start3A_48 = tpu.memref_squeeze %dma_start3A_47 : memref<1x2000xi32, #tpu.memory_space<hbm>> -> memref<2000xi32, #tpu.memory_space<hbm>>
      tpu.enqueue_dma source(%dma_start3A_48 : memref<2000xi32, #tpu.memory_space<hbm>>) target(%arg6 : memref<2000xi32, #tpu.memory_space<vmem>>) target_semaphore(%run_scoped3A_44 : memref<!tpu.dma_semaphore, #tpu.memory_space<semaphore_mem>>)
      %dma_wait3A_49 = tpu.memref_slice %arg2[%run_scoped3A_18, %add3A_17] : memref<2x320000xi32, #tpu.memory_space<hbm>> -> memref<1x2000xi32, #tpu.memory_space<hbm>>
      %dma_wait3A_50 = tpu.memref_squeeze %dma_wait3A_49 : memref<1x2000xi32, #tpu.memory_space<hbm>> -> memref<2000xi32, #tpu.memory_space<hbm>>
      %dma_wait3A_51 = tpu.memref_slice %arg2[%run_scoped3A_18, %add3A_17] : memref<2x320000xi32, #tpu.memory_space<hbm>> -> memref<1x2000xi32, #tpu.memory_space<hbm>>
      %dma_wait3A_52 = tpu.memref_squeeze %dma_wait3A_51 : memref<1x2000xi32, #tpu.memory_space<hbm>> -> memref<2000xi32, #tpu.memory_space<hbm>>
      tpu.wait_dma2 semaphore(%run_scoped3A_44 : memref<!tpu.dma_semaphore, #tpu.memory_space<semaphore_mem>>) src(%dma_wait3A_52 : memref<2000xi32, #tpu.memory_space<hbm>>) dst(%arg6 : memref<2000xi32, #tpu.memory_space<vmem>>)
      tpu.yield
    }) : () -> ()
    %dma_start3A_19 = arith.constant 0 : i32
    %dma_start3A_20 = tpu.memref_slice %arg9[%dma_start3A_19] : memref<10240xf32, #tpu.memory_space<vmem_shared>> -> memref<10240xf32, #tpu.memory_space<vmem_shared>>
    tpu.enqueue_indirect_dma source(%arg8 : memref<2000xf32, #tpu.memory_space<vmem>>) target(%dma_start3A_20 : memref<10240xf32, #tpu.memory_space<vmem_shared>>) offsets(%arg6 : memref<2000xi32, #tpu.memory_space<vmem>>) semaphore(%arg10 : memref<!tpu.dma_semaphore, #tpu.memory_space<semaphore_mem>>) {add = true}
    %dma_wait3A_21 = arith.constant 0 : i32
    %dma_wait3A_22 = tpu.memref_slice %arg9[%dma_wait3A_21] : memref<10240xf32, #tpu.memory_space<vmem_shared>> -> memref<10240xf32, #tpu.memory_space<vmem_shared>>
    tpu.wait_indirect_dma semaphore(%arg11 : memref<!tpu.dma_semaphore, #tpu.memory_space<semaphore_mem>>) src(%arg8 : memref<2000xf32, #tpu.memory_space<vmem>>) dst(%dma_wait3A_22 : memref<10240xf32, #tpu.memory_space<vmem_shared>>)
    %add3A_23 = arith.constant 6000 : i32
    %add3A_24 = arith.addi %mul3A_6, %add3A_23 : i32
    %run_scoped3A_25 = arith.constant 1 : i32
    "tpu.region"() ({
      %run_scoped3A_44 = tpu.sem_alloc : memref<!tpu.dma_semaphore, #tpu.memory_space<semaphore_mem>>
      %dma_start3A_45 = tpu.memref_slice %arg2[%run_scoped3A_25, %add3A_24] : memref<2x320000xi32, #tpu.memory_space<hbm>> -> memref<1x2000xi32, #tpu.memory_space<hbm>>
      %dma_start3A_46 = tpu.memref_squeeze %dma_start3A_45 : memref<1x2000xi32, #tpu.memory_space<hbm>> -> memref<2000xi32, #tpu.memory_space<hbm>>
      %dma_start3A_47 = tpu.memref_slice %arg2[%run_scoped3A_25, %add3A_24] : memref<2x320000xi32, #tpu.memory_space<hbm>> -> memref<1x2000xi32, #tpu.memory_space<hbm>>
      %dma_start3A_48 = tpu.memref_squeeze %dma_start3A_47 : memref<1x2000xi32, #tpu.memory_space<hbm>> -> memref<2000xi32, #tpu.memory_space<hbm>>
      tpu.enqueue_dma source(%dma_start3A_48 : memref<2000xi32, #tpu.memory_space<hbm>>) target(%arg7 : memref<2000xi32, #tpu.memory_space<vmem>>) target_semaphore(%run_scoped3A_44 : memref<!tpu.dma_semaphore, #tpu.memory_space<semaphore_mem>>)
      %dma_wait3A_49 = tpu.memref_slice %arg2[%run_scoped3A_25, %add3A_24] : memref<2x320000xi32, #tpu.memory_space<hbm>> -> memref<1x2000xi32, #tpu.memory_space<hbm>>
      %dma_wait3A_50 = tpu.memref_squeeze %dma_wait3A_49 : memref<1x2000xi32, #tpu.memory_space<hbm>> -> memref<2000xi32, #tpu.memory_space<hbm>>
      %dma_wait3A_51 = tpu.memref_slice %arg2[%run_scoped3A_25, %add3A_24] : memref<2x320000xi32, #tpu.memory_space<hbm>> -> memref<1x2000xi32, #tpu.memory_space<hbm>>
      %dma_wait3A_52 = tpu.memref_squeeze %dma_wait3A_51 : memref<1x2000xi32, #tpu.memory_space<hbm>> -> memref<2000xi32, #tpu.memory_space<hbm>>
      tpu.wait_dma2 semaphore(%run_scoped3A_44 : memref<!tpu.dma_semaphore, #tpu.memory_space<semaphore_mem>>) src(%dma_wait3A_52 : memref<2000xi32, #tpu.memory_space<hbm>>) dst(%arg7 : memref<2000xi32, #tpu.memory_space<vmem>>)
      tpu.yield
    }) : () -> ()
    %dma_start3A_26 = arith.constant 0 : i32
    %dma_start3A_27 = tpu.memref_slice %arg9[%dma_start3A_26] : memref<10240xf32, #tpu.memory_space<vmem_shared>> -> memref<10240xf32, #tpu.memory_space<vmem_shared>>
    tpu.enqueue_indirect_dma source(%arg8 : memref<2000xf32, #tpu.memory_space<vmem>>) target(%dma_start3A_27 : memref<10240xf32, #tpu.memory_space<vmem_shared>>) offsets(%arg7 : memref<2000xi32, #tpu.memory_space<vmem>>) semaphore(%arg11 : memref<!tpu.dma_semaphore, #tpu.memory_space<semaphore_mem>>) {add = true}
    %dma_wait3A_28 = arith.constant 0 : i32
    %dma_wait3A_29 = tpu.memref_slice %arg9[%dma_wait3A_28] : memref<10240xf32, #tpu.memory_space<vmem_shared>> -> memref<10240xf32, #tpu.memory_space<vmem_shared>>
    tpu.wait_indirect_dma semaphore(%arg10 : memref<!tpu.dma_semaphore, #tpu.memory_space<semaphore_mem>>) src(%arg8 : memref<2000xf32, #tpu.memory_space<vmem>>) dst(%dma_wait3A_29 : memref<10240xf32, #tpu.memory_space<vmem_shared>>)
    %add3A_30 = arith.constant 8000 : i32
    %add3A_31 = arith.addi %mul3A_6, %add3A_30 : i32
    %run_scoped3A_32 = arith.constant 1 : i32
    "tpu.region"() ({
      %run_scoped3A_44 = tpu.sem_alloc : memref<!tpu.dma_semaphore, #tpu.memory_space<semaphore_mem>>
      %dma_start3A_45 = tpu.memref_slice %arg2[%run_scoped3A_32, %add3A_31] : memref<2x320000xi32, #tpu.memory_space<hbm>> -> memref<1x2000xi32, #tpu.memory_space<hbm>>
      %dma_start3A_46 = tpu.memref_squeeze %dma_start3A_45 : memref<1x2000xi32, #tpu.memory_space<hbm>> -> memref<2000xi32, #tpu.memory_space<hbm>>
      %dma_start3A_47 = tpu.memref_slice %arg2[%run_scoped3A_32, %add3A_31] : memref<2x320000xi32, #tpu.memory_space<hbm>> -> memref<1x2000xi32, #tpu.memory_space<hbm>>
      %dma_start3A_48 = tpu.memref_squeeze %dma_start3A_47 : memref<1x2000xi32, #tpu.memory_space<hbm>> -> memref<2000xi32, #tpu.memory_space<hbm>>
      tpu.enqueue_dma source(%dma_start3A_48 : memref<2000xi32, #tpu.memory_space<hbm>>) target(%arg6 : memref<2000xi32, #tpu.memory_space<vmem>>) target_semaphore(%run_scoped3A_44 : memref<!tpu.dma_semaphore, #tpu.memory_space<semaphore_mem>>)
      %dma_wait3A_49 = tpu.memref_slice %arg2[%run_scoped3A_32, %add3A_31] : memref<2x320000xi32, #tpu.memory_space<hbm>> -> memref<1x2000xi32, #tpu.memory_space<hbm>>
      %dma_wait3A_50 = tpu.memref_squeeze %dma_wait3A_49 : memref<1x2000xi32, #tpu.memory_space<hbm>> -> memref<2000xi32, #tpu.memory_space<hbm>>
      %dma_wait3A_51 = tpu.memref_slice %arg2[%run_scoped3A_32, %add3A_31] : memref<2x320000xi32, #tpu.memory_space<hbm>> -> memref<1x2000xi32, #tpu.memory_space<hbm>>
      %dma_wait3A_52 = tpu.memref_squeeze %dma_wait3A_51 : memref<1x2000xi32, #tpu.memory_space<hbm>> -> memref<2000xi32, #tpu.memory_space<hbm>>
      tpu.wait_dma2 semaphore(%run_scoped3A_44 : memref<!tpu.dma_semaphore, #tpu.memory_space<semaphore_mem>>) src(%dma_wait3A_52 : memref<2000xi32, #tpu.memory_space<hbm>>) dst(%arg6 : memref<2000xi32, #tpu.memory_space<vmem>>)
      tpu.yield
    }) : () -> ()
    %dma_start3A_33 = arith.constant 0 : i32
    %dma_start3A_34 = tpu.memref_slice %arg9[%dma_start3A_33] : memref<10240xf32, #tpu.memory_space<vmem_shared>> -> memref<10240xf32, #tpu.memory_space<vmem_shared>>
    tpu.enqueue_indirect_dma source(%arg8 : memref<2000xf32, #tpu.memory_space<vmem>>) target(%dma_start3A_34 : memref<10240xf32, #tpu.memory_space<vmem_shared>>) offsets(%arg6 : memref<2000xi32, #tpu.memory_space<vmem>>) semaphore(%arg10 : memref<!tpu.dma_semaphore, #tpu.memory_space<semaphore_mem>>) {add = true}
    %dma_wait3A_35 = arith.constant 0 : i32
    %dma_wait3A_36 = tpu.memref_slice %arg9[%dma_wait3A_35] : memref<10240xf32, #tpu.memory_space<vmem_shared>> -> memref<10240xf32, #tpu.memory_space<vmem_shared>>
    tpu.wait_indirect_dma semaphore(%arg11 : memref<!tpu.dma_semaphore, #tpu.memory_space<semaphore_mem>>) src(%arg8 : memref<2000xf32, #tpu.memory_space<vmem>>) dst(%dma_wait3A_36 : memref<10240xf32, #tpu.memory_space<vmem_shared>>)
    %dma_wait3A_37 = arith.constant 0 : i32
    %dma_wait3A_38 = tpu.memref_slice %arg9[%dma_wait3A_37] : memref<10240xf32, #tpu.memory_space<vmem_shared>> -> memref<10240xf32, #tpu.memory_space<vmem_shared>>
    tpu.wait_indirect_dma semaphore(%arg10 : memref<!tpu.dma_semaphore, #tpu.memory_space<semaphore_mem>>) src(%arg8 : memref<2000xf32, #tpu.memory_space<vmem>>) dst(%dma_wait3A_38 : memref<10240xf32, #tpu.memory_space<vmem_shared>>)
    %barrier3A_39 = arith.constant 0 : index
    tpu.barrier barrier_id(%barrier3A_39)
    %mul3A_40 = arith.constant 640 : i32
    %mul3A_41 = arith.muli %arg1, %mul3A_40 : i32
    %mul3A_42 = arith.constant 640 : i32
    %mul3A_43 = arith.muli %arg1, %mul3A_42 : i32
    "tpu.region"() ({
      %run_scoped3A_44 = tpu.sem_alloc : memref<!tpu.dma_semaphore, #tpu.memory_space<semaphore_mem>>
      %dma_start3A_45 = tpu.memref_slice %arg5[%arg0, %mul3A_43] : memref<2x10240xf32, #tpu.memory_space<hbm>> -> memref<1x640xf32, #tpu.memory_space<hbm>>
      %dma_start3A_46 = tpu.memref_squeeze %dma_start3A_45 : memref<1x640xf32, #tpu.memory_space<hbm>> -> memref<640xf32, #tpu.memory_space<hbm>>
      %dma_start3A_47 = tpu.memref_slice %arg9[%mul3A_41] : memref<10240xf32, #tpu.memory_space<vmem_shared>> -> memref<640xf32, #tpu.memory_space<vmem_shared>>
      tpu.enqueue_dma source(%dma_start3A_47 : memref<640xf32, #tpu.memory_space<vmem_shared>>) target(%dma_start3A_46 : memref<640xf32, #tpu.memory_space<hbm>>) target_semaphore(%run_scoped3A_44 : memref<!tpu.dma_semaphore, #tpu.memory_space<semaphore_mem>>)
      %dma_wait3A_48 = tpu.memref_slice %arg5[%arg0, %mul3A_43] : memref<2x10240xf32, #tpu.memory_space<hbm>> -> memref<1x640xf32, #tpu.memory_space<hbm>>
      %dma_wait3A_49 = tpu.memref_squeeze %dma_wait3A_48 : memref<1x640xf32, #tpu.memory_space<hbm>> -> memref<640xf32, #tpu.memory_space<hbm>>
      %dma_wait3A_50 = tpu.memref_slice %arg9[%mul3A_41] : memref<10240xf32, #tpu.memory_space<vmem_shared>> -> memref<640xf32, #tpu.memory_space<vmem_shared>>
      tpu.wait_dma2 semaphore(%run_scoped3A_44 : memref<!tpu.dma_semaphore, #tpu.memory_space<semaphore_mem>>) src(%dma_wait3A_50 : memref<640xf32, #tpu.memory_space<vmem_shared>>) dst(%dma_wait3A_49 : memref<640xf32, #tpu.memory_space<hbm>>)
      tpu.yield
    }) : () -> ()
    return
  }
}

#map = affine_map<(d0, d1) -> (0, 0)>
#map1 = affine_map<(d0, d1) -> (0)>
module attributes {stable_mosaic.version = 14 : i64} {
  func.func @_final(%arg0: i32, %arg1: i32, %arg2: memref<2x320000xi32, #tpu.memory_space<hbm>>, %arg3: memref<10000xf32, #tpu.memory_space<hbm>>, %arg4: memref<10240xf32, #tpu.memory_space<hbm>>, %arg5: memref<2x10240xf32, #tpu.memory_space<hbm>>, %arg6: memref<2000xi32, #tpu.memory_space<vmem>>, %arg7: memref<2000xi32, #tpu.memory_space<vmem>>, %arg8: memref<2000xi32, #tpu.memory_space<vmem>>, %arg9: memref<2000xf32, #tpu.memory_space<vmem>>, %arg10: memref<2000xf32, #tpu.memory_space<vmem>>, %arg11: memref<10000xf32, #tpu.memory_space<vmem>>, %arg12: memref<10240xf32, #tpu.memory_space<vmem_shared>>, %arg13: memref<!tpu.dma_semaphore, #tpu.memory_space<semaphore_mem>>, %arg14: memref<!tpu.dma_semaphore, #tpu.memory_space<semaphore_mem>>) attributes {dimension_semantics = [#tpu.dimension_semantics<core_parallel>, #tpu.dimension_semantics<subcore_parallel>], iteration_bounds = array<i64: 2, 16>, scalar_prefetch = 0 : i64, scratch_operands = 9 : i64, tpu.core_type = #tpu.core_type<sc_vector_subcore>, window_params = [{transform_indices = #map}, {transform_indices = #map1}, {transform_indices = #map1}, {transform_indices = #map}]} {
    %mul3A = arith.constant 2 : i32
    %mul3A_0 = arith.muli %arg1, %mul3A : i32
    %add3A = arith.addi %mul3A_0, %arg0 : i32
    %mul3A_1 = arith.constant 640 : i32
    %mul3A_2 = arith.muli %arg1, %mul3A_1 : i32
    %mul3A_3 = arith.constant 640 : i32
    %mul3A_4 = arith.muli %arg1, %mul3A_3 : i32
    "tpu.region"() ({
      %run_scoped3A_93 = tpu.sem_alloc : memref<!tpu.dma_semaphore, #tpu.memory_space<semaphore_mem>>
      %dma_start3A_94 = tpu.memref_slice %arg12[%mul3A_4] : memref<10240xf32, #tpu.memory_space<vmem_shared>> -> memref<640xf32, #tpu.memory_space<vmem_shared>>
      %dma_start3A_95 = tpu.memref_slice %arg4[%mul3A_2] : memref<10240xf32, #tpu.memory_space<hbm>> -> memref<640xf32, #tpu.memory_space<hbm>>
      tpu.enqueue_dma source(%dma_start3A_95 : memref<640xf32, #tpu.memory_space<hbm>>) target(%dma_start3A_94 : memref<640xf32, #tpu.memory_space<vmem_shared>>) target_semaphore(%run_scoped3A_93 : memref<!tpu.dma_semaphore, #tpu.memory_space<semaphore_mem>>)
      %dma_wait3A_96 = tpu.memref_slice %arg12[%mul3A_4] : memref<10240xf32, #tpu.memory_space<vmem_shared>> -> memref<640xf32, #tpu.memory_space<vmem_shared>>
      %dma_wait3A_97 = tpu.memref_slice %arg4[%mul3A_2] : memref<10240xf32, #tpu.memory_space<hbm>> -> memref<640xf32, #tpu.memory_space<hbm>>
      tpu.wait_dma2 semaphore(%run_scoped3A_93 : memref<!tpu.dma_semaphore, #tpu.memory_space<semaphore_mem>>) src(%dma_wait3A_97 : memref<640xf32, #tpu.memory_space<hbm>>) dst(%dma_wait3A_96 : memref<640xf32, #tpu.memory_space<vmem_shared>>)
      tpu.yield
    }) : () -> ()
    "tpu.region"() ({
      %run_scoped3A_93 = tpu.sem_alloc : memref<!tpu.dma_semaphore, #tpu.memory_space<semaphore_mem>>
      tpu.enqueue_dma source(%arg3 : memref<10000xf32, #tpu.memory_space<hbm>>) target(%arg11 : memref<10000xf32, #tpu.memory_space<vmem>>) target_semaphore(%run_scoped3A_93 : memref<!tpu.dma_semaphore, #tpu.memory_space<semaphore_mem>>)
      tpu.wait_dma2 semaphore(%run_scoped3A_93 : memref<!tpu.dma_semaphore, #tpu.memory_space<semaphore_mem>>) src(%arg3 : memref<10000xf32, #tpu.memory_space<hbm>>) dst(%arg11 : memref<10000xf32, #tpu.memory_space<vmem>>)
      tpu.yield
    }) : () -> ()
    %barrier3A = arith.constant 0 : index
    tpu.barrier barrier_id(%barrier3A)
    %mul3A_5 = arith.constant 10000 : i32
    %mul3A_6 = arith.muli %add3A, %mul3A_5 : i32
    %add3A_7 = arith.constant 0 : i32
    %add3A_8 = arith.addi %mul3A_6, %add3A_7 : i32
    %run_scoped3A = arith.constant 0 : i32
    "tpu.region"() ({
      %run_scoped3A_93 = tpu.sem_alloc : memref<!tpu.dma_semaphore, #tpu.memory_space<semaphore_mem>>
      %dma_start3A_94 = tpu.memref_slice %arg2[%run_scoped3A, %add3A_8] : memref<2x320000xi32, #tpu.memory_space<hbm>> -> memref<1x2000xi32, #tpu.memory_space<hbm>>
      %dma_start3A_95 = tpu.memref_squeeze %dma_start3A_94 : memref<1x2000xi32, #tpu.memory_space<hbm>> -> memref<2000xi32, #tpu.memory_space<hbm>>
      %dma_start3A_96 = tpu.memref_slice %arg2[%run_scoped3A, %add3A_8] : memref<2x320000xi32, #tpu.memory_space<hbm>> -> memref<1x2000xi32, #tpu.memory_space<hbm>>
      %dma_start3A_97 = tpu.memref_squeeze %dma_start3A_96 : memref<1x2000xi32, #tpu.memory_space<hbm>> -> memref<2000xi32, #tpu.memory_space<hbm>>
      tpu.enqueue_dma source(%dma_start3A_97 : memref<2000xi32, #tpu.memory_space<hbm>>) target(%arg6 : memref<2000xi32, #tpu.memory_space<vmem>>) target_semaphore(%run_scoped3A_93 : memref<!tpu.dma_semaphore, #tpu.memory_space<semaphore_mem>>)
      %dma_wait3A_98 = tpu.memref_slice %arg2[%run_scoped3A, %add3A_8] : memref<2x320000xi32, #tpu.memory_space<hbm>> -> memref<1x2000xi32, #tpu.memory_space<hbm>>
      %dma_wait3A_99 = tpu.memref_squeeze %dma_wait3A_98 : memref<1x2000xi32, #tpu.memory_space<hbm>> -> memref<2000xi32, #tpu.memory_space<hbm>>
      %dma_wait3A_100 = tpu.memref_slice %arg2[%run_scoped3A, %add3A_8] : memref<2x320000xi32, #tpu.memory_space<hbm>> -> memref<1x2000xi32, #tpu.memory_space<hbm>>
      %dma_wait3A_101 = tpu.memref_squeeze %dma_wait3A_100 : memref<1x2000xi32, #tpu.memory_space<hbm>> -> memref<2000xi32, #tpu.memory_space<hbm>>
      tpu.wait_dma2 semaphore(%run_scoped3A_93 : memref<!tpu.dma_semaphore, #tpu.memory_space<semaphore_mem>>) src(%dma_wait3A_101 : memref<2000xi32, #tpu.memory_space<hbm>>) dst(%arg6 : memref<2000xi32, #tpu.memory_space<vmem>>)
      tpu.yield
    }) : () -> ()
    %add3A_9 = arith.constant 0 : i32
    %add3A_10 = arith.addi %mul3A_6, %add3A_9 : i32
    %run_scoped3A_11 = arith.constant 1 : i32
    "tpu.region"() ({
      %run_scoped3A_93 = tpu.sem_alloc : memref<!tpu.dma_semaphore, #tpu.memory_space<semaphore_mem>>
      %dma_start3A_94 = tpu.memref_slice %arg2[%run_scoped3A_11, %add3A_10] : memref<2x320000xi32, #tpu.memory_space<hbm>> -> memref<1x2000xi32, #tpu.memory_space<hbm>>
      %dma_start3A_95 = tpu.memref_squeeze %dma_start3A_94 : memref<1x2000xi32, #tpu.memory_space<hbm>> -> memref<2000xi32, #tpu.memory_space<hbm>>
      %dma_start3A_96 = tpu.memref_slice %arg2[%run_scoped3A_11, %add3A_10] : memref<2x320000xi32, #tpu.memory_space<hbm>> -> memref<1x2000xi32, #tpu.memory_space<hbm>>
      %dma_start3A_97 = tpu.memref_squeeze %dma_start3A_96 : memref<1x2000xi32, #tpu.memory_space<hbm>> -> memref<2000xi32, #tpu.memory_space<hbm>>
      tpu.enqueue_dma source(%dma_start3A_97 : memref<2000xi32, #tpu.memory_space<hbm>>) target(%arg7 : memref<2000xi32, #tpu.memory_space<vmem>>) target_semaphore(%run_scoped3A_93 : memref<!tpu.dma_semaphore, #tpu.memory_space<semaphore_mem>>)
      %dma_wait3A_98 = tpu.memref_slice %arg2[%run_scoped3A_11, %add3A_10] : memref<2x320000xi32, #tpu.memory_space<hbm>> -> memref<1x2000xi32, #tpu.memory_space<hbm>>
      %dma_wait3A_99 = tpu.memref_squeeze %dma_wait3A_98 : memref<1x2000xi32, #tpu.memory_space<hbm>> -> memref<2000xi32, #tpu.memory_space<hbm>>
      %dma_wait3A_100 = tpu.memref_slice %arg2[%run_scoped3A_11, %add3A_10] : memref<2x320000xi32, #tpu.memory_space<hbm>> -> memref<1x2000xi32, #tpu.memory_space<hbm>>
      %dma_wait3A_101 = tpu.memref_squeeze %dma_wait3A_100 : memref<1x2000xi32, #tpu.memory_space<hbm>> -> memref<2000xi32, #tpu.memory_space<hbm>>
      tpu.wait_dma2 semaphore(%run_scoped3A_93 : memref<!tpu.dma_semaphore, #tpu.memory_space<semaphore_mem>>) src(%dma_wait3A_101 : memref<2000xi32, #tpu.memory_space<hbm>>) dst(%arg7 : memref<2000xi32, #tpu.memory_space<vmem>>)
      tpu.yield
    }) : () -> ()
    %scan3A = arith.constant 0 : i32
    %scan3A_12 = arith.constant 0 : i32
    %scan3A_13 = arith.constant 25 : i32
    %scan3A_14 = arith.addi %scan3A_12, %scan3A_13 : i32
    %scan3A_15 = arith.constant 1 : i32
    %scan3A_16 = scf.for %scan3A_93 = %scan3A_12 to %scan3A_14 step %scan3A_15 iter_args(%scan3A_94 = %scan3A) -> (i32)  : i32 {
      %mul3A_95 = arith.constant 80 : i32
      %mul3A_96 = arith.muli %scan3A_93, %mul3A_95 : i32
      %multiple_of3A = tpu.assume_multiple %mul3A_96, 16 : i32
      %add3A_97 = arith.constant 0 : i32
      %add3A_98 = arith.addi %multiple_of3A, %add3A_97 : i32
      %get3A = arith.index_cast %add3A_98 : i32 to index
      %get3A_99 = tpu.vector_load %arg6[%get3A] {strides = array<i32>} : memref<2000xi32, #tpu.memory_space<vmem>>, vector<16xi32>,
      %gather3A = tpu.vector_load_idx %arg11[%get3A_99] : memref<10000xf32, #tpu.memory_space<vmem>>[vector<16xi32>], vector<16xf32>,
      %swap3A = arith.index_cast %add3A_98 : i32 to index
      %swap3A_100 = tpu.vector_load %arg9[%swap3A] {strides = array<i32>} : memref<2000xf32, #tpu.memory_space<vmem>>, vector<16xf32>,
      tpu.vector_store %arg9[%swap3A], %gather3A {strides = array<i32>} : memref<2000xf32, #tpu.memory_space<vmem>>, vector<16xf32>,
      %add3A_101 = arith.constant 16 : i32
      %add3A_102 = arith.addi %multiple_of3A, %add3A_101 : i32
      %get3A_103 = arith.index_cast %add3A_102 : i32 to index
      %get3A_104 = tpu.vector_load %arg6[%get3A_103] {strides = array<i32>} : memref<2000xi32, #tpu.memory_space<vmem>>, vector<16xi32>,
      %gather3A_105 = tpu.vector_load_idx %arg11[%get3A_104] : memref<10000xf32, #tpu.memory_space<vmem>>[vector<16xi32>], vector<16xf32>,
      %swap3A_106 = arith.index_cast %add3A_102 : i32 to index
      %swap3A_107 = tpu.vector_load %arg9[%swap3A_106] {strides = array<i32>} : memref<2000xf32, #tpu.memory_space<vmem>>, vector<16xf32>,
      tpu.vector_store %arg9[%swap3A_106], %gather3A_105 {strides = array<i32>} : memref<2000xf32, #tpu.memory_space<vmem>>, vector<16xf32>,
      %add3A_108 = arith.constant 32 : i32
      %add3A_109 = arith.addi %multiple_of3A, %add3A_108 : i32
      %get3A_110 = arith.index_cast %add3A_109 : i32 to index
      %get3A_111 = tpu.vector_load %arg6[%get3A_110] {strides = array<i32>} : memref<2000xi32, #tpu.memory_space<vmem>>, vector<16xi32>,
      %gather3A_112 = tpu.vector_load_idx %arg11[%get3A_111] : memref<10000xf32, #tpu.memory_space<vmem>>[vector<16xi32>], vector<16xf32>,
      %swap3A_113 = arith.index_cast %add3A_109 : i32 to index
      %swap3A_114 = tpu.vector_load %arg9[%swap3A_113] {strides = array<i32>} : memref<2000xf32, #tpu.memory_space<vmem>>, vector<16xf32>,
      tpu.vector_store %arg9[%swap3A_113], %gather3A_112 {strides = array<i32>} : memref<2000xf32, #tpu.memory_space<vmem>>, vector<16xf32>,
      %add3A_115 = arith.constant 48 : i32
      %add3A_116 = arith.addi %multiple_of3A, %add3A_115 : i32
      %get3A_117 = arith.index_cast %add3A_116 : i32 to index
      %get3A_118 = tpu.vector_load %arg6[%get3A_117] {strides = array<i32>} : memref<2000xi32, #tpu.memory_space<vmem>>, vector<16xi32>,
      %gather3A_119 = tpu.vector_load_idx %arg11[%get3A_118] : memref<10000xf32, #tpu.memory_space<vmem>>[vector<16xi32>], vector<16xf32>,
      %swap3A_120 = arith.index_cast %add3A_116 : i32 to index
      %swap3A_121 = tpu.vector_load %arg9[%swap3A_120] {strides = array<i32>} : memref<2000xf32, #tpu.memory_space<vmem>>, vector<16xf32>,
      tpu.vector_store %arg9[%swap3A_120], %gather3A_119 {strides = array<i32>} : memref<2000xf32, #tpu.memory_space<vmem>>, vector<16xf32>,
      %add3A_122 = arith.constant 64 : i32
      %add3A_123 = arith.addi %multiple_of3A, %add3A_122 : i32
      %get3A_124 = arith.index_cast %add3A_123 : i32 to index
      %get3A_125 = tpu.vector_load %arg6[%get3A_124] {strides = array<i32>} : memref<2000xi32, #tpu.memory_space<vmem>>, vector<16xi32>,
      %gather3A_126 = tpu.vector_load_idx %arg11[%get3A_125] : memref<10000xf32, #tpu.memory_space<vmem>>[vector<16xi32>], vector<16xf32>,
      %swap3A_127 = arith.index_cast %add3A_123 : i32 to index
      %swap3A_128 = tpu.vector_load %arg9[%swap3A_127] {strides = array<i32>} : memref<2000xf32, #tpu.memory_space<vmem>>, vector<16xf32>,
      tpu.vector_store %arg9[%swap3A_127], %gather3A_126 {strides = array<i32>} : memref<2000xf32, #tpu.memory_space<vmem>>, vector<16xf32>,
      %scan3A_129 = arith.constant 0 : i32
      scf.yield %scan3A_129 : i32
    }
    %scan3A_17 = arith.constant 25 : i32
    %dma_start3A = arith.constant 0 : i32
    %dma_start3A_18 = tpu.memref_slice %arg12[%dma_start3A] : memref<10240xf32, #tpu.memory_space<vmem_shared>> -> memref<10240xf32, #tpu.memory_space<vmem_shared>>
    tpu.enqueue_indirect_dma source(%arg9 : memref<2000xf32, #tpu.memory_space<vmem>>) target(%dma_start3A_18 : memref<10240xf32, #tpu.memory_space<vmem_shared>>) offsets(%arg7 : memref<2000xi32, #tpu.memory_space<vmem>>) semaphore(%arg13 : memref<!tpu.dma_semaphore, #tpu.memory_space<semaphore_mem>>) {add = true}
    %add3A_19 = arith.constant 2000 : i32
    %add3A_20 = arith.addi %mul3A_6, %add3A_19 : i32
    %run_scoped3A_21 = arith.constant 0 : i32
    "tpu.region"() ({
      %run_scoped3A_93 = tpu.sem_alloc : memref<!tpu.dma_semaphore, #tpu.memory_space<semaphore_mem>>
      %dma_start3A_94 = tpu.memref_slice %arg2[%run_scoped3A_21, %add3A_20] : memref<2x320000xi32, #tpu.memory_space<hbm>> -> memref<1x2000xi32, #tpu.memory_space<hbm>>
      %dma_start3A_95 = tpu.memref_squeeze %dma_start3A_94 : memref<1x2000xi32, #tpu.memory_space<hbm>> -> memref<2000xi32, #tpu.memory_space<hbm>>
      %dma_start3A_96 = tpu.memref_slice %arg2[%run_scoped3A_21, %add3A_20] : memref<2x320000xi32, #tpu.memory_space<hbm>> -> memref<1x2000xi32, #tpu.memory_space<hbm>>
      %dma_start3A_97 = tpu.memref_squeeze %dma_start3A_96 : memref<1x2000xi32, #tpu.memory_space<hbm>> -> memref<2000xi32, #tpu.memory_space<hbm>>
      tpu.enqueue_dma source(%dma_start3A_97 : memref<2000xi32, #tpu.memory_space<hbm>>) target(%arg6 : memref<2000xi32, #tpu.memory_space<vmem>>) target_semaphore(%run_scoped3A_93 : memref<!tpu.dma_semaphore, #tpu.memory_space<semaphore_mem>>)
      %dma_wait3A_98 = tpu.memref_slice %arg2[%run_scoped3A_21, %add3A_20] : memref<2x320000xi32, #tpu.memory_space<hbm>> -> memref<1x2000xi32, #tpu.memory_space<hbm>>
      %dma_wait3A_99 = tpu.memref_squeeze %dma_wait3A_98 : memref<1x2000xi32, #tpu.memory_space<hbm>> -> memref<2000xi32, #tpu.memory_space<hbm>>
      %dma_wait3A_100 = tpu.memref_slice %arg2[%run_scoped3A_21, %add3A_20] : memref<2x320000xi32, #tpu.memory_space<hbm>> -> memref<1x2000xi32, #tpu.memory_space<hbm>>
      %dma_wait3A_101 = tpu.memref_squeeze %dma_wait3A_100 : memref<1x2000xi32, #tpu.memory_space<hbm>> -> memref<2000xi32, #tpu.memory_space<hbm>>
      tpu.wait_dma2 semaphore(%run_scoped3A_93 : memref<!tpu.dma_semaphore, #tpu.memory_space<semaphore_mem>>) src(%dma_wait3A_101 : memref<2000xi32, #tpu.memory_space<hbm>>) dst(%arg6 : memref<2000xi32, #tpu.memory_space<vmem>>)
      tpu.yield
    }) : () -> ()
    %add3A_22 = arith.constant 2000 : i32
    %add3A_23 = arith.addi %mul3A_6, %add3A_22 : i32
    %run_scoped3A_24 = arith.constant 1 : i32
    "tpu.region"() ({
      %run_scoped3A_93 = tpu.sem_alloc : memref<!tpu.dma_semaphore, #tpu.memory_space<semaphore_mem>>
      %dma_start3A_94 = tpu.memref_slice %arg2[%run_scoped3A_24, %add3A_23] : memref<2x320000xi32, #tpu.memory_space<hbm>> -> memref<1x2000xi32, #tpu.memory_space<hbm>>
      %dma_start3A_95 = tpu.memref_squeeze %dma_start3A_94 : memref<1x2000xi32, #tpu.memory_space<hbm>> -> memref<2000xi32, #tpu.memory_space<hbm>>
      %dma_start3A_96 = tpu.memref_slice %arg2[%run_scoped3A_24, %add3A_23] : memref<2x320000xi32, #tpu.memory_space<hbm>> -> memref<1x2000xi32, #tpu.memory_space<hbm>>
      %dma_start3A_97 = tpu.memref_squeeze %dma_start3A_96 : memref<1x2000xi32, #tpu.memory_space<hbm>> -> memref<2000xi32, #tpu.memory_space<hbm>>
      tpu.enqueue_dma source(%dma_start3A_97 : memref<2000xi32, #tpu.memory_space<hbm>>) target(%arg8 : memref<2000xi32, #tpu.memory_space<vmem>>) target_semaphore(%run_scoped3A_93 : memref<!tpu.dma_semaphore, #tpu.memory_space<semaphore_mem>>)
      %dma_wait3A_98 = tpu.memref_slice %arg2[%run_scoped3A_24, %add3A_23] : memref<2x320000xi32, #tpu.memory_space<hbm>> -> memref<1x2000xi32, #tpu.memory_space<hbm>>
      %dma_wait3A_99 = tpu.memref_squeeze %dma_wait3A_98 : memref<1x2000xi32, #tpu.memory_space<hbm>> -> memref<2000xi32, #tpu.memory_space<hbm>>
      %dma_wait3A_100 = tpu.memref_slice %arg2[%run_scoped3A_24, %add3A_23] : memref<2x320000xi32, #tpu.memory_space<hbm>> -> memref<1x2000xi32, #tpu.memory_space<hbm>>
      %dma_wait3A_101 = tpu.memref_squeeze %dma_wait3A_100 : memref<1x2000xi32, #tpu.memory_space<hbm>> -> memref<2000xi32, #tpu.memory_space<hbm>>
      tpu.wait_dma2 semaphore(%run_scoped3A_93 : memref<!tpu.dma_semaphore, #tpu.memory_space<semaphore_mem>>) src(%dma_wait3A_101 : memref<2000xi32, #tpu.memory_space<hbm>>) dst(%arg8 : memref<2000xi32, #tpu.memory_space<vmem>>)
      tpu.yield
    }) : () -> ()
    %scan3A_25 = arith.constant 0 : i32
    %scan3A_26 = arith.constant 0 : i32
    %scan3A_27 = arith.constant 25 : i32
    %scan3A_28 = arith.addi %scan3A_26, %scan3A_27 : i32
    %scan3A_29 = arith.constant 1 : i32
    %scan3A_30 = scf.for %scan3A_93 = %scan3A_26 to %scan3A_28 step %scan3A_29 iter_args(%scan3A_94 = %scan3A_25) -> (i32)  : i32 {
      %mul3A_95 = arith.constant 80 : i32
      %mul3A_96 = arith.muli %scan3A_93, %mul3A_95 : i32
      %multiple_of3A = tpu.assume_multiple %mul3A_96, 16 : i32
      %add3A_97 = arith.constant 0 : i32
      %add3A_98 = arith.addi %multiple_of3A, %add3A_97 : i32
      %get3A = arith.index_cast %add3A_98 : i32 to index
      %get3A_99 = tpu.vector_load %arg6[%get3A] {strides = array<i32>} : memref<2000xi32, #tpu.memory_space<vmem>>, vector<16xi32>,
      %gather3A = tpu.vector_load_idx %arg11[%get3A_99] : memref<10000xf32, #tpu.memory_space<vmem>>[vector<16xi32>], vector<16xf32>,
      %swap3A = arith.index_cast %add3A_98 : i32 to index
      %swap3A_100 = tpu.vector_load %arg10[%swap3A] {strides = array<i32>} : memref<2000xf32, #tpu.memory_space<vmem>>, vector<16xf32>,
      tpu.vector_store %arg10[%swap3A], %gather3A {strides = array<i32>} : memref<2000xf32, #tpu.memory_space<vmem>>, vector<16xf32>,
      %add3A_101 = arith.constant 16 : i32
      %add3A_102 = arith.addi %multiple_of3A, %add3A_101 : i32
      %get3A_103 = arith.index_cast %add3A_102 : i32 to index
      %get3A_104 = tpu.vector_load %arg6[%get3A_103] {strides = array<i32>} : memref<2000xi32, #tpu.memory_space<vmem>>, vector<16xi32>,
      %gather3A_105 = tpu.vector_load_idx %arg11[%get3A_104] : memref<10000xf32, #tpu.memory_space<vmem>>[vector<16xi32>], vector<16xf32>,
      %swap3A_106 = arith.index_cast %add3A_102 : i32 to index
      %swap3A_107 = tpu.vector_load %arg10[%swap3A_106] {strides = array<i32>} : memref<2000xf32, #tpu.memory_space<vmem>>, vector<16xf32>,
      tpu.vector_store %arg10[%swap3A_106], %gather3A_105 {strides = array<i32>} : memref<2000xf32, #tpu.memory_space<vmem>>, vector<16xf32>,
      %add3A_108 = arith.constant 32 : i32
      %add3A_109 = arith.addi %multiple_of3A, %add3A_108 : i32
      %get3A_110 = arith.index_cast %add3A_109 : i32 to index
      %get3A_111 = tpu.vector_load %arg6[%get3A_110] {strides = array<i32>} : memref<2000xi32, #tpu.memory_space<vmem>>, vector<16xi32>,
      %gather3A_112 = tpu.vector_load_idx %arg11[%get3A_111] : memref<10000xf32, #tpu.memory_space<vmem>>[vector<16xi32>], vector<16xf32>,
      %swap3A_113 = arith.index_cast %add3A_109 : i32 to index
      %swap3A_114 = tpu.vector_load %arg10[%swap3A_113] {strides = array<i32>} : memref<2000xf32, #tpu.memory_space<vmem>>, vector<16xf32>,
      tpu.vector_store %arg10[%swap3A_113], %gather3A_112 {strides = array<i32>} : memref<2000xf32, #tpu.memory_space<vmem>>, vector<16xf32>,
      %add3A_115 = arith.constant 48 : i32
      %add3A_116 = arith.addi %multiple_of3A, %add3A_115 : i32
      %get3A_117 = arith.index_cast %add3A_116 : i32 to index
      %get3A_118 = tpu.vector_load %arg6[%get3A_117] {strides = array<i32>} : memref<2000xi32, #tpu.memory_space<vmem>>, vector<16xi32>,
      %gather3A_119 = tpu.vector_load_idx %arg11[%get3A_118] : memref<10000xf32, #tpu.memory_space<vmem>>[vector<16xi32>], vector<16xf32>,
      %swap3A_120 = arith.index_cast %add3A_116 : i32 to index
      %swap3A_121 = tpu.vector_load %arg10[%swap3A_120] {strides = array<i32>} : memref<2000xf32, #tpu.memory_space<vmem>>, vector<16xf32>,
      tpu.vector_store %arg10[%swap3A_120], %gather3A_119 {strides = array<i32>} : memref<2000xf32, #tpu.memory_space<vmem>>, vector<16xf32>,
      %add3A_122 = arith.constant 64 : i32
      %add3A_123 = arith.addi %multiple_of3A, %add3A_122 : i32
      %get3A_124 = arith.index_cast %add3A_123 : i32 to index
      %get3A_125 = tpu.vector_load %arg6[%get3A_124] {strides = array<i32>} : memref<2000xi32, #tpu.memory_space<vmem>>, vector<16xi32>,
      %gather3A_126 = tpu.vector_load_idx %arg11[%get3A_125] : memref<10000xf32, #tpu.memory_space<vmem>>[vector<16xi32>], vector<16xf32>,
      %swap3A_127 = arith.index_cast %add3A_123 : i32 to index
      %swap3A_128 = tpu.vector_load %arg10[%swap3A_127] {strides = array<i32>} : memref<2000xf32, #tpu.memory_space<vmem>>, vector<16xf32>,
      tpu.vector_store %arg10[%swap3A_127], %gather3A_126 {strides = array<i32>} : memref<2000xf32, #tpu.memory_space<vmem>>, vector<16xf32>,
      %scan3A_129 = arith.constant 0 : i32
      scf.yield %scan3A_129 : i32
    }
    %scan3A_31 = arith.constant 25 : i32
    %dma_start3A_32 = arith.constant 0 : i32
    %dma_start3A_33 = tpu.memref_slice %arg12[%dma_start3A_32] : memref<10240xf32, #tpu.memory_space<vmem_shared>> -> memref<10240xf32, #tpu.memory_space<vmem_shared>>
    tpu.enqueue_indirect_dma source(%arg10 : memref<2000xf32, #tpu.memory_space<vmem>>) target(%dma_start3A_33 : memref<10240xf32, #tpu.memory_space<vmem_shared>>) offsets(%arg8 : memref<2000xi32, #tpu.memory_space<vmem>>) semaphore(%arg14 : memref<!tpu.dma_semaphore, #tpu.memory_space<semaphore_mem>>) {add = true}
    %add3A_34 = arith.constant 4000 : i32
    %add3A_35 = arith.addi %mul3A_6, %add3A_34 : i32
    %run_scoped3A_36 = arith.constant 0 : i32
    "tpu.region"() ({
      %run_scoped3A_93 = tpu.sem_alloc : memref<!tpu.dma_semaphore, #tpu.memory_space<semaphore_mem>>
      %dma_start3A_94 = tpu.memref_slice %arg2[%run_scoped3A_36, %add3A_35] : memref<2x320000xi32, #tpu.memory_space<hbm>> -> memref<1x2000xi32, #tpu.memory_space<hbm>>
      %dma_start3A_95 = tpu.memref_squeeze %dma_start3A_94 : memref<1x2000xi32, #tpu.memory_space<hbm>> -> memref<2000xi32, #tpu.memory_space<hbm>>
      %dma_start3A_96 = tpu.memref_slice %arg2[%run_scoped3A_36, %add3A_35] : memref<2x320000xi32, #tpu.memory_space<hbm>> -> memref<1x2000xi32, #tpu.memory_space<hbm>>
      %dma_start3A_97 = tpu.memref_squeeze %dma_start3A_96 : memref<1x2000xi32, #tpu.memory_space<hbm>> -> memref<2000xi32, #tpu.memory_space<hbm>>
      tpu.enqueue_dma source(%dma_start3A_97 : memref<2000xi32, #tpu.memory_space<hbm>>) target(%arg6 : memref<2000xi32, #tpu.memory_space<vmem>>) target_semaphore(%run_scoped3A_93 : memref<!tpu.dma_semaphore, #tpu.memory_space<semaphore_mem>>)
      %dma_wait3A_98 = tpu.memref_slice %arg2[%run_scoped3A_36, %add3A_35] : memref<2x320000xi32, #tpu.memory_space<hbm>> -> memref<1x2000xi32, #tpu.memory_space<hbm>>
      %dma_wait3A_99 = tpu.memref_squeeze %dma_wait3A_98 : memref<1x2000xi32, #tpu.memory_space<hbm>> -> memref<2000xi32, #tpu.memory_space<hbm>>
      %dma_wait3A_100 = tpu.memref_slice %arg2[%run_scoped3A_36, %add3A_35] : memref<2x320000xi32, #tpu.memory_space<hbm>> -> memref<1x2000xi32, #tpu.memory_space<hbm>>
      %dma_wait3A_101 = tpu.memref_squeeze %dma_wait3A_100 : memref<1x2000xi32, #tpu.memory_space<hbm>> -> memref<2000xi32, #tpu.memory_space<hbm>>
      tpu.wait_dma2 semaphore(%run_scoped3A_93 : memref<!tpu.dma_semaphore, #tpu.memory_space<semaphore_mem>>) src(%dma_wait3A_101 : memref<2000xi32, #tpu.memory_space<hbm>>) dst(%arg6 : memref<2000xi32, #tpu.memory_space<vmem>>)
      tpu.yield
    }) : () -> ()
    %dma_wait3A = arith.constant 0 : i32
    %dma_wait3A_37 = tpu.memref_slice %arg12[%dma_wait3A] : memref<10240xf32, #tpu.memory_space<vmem_shared>> -> memref<10240xf32, #tpu.memory_space<vmem_shared>>
    tpu.wait_indirect_dma semaphore(%arg13 : memref<!tpu.dma_semaphore, #tpu.memory_space<semaphore_mem>>) src(%arg9 : memref<2000xf32, #tpu.memory_space<vmem>>) dst(%dma_wait3A_37 : memref<10240xf32, #tpu.memory_space<vmem_shared>>)
    %add3A_38 = arith.constant 4000 : i32
    %add3A_39 = arith.addi %mul3A_6, %add3A_38 : i32
    %run_scoped3A_40 = arith.constant 1 : i32
    "tpu.region"() ({
      %run_scoped3A_93 = tpu.sem_alloc : memref<!tpu.dma_semaphore, #tpu.memory_space<semaphore_mem>>
      %dma_start3A_94 = tpu.memref_slice %arg2[%run_scoped3A_40, %add3A_39] : memref<2x320000xi32, #tpu.memory_space<hbm>> -> memref<1x2000xi32, #tpu.memory_space<hbm>>
      %dma_start3A_95 = tpu.memref_squeeze %dma_start3A_94 : memref<1x2000xi32, #tpu.memory_space<hbm>> -> memref<2000xi32, #tpu.memory_space<hbm>>
      %dma_start3A_96 = tpu.memref_slice %arg2[%run_scoped3A_40, %add3A_39] : memref<2x320000xi32, #tpu.memory_space<hbm>> -> memref<1x2000xi32, #tpu.memory_space<hbm>>
      %dma_start3A_97 = tpu.memref_squeeze %dma_start3A_96 : memref<1x2000xi32, #tpu.memory_space<hbm>> -> memref<2000xi32, #tpu.memory_space<hbm>>
      tpu.enqueue_dma source(%dma_start3A_97 : memref<2000xi32, #tpu.memory_space<hbm>>) target(%arg7 : memref<2000xi32, #tpu.memory_space<vmem>>) target_semaphore(%run_scoped3A_93 : memref<!tpu.dma_semaphore, #tpu.memory_space<semaphore_mem>>)
      %dma_wait3A_98 = tpu.memref_slice %arg2[%run_scoped3A_40, %add3A_39] : memref<2x320000xi32, #tpu.memory_space<hbm>> -> memref<1x2000xi32, #tpu.memory_space<hbm>>
      %dma_wait3A_99 = tpu.memref_squeeze %dma_wait3A_98 : memref<1x2000xi32, #tpu.memory_space<hbm>> -> memref<2000xi32, #tpu.memory_space<hbm>>
      %dma_wait3A_100 = tpu.memref_slice %arg2[%run_scoped3A_40, %add3A_39] : memref<2x320000xi32, #tpu.memory_space<hbm>> -> memref<1x2000xi32, #tpu.memory_space<hbm>>
      %dma_wait3A_101 = tpu.memref_squeeze %dma_wait3A_100 : memref<1x2000xi32, #tpu.memory_space<hbm>> -> memref<2000xi32, #tpu.memory_space<hbm>>
      tpu.wait_dma2 semaphore(%run_scoped3A_93 : memref<!tpu.dma_semaphore, #tpu.memory_space<semaphore_mem>>) src(%dma_wait3A_101 : memref<2000xi32, #tpu.memory_space<hbm>>) dst(%arg7 : memref<2000xi32, #tpu.memory_space<vmem>>)
      tpu.yield
    }) : () -> ()
    %scan3A_41 = arith.constant 0 : i32
    %scan3A_42 = arith.constant 0 : i32
    %scan3A_43 = arith.constant 25 : i32
    %scan3A_44 = arith.addi %scan3A_42, %scan3A_43 : i32
    %scan3A_45 = arith.constant 1 : i32
    %scan3A_46 = scf.for %scan3A_93 = %scan3A_42 to %scan3A_44 step %scan3A_45 iter_args(%scan3A_94 = %scan3A_41) -> (i32)  : i32 {
      %mul3A_95 = arith.constant 80 : i32
      %mul3A_96 = arith.muli %scan3A_93, %mul3A_95 : i32
      %multiple_of3A = tpu.assume_multiple %mul3A_96, 16 : i32
      %add3A_97 = arith.constant 0 : i32
      %add3A_98 = arith.addi %multiple_of3A, %add3A_97 : i32
      %get3A = arith.index_cast %add3A_98 : i32 to index
      %get3A_99 = tpu.vector_load %arg6[%get3A] {strides = array<i32>} : memref<2000xi32, #tpu.memory_space<vmem>>, vector<16xi32>,
      %gather3A = tpu.vector_load_idx %arg11[%get3A_99] : memref<10000xf32, #tpu.memory_space<vmem>>[vector<16xi32>], vector<16xf32>,
      %swap3A = arith.index_cast %add3A_98 : i32 to index
      %swap3A_100 = tpu.vector_load %arg9[%swap3A] {strides = array<i32>} : memref<2000xf32, #tpu.memory_space<vmem>>, vector<16xf32>,
      tpu.vector_store %arg9[%swap3A], %gather3A {strides = array<i32>} : memref<2000xf32, #tpu.memory_space<vmem>>, vector<16xf32>,
      %add3A_101 = arith.constant 16 : i32
      %add3A_102 = arith.addi %multiple_of3A, %add3A_101 : i32
      %get3A_103 = arith.index_cast %add3A_102 : i32 to index
      %get3A_104 = tpu.vector_load %arg6[%get3A_103] {strides = array<i32>} : memref<2000xi32, #tpu.memory_space<vmem>>, vector<16xi32>,
      %gather3A_105 = tpu.vector_load_idx %arg11[%get3A_104] : memref<10000xf32, #tpu.memory_space<vmem>>[vector<16xi32>], vector<16xf32>,
      %swap3A_106 = arith.index_cast %add3A_102 : i32 to index
      %swap3A_107 = tpu.vector_load %arg9[%swap3A_106] {strides = array<i32>} : memref<2000xf32, #tpu.memory_space<vmem>>, vector<16xf32>,
      tpu.vector_store %arg9[%swap3A_106], %gather3A_105 {strides = array<i32>} : memref<2000xf32, #tpu.memory_space<vmem>>, vector<16xf32>,
      %add3A_108 = arith.constant 32 : i32
      %add3A_109 = arith.addi %multiple_of3A, %add3A_108 : i32
      %get3A_110 = arith.index_cast %add3A_109 : i32 to index
      %get3A_111 = tpu.vector_load %arg6[%get3A_110] {strides = array<i32>} : memref<2000xi32, #tpu.memory_space<vmem>>, vector<16xi32>,
      %gather3A_112 = tpu.vector_load_idx %arg11[%get3A_111] : memref<10000xf32, #tpu.memory_space<vmem>>[vector<16xi32>], vector<16xf32>,
      %swap3A_113 = arith.index_cast %add3A_109 : i32 to index
      %swap3A_114 = tpu.vector_load %arg9[%swap3A_113] {strides = array<i32>} : memref<2000xf32, #tpu.memory_space<vmem>>, vector<16xf32>,
      tpu.vector_store %arg9[%swap3A_113], %gather3A_112 {strides = array<i32>} : memref<2000xf32, #tpu.memory_space<vmem>>, vector<16xf32>,
      %add3A_115 = arith.constant 48 : i32
      %add3A_116 = arith.addi %multiple_of3A, %add3A_115 : i32
      %get3A_117 = arith.index_cast %add3A_116 : i32 to index
      %get3A_118 = tpu.vector_load %arg6[%get3A_117] {strides = array<i32>} : memref<2000xi32, #tpu.memory_space<vmem>>, vector<16xi32>,
      %gather3A_119 = tpu.vector_load_idx %arg11[%get3A_118] : memref<10000xf32, #tpu.memory_space<vmem>>[vector<16xi32>], vector<16xf32>,
      %swap3A_120 = arith.index_cast %add3A_116 : i32 to index
      %swap3A_121 = tpu.vector_load %arg9[%swap3A_120] {strides = array<i32>} : memref<2000xf32, #tpu.memory_space<vmem>>, vector<16xf32>,
      tpu.vector_store %arg9[%swap3A_120], %gather3A_119 {strides = array<i32>} : memref<2000xf32, #tpu.memory_space<vmem>>, vector<16xf32>,
      %add3A_122 = arith.constant 64 : i32
      %add3A_123 = arith.addi %multiple_of3A, %add3A_122 : i32
      %get3A_124 = arith.index_cast %add3A_123 : i32 to index
      %get3A_125 = tpu.vector_load %arg6[%get3A_124] {strides = array<i32>} : memref<2000xi32, #tpu.memory_space<vmem>>, vector<16xi32>,
      %gather3A_126 = tpu.vector_load_idx %arg11[%get3A_125] : memref<10000xf32, #tpu.memory_space<vmem>>[vector<16xi32>], vector<16xf32>,
      %swap3A_127 = arith.index_cast %add3A_123 : i32 to index
      %swap3A_128 = tpu.vector_load %arg9[%swap3A_127] {strides = array<i32>} : memref<2000xf32, #tpu.memory_space<vmem>>, vector<16xf32>,
      tpu.vector_store %arg9[%swap3A_127], %gather3A_126 {strides = array<i32>} : memref<2000xf32, #tpu.memory_space<vmem>>, vector<16xf32>,
      %scan3A_129 = arith.constant 0 : i32
      scf.yield %scan3A_129 : i32
    }
    %scan3A_47 = arith.constant 25 : i32
    %dma_start3A_48 = arith.constant 0 : i32
    %dma_start3A_49 = tpu.memref_slice %arg12[%dma_start3A_48] : memref<10240xf32, #tpu.memory_space<vmem_shared>> -> memref<10240xf32, #tpu.memory_space<vmem_shared>>
    tpu.enqueue_indirect_dma source(%arg9 : memref<2000xf32, #tpu.memory_space<vmem>>) target(%dma_start3A_49 : memref<10240xf32, #tpu.memory_space<vmem_shared>>) offsets(%arg7 : memref<2000xi32, #tpu.memory_space<vmem>>) semaphore(%arg13 : memref<!tpu.dma_semaphore, #tpu.memory_space<semaphore_mem>>) {add = true}
    %add3A_50 = arith.constant 6000 : i32
    %add3A_51 = arith.addi %mul3A_6, %add3A_50 : i32
    %run_scoped3A_52 = arith.constant 0 : i32
    "tpu.region"() ({
      %run_scoped3A_93 = tpu.sem_alloc : memref<!tpu.dma_semaphore, #tpu.memory_space<semaphore_mem>>
      %dma_start3A_94 = tpu.memref_slice %arg2[%run_scoped3A_52, %add3A_51] : memref<2x320000xi32, #tpu.memory_space<hbm>> -> memref<1x2000xi32, #tpu.memory_space<hbm>>
      %dma_start3A_95 = tpu.memref_squeeze %dma_start3A_94 : memref<1x2000xi32, #tpu.memory_space<hbm>> -> memref<2000xi32, #tpu.memory_space<hbm>>
      %dma_start3A_96 = tpu.memref_slice %arg2[%run_scoped3A_52, %add3A_51] : memref<2x320000xi32, #tpu.memory_space<hbm>> -> memref<1x2000xi32, #tpu.memory_space<hbm>>
      %dma_start3A_97 = tpu.memref_squeeze %dma_start3A_96 : memref<1x2000xi32, #tpu.memory_space<hbm>> -> memref<2000xi32, #tpu.memory_space<hbm>>
      tpu.enqueue_dma source(%dma_start3A_97 : memref<2000xi32, #tpu.memory_space<hbm>>) target(%arg6 : memref<2000xi32, #tpu.memory_space<vmem>>) target_semaphore(%run_scoped3A_93 : memref<!tpu.dma_semaphore, #tpu.memory_space<semaphore_mem>>)
      %dma_wait3A_98 = tpu.memref_slice %arg2[%run_scoped3A_52, %add3A_51] : memref<2x320000xi32, #tpu.memory_space<hbm>> -> memref<1x2000xi32, #tpu.memory_space<hbm>>
      %dma_wait3A_99 = tpu.memref_squeeze %dma_wait3A_98 : memref<1x2000xi32, #tpu.memory_space<hbm>> -> memref<2000xi32, #tpu.memory_space<hbm>>
      %dma_wait3A_100 = tpu.memref_slice %arg2[%run_scoped3A_52, %add3A_51] : memref<2x320000xi32, #tpu.memory_space<hbm>> -> memref<1x2000xi32, #tpu.memory_space<hbm>>
      %dma_wait3A_101 = tpu.memref_squeeze %dma_wait3A_100 : memref<1x2000xi32, #tpu.memory_space<hbm>> -> memref<2000xi32, #tpu.memory_space<hbm>>
      tpu.wait_dma2 semaphore(%run_scoped3A_93 : memref<!tpu.dma_semaphore, #tpu.memory_space<semaphore_mem>>) src(%dma_wait3A_101 : memref<2000xi32, #tpu.memory_space<hbm>>) dst(%arg6 : memref<2000xi32, #tpu.memory_space<vmem>>)
      tpu.yield
    }) : () -> ()
    %dma_wait3A_53 = arith.constant 0 : i32
    %dma_wait3A_54 = tpu.memref_slice %arg12[%dma_wait3A_53] : memref<10240xf32, #tpu.memory_space<vmem_shared>> -> memref<10240xf32, #tpu.memory_space<vmem_shared>>
    tpu.wait_indirect_dma semaphore(%arg14 : memref<!tpu.dma_semaphore, #tpu.memory_space<semaphore_mem>>) src(%arg10 : memref<2000xf32, #tpu.memory_space<vmem>>) dst(%dma_wait3A_54 : memref<10240xf32, #tpu.memory_space<vmem_shared>>)
    %add3A_55 = arith.constant 6000 : i32
    %add3A_56 = arith.addi %mul3A_6, %add3A_55 : i32
    %run_scoped3A_57 = arith.constant 1 : i32
    "tpu.region"() ({
      %run_scoped3A_93 = tpu.sem_alloc : memref<!tpu.dma_semaphore, #tpu.memory_space<semaphore_mem>>
      %dma_start3A_94 = tpu.memref_slice %arg2[%run_scoped3A_57, %add3A_56] : memref<2x320000xi32, #tpu.memory_space<hbm>> -> memref<1x2000xi32, #tpu.memory_space<hbm>>
      %dma_start3A_95 = tpu.memref_squeeze %dma_start3A_94 : memref<1x2000xi32, #tpu.memory_space<hbm>> -> memref<2000xi32, #tpu.memory_space<hbm>>
      %dma_start3A_96 = tpu.memref_slice %arg2[%run_scoped3A_57, %add3A_56] : memref<2x320000xi32, #tpu.memory_space<hbm>> -> memref<1x2000xi32, #tpu.memory_space<hbm>>
      %dma_start3A_97 = tpu.memref_squeeze %dma_start3A_96 : memref<1x2000xi32, #tpu.memory_space<hbm>> -> memref<2000xi32, #tpu.memory_space<hbm>>
      tpu.enqueue_dma source(%dma_start3A_97 : memref<2000xi32, #tpu.memory_space<hbm>>) target(%arg8 : memref<2000xi32, #tpu.memory_space<vmem>>) target_semaphore(%run_scoped3A_93 : memref<!tpu.dma_semaphore, #tpu.memory_space<semaphore_mem>>)
      %dma_wait3A_98 = tpu.memref_slice %arg2[%run_scoped3A_57, %add3A_56] : memref<2x320000xi32, #tpu.memory_space<hbm>> -> memref<1x2000xi32, #tpu.memory_space<hbm>>
      %dma_wait3A_99 = tpu.memref_squeeze %dma_wait3A_98 : memref<1x2000xi32, #tpu.memory_space<hbm>> -> memref<2000xi32, #tpu.memory_space<hbm>>
      %dma_wait3A_100 = tpu.memref_slice %arg2[%run_scoped3A_57, %add3A_56] : memref<2x320000xi32, #tpu.memory_space<hbm>> -> memref<1x2000xi32, #tpu.memory_space<hbm>>
      %dma_wait3A_101 = tpu.memref_squeeze %dma_wait3A_100 : memref<1x2000xi32, #tpu.memory_space<hbm>> -> memref<2000xi32, #tpu.memory_space<hbm>>
      tpu.wait_dma2 semaphore(%run_scoped3A_93 : memref<!tpu.dma_semaphore, #tpu.memory_space<semaphore_mem>>) src(%dma_wait3A_101 : memref<2000xi32, #tpu.memory_space<hbm>>) dst(%arg8 : memref<2000xi32, #tpu.memory_space<vmem>>)
      tpu.yield
    }) : () -> ()
    %scan3A_58 = arith.constant 0 : i32
    %scan3A_59 = arith.constant 0 : i32
    %scan3A_60 = arith.constant 25 : i32
    %scan3A_61 = arith.addi %scan3A_59, %scan3A_60 : i32
    %scan3A_62 = arith.constant 1 : i32
    %scan3A_63 = scf.for %scan3A_93 = %scan3A_59 to %scan3A_61 step %scan3A_62 iter_args(%scan3A_94 = %scan3A_58) -> (i32)  : i32 {
      %mul3A_95 = arith.constant 80 : i32
      %mul3A_96 = arith.muli %scan3A_93, %mul3A_95 : i32
      %multiple_of3A = tpu.assume_multiple %mul3A_96, 16 : i32
      %add3A_97 = arith.constant 0 : i32
      %add3A_98 = arith.addi %multiple_of3A, %add3A_97 : i32
      %get3A = arith.index_cast %add3A_98 : i32 to index
      %get3A_99 = tpu.vector_load %arg6[%get3A] {strides = array<i32>} : memref<2000xi32, #tpu.memory_space<vmem>>, vector<16xi32>,
      %gather3A = tpu.vector_load_idx %arg11[%get3A_99] : memref<10000xf32, #tpu.memory_space<vmem>>[vector<16xi32>], vector<16xf32>,
      %swap3A = arith.index_cast %add3A_98 : i32 to index
      %swap3A_100 = tpu.vector_load %arg10[%swap3A] {strides = array<i32>} : memref<2000xf32, #tpu.memory_space<vmem>>, vector<16xf32>,
      tpu.vector_store %arg10[%swap3A], %gather3A {strides = array<i32>} : memref<2000xf32, #tpu.memory_space<vmem>>, vector<16xf32>,
      %add3A_101 = arith.constant 16 : i32
      %add3A_102 = arith.addi %multiple_of3A, %add3A_101 : i32
      %get3A_103 = arith.index_cast %add3A_102 : i32 to index
      %get3A_104 = tpu.vector_load %arg6[%get3A_103] {strides = array<i32>} : memref<2000xi32, #tpu.memory_space<vmem>>, vector<16xi32>,
      %gather3A_105 = tpu.vector_load_idx %arg11[%get3A_104] : memref<10000xf32, #tpu.memory_space<vmem>>[vector<16xi32>], vector<16xf32>,
      %swap3A_106 = arith.index_cast %add3A_102 : i32 to index
      %swap3A_107 = tpu.vector_load %arg10[%swap3A_106] {strides = array<i32>} : memref<2000xf32, #tpu.memory_space<vmem>>, vector<16xf32>,
      tpu.vector_store %arg10[%swap3A_106], %gather3A_105 {strides = array<i32>} : memref<2000xf32, #tpu.memory_space<vmem>>, vector<16xf32>,
      %add3A_108 = arith.constant 32 : i32
      %add3A_109 = arith.addi %multiple_of3A, %add3A_108 : i32
      %get3A_110 = arith.index_cast %add3A_109 : i32 to index
      %get3A_111 = tpu.vector_load %arg6[%get3A_110] {strides = array<i32>} : memref<2000xi32, #tpu.memory_space<vmem>>, vector<16xi32>,
      %gather3A_112 = tpu.vector_load_idx %arg11[%get3A_111] : memref<10000xf32, #tpu.memory_space<vmem>>[vector<16xi32>], vector<16xf32>,
      %swap3A_113 = arith.index_cast %add3A_109 : i32 to index
      %swap3A_114 = tpu.vector_load %arg10[%swap3A_113] {strides = array<i32>} : memref<2000xf32, #tpu.memory_space<vmem>>, vector<16xf32>,
      tpu.vector_store %arg10[%swap3A_113], %gather3A_112 {strides = array<i32>} : memref<2000xf32, #tpu.memory_space<vmem>>, vector<16xf32>,
      %add3A_115 = arith.constant 48 : i32
      %add3A_116 = arith.addi %multiple_of3A, %add3A_115 : i32
      %get3A_117 = arith.index_cast %add3A_116 : i32 to index
      %get3A_118 = tpu.vector_load %arg6[%get3A_117] {strides = array<i32>} : memref<2000xi32, #tpu.memory_space<vmem>>, vector<16xi32>,
      %gather3A_119 = tpu.vector_load_idx %arg11[%get3A_118] : memref<10000xf32, #tpu.memory_space<vmem>>[vector<16xi32>], vector<16xf32>,
      %swap3A_120 = arith.index_cast %add3A_116 : i32 to index
      %swap3A_121 = tpu.vector_load %arg10[%swap3A_120] {strides = array<i32>} : memref<2000xf32, #tpu.memory_space<vmem>>, vector<16xf32>,
      tpu.vector_store %arg10[%swap3A_120], %gather3A_119 {strides = array<i32>} : memref<2000xf32, #tpu.memory_space<vmem>>, vector<16xf32>,
      %add3A_122 = arith.constant 64 : i32
      %add3A_123 = arith.addi %multiple_of3A, %add3A_122 : i32
      %get3A_124 = arith.index_cast %add3A_123 : i32 to index
      %get3A_125 = tpu.vector_load %arg6[%get3A_124] {strides = array<i32>} : memref<2000xi32, #tpu.memory_space<vmem>>, vector<16xi32>,
      %gather3A_126 = tpu.vector_load_idx %arg11[%get3A_125] : memref<10000xf32, #tpu.memory_space<vmem>>[vector<16xi32>], vector<16xf32>,
      %swap3A_127 = arith.index_cast %add3A_123 : i32 to index
      %swap3A_128 = tpu.vector_load %arg10[%swap3A_127] {strides = array<i32>} : memref<2000xf32, #tpu.memory_space<vmem>>, vector<16xf32>,
      tpu.vector_store %arg10[%swap3A_127], %gather3A_126 {strides = array<i32>} : memref<2000xf32, #tpu.memory_space<vmem>>, vector<16xf32>,
      %scan3A_129 = arith.constant 0 : i32
      scf.yield %scan3A_129 : i32
    }
    %scan3A_64 = arith.constant 25 : i32
    %dma_start3A_65 = arith.constant 0 : i32
    %dma_start3A_66 = tpu.memref_slice %arg12[%dma_start3A_65] : memref<10240xf32, #tpu.memory_space<vmem_shared>> -> memref<10240xf32, #tpu.memory_space<vmem_shared>>
    tpu.enqueue_indirect_dma source(%arg10 : memref<2000xf32, #tpu.memory_space<vmem>>) target(%dma_start3A_66 : memref<10240xf32, #tpu.memory_space<vmem_shared>>) offsets(%arg8 : memref<2000xi32, #tpu.memory_space<vmem>>) semaphore(%arg14 : memref<!tpu.dma_semaphore, #tpu.memory_space<semaphore_mem>>) {add = true}
    %add3A_67 = arith.constant 8000 : i32
    %add3A_68 = arith.addi %mul3A_6, %add3A_67 : i32
    %run_scoped3A_69 = arith.constant 0 : i32
    "tpu.region"() ({
      %run_scoped3A_93 = tpu.sem_alloc : memref<!tpu.dma_semaphore, #tpu.memory_space<semaphore_mem>>
      %dma_start3A_94 = tpu.memref_slice %arg2[%run_scoped3A_69, %add3A_68] : memref<2x320000xi32, #tpu.memory_space<hbm>> -> memref<1x2000xi32, #tpu.memory_space<hbm>>
      %dma_start3A_95 = tpu.memref_squeeze %dma_start3A_94 : memref<1x2000xi32, #tpu.memory_space<hbm>> -> memref<2000xi32, #tpu.memory_space<hbm>>
      %dma_start3A_96 = tpu.memref_slice %arg2[%run_scoped3A_69, %add3A_68] : memref<2x320000xi32, #tpu.memory_space<hbm>> -> memref<1x2000xi32, #tpu.memory_space<hbm>>
      %dma_start3A_97 = tpu.memref_squeeze %dma_start3A_96 : memref<1x2000xi32, #tpu.memory_space<hbm>> -> memref<2000xi32, #tpu.memory_space<hbm>>
      tpu.enqueue_dma source(%dma_start3A_97 : memref<2000xi32, #tpu.memory_space<hbm>>) target(%arg6 : memref<2000xi32, #tpu.memory_space<vmem>>) target_semaphore(%run_scoped3A_93 : memref<!tpu.dma_semaphore, #tpu.memory_space<semaphore_mem>>)
      %dma_wait3A_98 = tpu.memref_slice %arg2[%run_scoped3A_69, %add3A_68] : memref<2x320000xi32, #tpu.memory_space<hbm>> -> memref<1x2000xi32, #tpu.memory_space<hbm>>
      %dma_wait3A_99 = tpu.memref_squeeze %dma_wait3A_98 : memref<1x2000xi32, #tpu.memory_space<hbm>> -> memref<2000xi32, #tpu.memory_space<hbm>>
      %dma_wait3A_100 = tpu.memref_slice %arg2[%run_scoped3A_69, %add3A_68] : memref<2x320000xi32, #tpu.memory_space<hbm>> -> memref<1x2000xi32, #tpu.memory_space<hbm>>
      %dma_wait3A_101 = tpu.memref_squeeze %dma_wait3A_100 : memref<1x2000xi32, #tpu.memory_space<hbm>> -> memref<2000xi32, #tpu.memory_space<hbm>>
      tpu.wait_dma2 semaphore(%run_scoped3A_93 : memref<!tpu.dma_semaphore, #tpu.memory_space<semaphore_mem>>) src(%dma_wait3A_101 : memref<2000xi32, #tpu.memory_space<hbm>>) dst(%arg6 : memref<2000xi32, #tpu.memory_space<vmem>>)
      tpu.yield
    }) : () -> ()
    %dma_wait3A_70 = arith.constant 0 : i32
    %dma_wait3A_71 = tpu.memref_slice %arg12[%dma_wait3A_70] : memref<10240xf32, #tpu.memory_space<vmem_shared>> -> memref<10240xf32, #tpu.memory_space<vmem_shared>>
    tpu.wait_indirect_dma semaphore(%arg13 : memref<!tpu.dma_semaphore, #tpu.memory_space<semaphore_mem>>) src(%arg9 : memref<2000xf32, #tpu.memory_space<vmem>>) dst(%dma_wait3A_71 : memref<10240xf32, #tpu.memory_space<vmem_shared>>)
    %add3A_72 = arith.constant 8000 : i32
    %add3A_73 = arith.addi %mul3A_6, %add3A_72 : i32
    %run_scoped3A_74 = arith.constant 1 : i32
    "tpu.region"() ({
      %run_scoped3A_93 = tpu.sem_alloc : memref<!tpu.dma_semaphore, #tpu.memory_space<semaphore_mem>>
      %dma_start3A_94 = tpu.memref_slice %arg2[%run_scoped3A_74, %add3A_73] : memref<2x320000xi32, #tpu.memory_space<hbm>> -> memref<1x2000xi32, #tpu.memory_space<hbm>>
      %dma_start3A_95 = tpu.memref_squeeze %dma_start3A_94 : memref<1x2000xi32, #tpu.memory_space<hbm>> -> memref<2000xi32, #tpu.memory_space<hbm>>
      %dma_start3A_96 = tpu.memref_slice %arg2[%run_scoped3A_74, %add3A_73] : memref<2x320000xi32, #tpu.memory_space<hbm>> -> memref<1x2000xi32, #tpu.memory_space<hbm>>
      %dma_start3A_97 = tpu.memref_squeeze %dma_start3A_96 : memref<1x2000xi32, #tpu.memory_space<hbm>> -> memref<2000xi32, #tpu.memory_space<hbm>>
      tpu.enqueue_dma source(%dma_start3A_97 : memref<2000xi32, #tpu.memory_space<hbm>>) target(%arg7 : memref<2000xi32, #tpu.memory_space<vmem>>) target_semaphore(%run_scoped3A_93 : memref<!tpu.dma_semaphore, #tpu.memory_space<semaphore_mem>>)
      %dma_wait3A_98 = tpu.memref_slice %arg2[%run_scoped3A_74, %add3A_73] : memref<2x320000xi32, #tpu.memory_space<hbm>> -> memref<1x2000xi32, #tpu.memory_space<hbm>>
      %dma_wait3A_99 = tpu.memref_squeeze %dma_wait3A_98 : memref<1x2000xi32, #tpu.memory_space<hbm>> -> memref<2000xi32, #tpu.memory_space<hbm>>
      %dma_wait3A_100 = tpu.memref_slice %arg2[%run_scoped3A_74, %add3A_73] : memref<2x320000xi32, #tpu.memory_space<hbm>> -> memref<1x2000xi32, #tpu.memory_space<hbm>>
      %dma_wait3A_101 = tpu.memref_squeeze %dma_wait3A_100 : memref<1x2000xi32, #tpu.memory_space<hbm>> -> memref<2000xi32, #tpu.memory_space<hbm>>
      tpu.wait_dma2 semaphore(%run_scoped3A_93 : memref<!tpu.dma_semaphore, #tpu.memory_space<semaphore_mem>>) src(%dma_wait3A_101 : memref<2000xi32, #tpu.memory_space<hbm>>) dst(%arg7 : memref<2000xi32, #tpu.memory_space<vmem>>)
      tpu.yield
    }) : () -> ()
    %scan3A_75 = arith.constant 0 : i32
    %scan3A_76 = arith.constant 0 : i32
    %scan3A_77 = arith.constant 25 : i32
    %scan3A_78 = arith.addi %scan3A_76, %scan3A_77 : i32
    %scan3A_79 = arith.constant 1 : i32
    %scan3A_80 = scf.for %scan3A_93 = %scan3A_76 to %scan3A_78 step %scan3A_79 iter_args(%scan3A_94 = %scan3A_75) -> (i32)  : i32 {
      %mul3A_95 = arith.constant 80 : i32
      %mul3A_96 = arith.muli %scan3A_93, %mul3A_95 : i32
      %multiple_of3A = tpu.assume_multiple %mul3A_96, 16 : i32
      %add3A_97 = arith.constant 0 : i32
      %add3A_98 = arith.addi %multiple_of3A, %add3A_97 : i32
      %get3A = arith.index_cast %add3A_98 : i32 to index
      %get3A_99 = tpu.vector_load %arg6[%get3A] {strides = array<i32>} : memref<2000xi32, #tpu.memory_space<vmem>>, vector<16xi32>,
      %gather3A = tpu.vector_load_idx %arg11[%get3A_99] : memref<10000xf32, #tpu.memory_space<vmem>>[vector<16xi32>], vector<16xf32>,
      %swap3A = arith.index_cast %add3A_98 : i32 to index
      %swap3A_100 = tpu.vector_load %arg9[%swap3A] {strides = array<i32>} : memref<2000xf32, #tpu.memory_space<vmem>>, vector<16xf32>,
      tpu.vector_store %arg9[%swap3A], %gather3A {strides = array<i32>} : memref<2000xf32, #tpu.memory_space<vmem>>, vector<16xf32>,
      %add3A_101 = arith.constant 16 : i32
      %add3A_102 = arith.addi %multiple_of3A, %add3A_101 : i32
      %get3A_103 = arith.index_cast %add3A_102 : i32 to index
      %get3A_104 = tpu.vector_load %arg6[%get3A_103] {strides = array<i32>} : memref<2000xi32, #tpu.memory_space<vmem>>, vector<16xi32>,
      %gather3A_105 = tpu.vector_load_idx %arg11[%get3A_104] : memref<10000xf32, #tpu.memory_space<vmem>>[vector<16xi32>], vector<16xf32>,
      %swap3A_106 = arith.index_cast %add3A_102 : i32 to index
      %swap3A_107 = tpu.vector_load %arg9[%swap3A_106] {strides = array<i32>} : memref<2000xf32, #tpu.memory_space<vmem>>, vector<16xf32>,
      tpu.vector_store %arg9[%swap3A_106], %gather3A_105 {strides = array<i32>} : memref<2000xf32, #tpu.memory_space<vmem>>, vector<16xf32>,
      %add3A_108 = arith.constant 32 : i32
      %add3A_109 = arith.addi %multiple_of3A, %add3A_108 : i32
      %get3A_110 = arith.index_cast %add3A_109 : i32 to index
      %get3A_111 = tpu.vector_load %arg6[%get3A_110] {strides = array<i32>} : memref<2000xi32, #tpu.memory_space<vmem>>, vector<16xi32>,
      %gather3A_112 = tpu.vector_load_idx %arg11[%get3A_111] : memref<10000xf32, #tpu.memory_space<vmem>>[vector<16xi32>], vector<16xf32>,
      %swap3A_113 = arith.index_cast %add3A_109 : i32 to index
      %swap3A_114 = tpu.vector_load %arg9[%swap3A_113] {strides = array<i32>} : memref<2000xf32, #tpu.memory_space<vmem>>, vector<16xf32>,
      tpu.vector_store %arg9[%swap3A_113], %gather3A_112 {strides = array<i32>} : memref<2000xf32, #tpu.memory_space<vmem>>, vector<16xf32>,
      %add3A_115 = arith.constant 48 : i32
      %add3A_116 = arith.addi %multiple_of3A, %add3A_115 : i32
      %get3A_117 = arith.index_cast %add3A_116 : i32 to index
      %get3A_118 = tpu.vector_load %arg6[%get3A_117] {strides = array<i32>} : memref<2000xi32, #tpu.memory_space<vmem>>, vector<16xi32>,
      %gather3A_119 = tpu.vector_load_idx %arg11[%get3A_118] : memref<10000xf32, #tpu.memory_space<vmem>>[vector<16xi32>], vector<16xf32>,
      %swap3A_120 = arith.index_cast %add3A_116 : i32 to index
      %swap3A_121 = tpu.vector_load %arg9[%swap3A_120] {strides = array<i32>} : memref<2000xf32, #tpu.memory_space<vmem>>, vector<16xf32>,
      tpu.vector_store %arg9[%swap3A_120], %gather3A_119 {strides = array<i32>} : memref<2000xf32, #tpu.memory_space<vmem>>, vector<16xf32>,
      %add3A_122 = arith.constant 64 : i32
      %add3A_123 = arith.addi %multiple_of3A, %add3A_122 : i32
      %get3A_124 = arith.index_cast %add3A_123 : i32 to index
      %get3A_125 = tpu.vector_load %arg6[%get3A_124] {strides = array<i32>} : memref<2000xi32, #tpu.memory_space<vmem>>, vector<16xi32>,
      %gather3A_126 = tpu.vector_load_idx %arg11[%get3A_125] : memref<10000xf32, #tpu.memory_space<vmem>>[vector<16xi32>], vector<16xf32>,
      %swap3A_127 = arith.index_cast %add3A_123 : i32 to index
      %swap3A_128 = tpu.vector_load %arg9[%swap3A_127] {strides = array<i32>} : memref<2000xf32, #tpu.memory_space<vmem>>, vector<16xf32>,
      tpu.vector_store %arg9[%swap3A_127], %gather3A_126 {strides = array<i32>} : memref<2000xf32, #tpu.memory_space<vmem>>, vector<16xf32>,
      %scan3A_129 = arith.constant 0 : i32
      scf.yield %scan3A_129 : i32
    }
    %scan3A_81 = arith.constant 25 : i32
    %dma_start3A_82 = arith.constant 0 : i32
    %dma_start3A_83 = tpu.memref_slice %arg12[%dma_start3A_82] : memref<10240xf32, #tpu.memory_space<vmem_shared>> -> memref<10240xf32, #tpu.memory_space<vmem_shared>>
    tpu.enqueue_indirect_dma source(%arg9 : memref<2000xf32, #tpu.memory_space<vmem>>) target(%dma_start3A_83 : memref<10240xf32, #tpu.memory_space<vmem_shared>>) offsets(%arg7 : memref<2000xi32, #tpu.memory_space<vmem>>) semaphore(%arg13 : memref<!tpu.dma_semaphore, #tpu.memory_space<semaphore_mem>>) {add = true}
    %dma_wait3A_84 = arith.constant 0 : i32
    %dma_wait3A_85 = tpu.memref_slice %arg12[%dma_wait3A_84] : memref<10240xf32, #tpu.memory_space<vmem_shared>> -> memref<10240xf32, #tpu.memory_space<vmem_shared>>
    tpu.wait_indirect_dma semaphore(%arg14 : memref<!tpu.dma_semaphore, #tpu.memory_space<semaphore_mem>>) src(%arg10 : memref<2000xf32, #tpu.memory_space<vmem>>) dst(%dma_wait3A_85 : memref<10240xf32, #tpu.memory_space<vmem_shared>>)
    %dma_wait3A_86 = arith.constant 0 : i32
    %dma_wait3A_87 = tpu.memref_slice %arg12[%dma_wait3A_86] : memref<10240xf32, #tpu.memory_space<vmem_shared>> -> memref<10240xf32, #tpu.memory_space<vmem_shared>>
    tpu.wait_indirect_dma semaphore(%arg13 : memref<!tpu.dma_semaphore, #tpu.memory_space<semaphore_mem>>) src(%arg9 : memref<2000xf32, #tpu.memory_space<vmem>>) dst(%dma_wait3A_87 : memref<10240xf32, #tpu.memory_space<vmem_shared>>)
    %barrier3A_88 = arith.constant 0 : index
    tpu.barrier barrier_id(%barrier3A_88)
    %mul3A_89 = arith.constant 640 : i32
    %mul3A_90 = arith.muli %arg1, %mul3A_89 : i32
    %mul3A_91 = arith.constant 640 : i32
    %mul3A_92 = arith.muli %arg1, %mul3A_91 : i32
    "tpu.region"() ({
      %run_scoped3A_93 = tpu.sem_alloc : memref<!tpu.dma_semaphore, #tpu.memory_space<semaphore_mem>>
      %dma_start3A_94 = tpu.memref_slice %arg5[%arg0, %mul3A_92] : memref<2x10240xf32, #tpu.memory_space<hbm>> -> memref<1x640xf32, #tpu.memory_space<hbm>>
      %dma_start3A_95 = tpu.memref_squeeze %dma_start3A_94 : memref<1x640xf32, #tpu.memory_space<hbm>> -> memref<640xf32, #tpu.memory_space<hbm>>
      %dma_start3A_96 = tpu.memref_slice %arg12[%mul3A_90] : memref<10240xf32, #tpu.memory_space<vmem_shared>> -> memref<640xf32, #tpu.memory_space<vmem_shared>>
      tpu.enqueue_dma source(%dma_start3A_96 : memref<640xf32, #tpu.memory_space<vmem_shared>>) target(%dma_start3A_95 : memref<640xf32, #tpu.memory_space<hbm>>) target_semaphore(%run_scoped3A_93 : memref<!tpu.dma_semaphore, #tpu.memory_space<semaphore_mem>>)
      %dma_wait3A_97 = tpu.memref_slice %arg5[%arg0, %mul3A_92] : memref<2x10240xf32, #tpu.memory_space<hbm>> -> memref<1x640xf32, #tpu.memory_space<hbm>>
      %dma_wait3A_98 = tpu.memref_squeeze %dma_wait3A_97 : memref<1x640xf32, #tpu.memory_space<hbm>> -> memref<640xf32, #tpu.memory_space<hbm>>
      %dma_wait3A_99 = tpu.memref_slice %arg12[%mul3A_90] : memref<10240xf32, #tpu.memory_space<vmem_shared>> -> memref<640xf32, #tpu.memory_space<vmem_shared>>
      tpu.wait_dma2 semaphore(%run_scoped3A_93 : memref<!tpu.dma_semaphore, #tpu.memory_space<semaphore_mem>>) src(%dma_wait3A_99 : memref<640xf32, #tpu.memory_space<vmem_shared>>) dst(%dma_wait3A_98 : memref<640xf32, #tpu.memory_space<hbm>>)
      tpu.yield
    }) : () -> ()
    return
  }
}

#map = affine_map<(d0, d1) -> (0, 0)>
#map1 = affine_map<(d0, d1) -> (0, 0, 0)>
module attributes {stable_mosaic.version = 14 : i64} {
  func.func @_agg16(%arg0: i32, %arg1: i32, %arg2: memref<2x320000xi32, #tpu.memory_space<hbm>>, %arg3: memref<10000x16xf32, #tpu.memory_space<hbm>>, %arg4: memref<640x16xf32, #tpu.memory_space<hbm>>, %arg5: memref<2x10240x16xf32, #tpu.memory_space<hbm>>, %arg6: memref<2000xi32, #tpu.memory_space<vmem>>, %arg7: memref<2000xi32, #tpu.memory_space<vmem>>, %arg8: memref<2000xi32, #tpu.memory_space<vmem>>, %arg9: memref<2000xi32, #tpu.memory_space<vmem>>, %arg10: memref<2000x16xf32, #tpu.memory_space<vmem>>, %arg11: memref<2000x16xf32, #tpu.memory_space<vmem>>, %arg12: memref<10240x16xf32, #tpu.memory_space<vmem_shared>>, %arg13: memref<!tpu.dma_semaphore, #tpu.memory_space<semaphore_mem>>, %arg14: memref<!tpu.dma_semaphore, #tpu.memory_space<semaphore_mem>>, %arg15: memref<!tpu.dma_semaphore, #tpu.memory_space<semaphore_mem>>, %arg16: memref<!tpu.dma_semaphore, #tpu.memory_space<semaphore_mem>>) attributes {dimension_semantics = [#tpu.dimension_semantics<core_parallel>, #tpu.dimension_semantics<subcore_parallel>], iteration_bounds = array<i64: 2, 16>, scalar_prefetch = 0 : i64, scratch_operands = 11 : i64, tpu.core_type = #tpu.core_type<sc_vector_subcore>, window_params = [{transform_indices = #map}, {transform_indices = #map}, {transform_indices = #map}, {transform_indices = #map1}]} {
    %mul3A = arith.constant 640 : i32
    %mul3A_0 = arith.muli %arg1, %mul3A : i32
    "tpu.region"() ({
      %run_scoped3A = tpu.sem_alloc : memref<!tpu.dma_semaphore, #tpu.memory_space<semaphore_mem>>
      %dma_start3A = arith.constant 0 : i32
      %dma_start3A_15 = tpu.memref_slice %arg12[%mul3A_0, %dma_start3A] : memref<10240x16xf32, #tpu.memory_space<vmem_shared>> -> memref<640x16xf32, #tpu.memory_space<vmem_shared>>
      tpu.enqueue_dma source(%arg4 : memref<640x16xf32, #tpu.memory_space<hbm>>) target(%dma_start3A_15 : memref<640x16xf32, #tpu.memory_space<vmem_shared>>) target_semaphore(%run_scoped3A : memref<!tpu.dma_semaphore, #tpu.memory_space<semaphore_mem>>)
      %dma_wait3A = arith.constant 0 : i32
      %dma_wait3A_16 = tpu.memref_slice %arg12[%mul3A_0, %dma_wait3A] : memref<10240x16xf32, #tpu.memory_space<vmem_shared>> -> memref<640x16xf32, #tpu.memory_space<vmem_shared>>
      tpu.wait_dma2 semaphore(%run_scoped3A : memref<!tpu.dma_semaphore, #tpu.memory_space<semaphore_mem>>) src(%arg4 : memref<640x16xf32, #tpu.memory_space<hbm>>) dst(%dma_wait3A_16 : memref<640x16xf32, #tpu.memory_space<vmem_shared>>)
      tpu.yield
    }) : () -> ()
    %barrier3A = arith.constant 0 : index
    tpu.barrier barrier_id(%barrier3A)
    %mul3A_1 = arith.constant 20000 : i32
    %mul3A_2 = arith.muli %arg1, %mul3A_1 : i32
    %eq3A = arith.constant 0 : i32
    %eq3A_3 = arith.cmpi eq, %arg0, %eq3A : i32
    %convert_element_type3A = arith.extui %eq3A_3 : i1 to i32
    %cond3A = arith.constant 0 : i32
    %cond3A_4 = arith.cmpi ne, %convert_element_type3A, %cond3A : i32
    scf.if %cond3A_4 {
      %run_scoped3A = arith.constant 0 : i32
      "tpu.region"() ({
        %run_scoped3A_86 = tpu.sem_alloc : memref<!tpu.dma_semaphore, #tpu.memory_space<semaphore_mem>>
        %dma_start3A_87 = tpu.memref_slice %arg2[%run_scoped3A, %mul3A_2] : memref<2x320000xi32, #tpu.memory_space<hbm>> -> memref<1x2000xi32, #tpu.memory_space<hbm>>
        %dma_start3A_88 = tpu.memref_squeeze %dma_start3A_87 : memref<1x2000xi32, #tpu.memory_space<hbm>> -> memref<2000xi32, #tpu.memory_space<hbm>>
        %dma_start3A_89 = tpu.memref_slice %arg2[%run_scoped3A, %mul3A_2] : memref<2x320000xi32, #tpu.memory_space<hbm>> -> memref<1x2000xi32, #tpu.memory_space<hbm>>
        %dma_start3A_90 = tpu.memref_squeeze %dma_start3A_89 : memref<1x2000xi32, #tpu.memory_space<hbm>> -> memref<2000xi32, #tpu.memory_space<hbm>>
        tpu.enqueue_dma source(%dma_start3A_90 : memref<2000xi32, #tpu.memory_space<hbm>>) target(%arg6 : memref<2000xi32, #tpu.memory_space<vmem>>) target_semaphore(%run_scoped3A_86 : memref<!tpu.dma_semaphore, #tpu.memory_space<semaphore_mem>>)
        %dma_wait3A_91 = tpu.memref_slice %arg2[%run_scoped3A, %mul3A_2] : memref<2x320000xi32, #tpu.memory_space<hbm>> -> memref<1x2000xi32, #tpu.memory_space<hbm>>
        %dma_wait3A_92 = tpu.memref_squeeze %dma_wait3A_91 : memref<1x2000xi32, #tpu.memory_space<hbm>> -> memref<2000xi32, #tpu.memory_space<hbm>>
        %dma_wait3A_93 = tpu.memref_slice %arg2[%run_scoped3A, %mul3A_2] : memref<2x320000xi32, #tpu.memory_space<hbm>> -> memref<1x2000xi32, #tpu.memory_space<hbm>>
        %dma_wait3A_94 = tpu.memref_squeeze %dma_wait3A_93 : memref<1x2000xi32, #tpu.memory_space<hbm>> -> memref<2000xi32, #tpu.memory_space<hbm>>
        tpu.wait_dma2 semaphore(%run_scoped3A_86 : memref<!tpu.dma_semaphore, #tpu.memory_space<semaphore_mem>>) src(%dma_wait3A_94 : memref<2000xi32, #tpu.memory_space<hbm>>) dst(%arg6 : memref<2000xi32, #tpu.memory_space<vmem>>)
        tpu.yield
      }) : () -> ()
      %run_scoped3A_15 = arith.constant 1 : i32
      "tpu.region"() ({
        %run_scoped3A_86 = tpu.sem_alloc : memref<!tpu.dma_semaphore, #tpu.memory_space<semaphore_mem>>
        %dma_start3A_87 = tpu.memref_slice %arg2[%run_scoped3A_15, %mul3A_2] : memref<2x320000xi32, #tpu.memory_space<hbm>> -> memref<1x2000xi32, #tpu.memory_space<hbm>>
        %dma_start3A_88 = tpu.memref_squeeze %dma_start3A_87 : memref<1x2000xi32, #tpu.memory_space<hbm>> -> memref<2000xi32, #tpu.memory_space<hbm>>
        %dma_start3A_89 = tpu.memref_slice %arg2[%run_scoped3A_15, %mul3A_2] : memref<2x320000xi32, #tpu.memory_space<hbm>> -> memref<1x2000xi32, #tpu.memory_space<hbm>>
        %dma_start3A_90 = tpu.memref_squeeze %dma_start3A_89 : memref<1x2000xi32, #tpu.memory_space<hbm>> -> memref<2000xi32, #tpu.memory_space<hbm>>
        tpu.enqueue_dma source(%dma_start3A_90 : memref<2000xi32, #tpu.memory_space<hbm>>) target(%arg8 : memref<2000xi32, #tpu.memory_space<vmem>>) target_semaphore(%run_scoped3A_86 : memref<!tpu.dma_semaphore, #tpu.memory_space<semaphore_mem>>)
        %dma_wait3A_91 = tpu.memref_slice %arg2[%run_scoped3A_15, %mul3A_2] : memref<2x320000xi32, #tpu.memory_space<hbm>> -> memref<1x2000xi32, #tpu.memory_space<hbm>>
        %dma_wait3A_92 = tpu.memref_squeeze %dma_wait3A_91 : memref<1x2000xi32, #tpu.memory_space<hbm>> -> memref<2000xi32, #tpu.memory_space<hbm>>
        %dma_wait3A_93 = tpu.memref_slice %arg2[%run_scoped3A_15, %mul3A_2] : memref<2x320000xi32, #tpu.memory_space<hbm>> -> memref<1x2000xi32, #tpu.memory_space<hbm>>
        %dma_wait3A_94 = tpu.memref_squeeze %dma_wait3A_93 : memref<1x2000xi32, #tpu.memory_space<hbm>> -> memref<2000xi32, #tpu.memory_space<hbm>>
        tpu.wait_dma2 semaphore(%run_scoped3A_86 : memref<!tpu.dma_semaphore, #tpu.memory_space<semaphore_mem>>) src(%dma_wait3A_94 : memref<2000xi32, #tpu.memory_space<hbm>>) dst(%arg8 : memref<2000xi32, #tpu.memory_space<vmem>>)
        tpu.yield
      }) : () -> ()
      %dma_start3A = arith.constant 0 : i32
      %dma_start3A_16 = arith.constant 0 : i32
      %dma_start3A_17 = tpu.memref_slice %arg3[%dma_start3A, %dma_start3A_16] : memref<10000x16xf32, #tpu.memory_space<hbm>> -> memref<10000x16xf32, #tpu.memory_space<hbm>>
      tpu.enqueue_indirect_dma source(%dma_start3A_17 : memref<10000x16xf32, #tpu.memory_space<hbm>>) target(%arg10 : memref<2000x16xf32, #tpu.memory_space<vmem>>) offsets(%arg6 : memref<2000xi32, #tpu.memory_space<vmem>>) semaphore(%arg13 : memref<!tpu.dma_semaphore, #tpu.memory_space<semaphore_mem>>)
      %add3A = arith.constant 2000 : i32
      %add3A_18 = arith.addi %mul3A_2, %add3A : i32
      %run_scoped3A_19 = arith.constant 0 : i32
      "tpu.region"() ({
        %run_scoped3A_86 = tpu.sem_alloc : memref<!tpu.dma_semaphore, #tpu.memory_space<semaphore_mem>>
        %dma_start3A_87 = tpu.memref_slice %arg2[%run_scoped3A_19, %add3A_18] : memref<2x320000xi32, #tpu.memory_space<hbm>> -> memref<1x2000xi32, #tpu.memory_space<hbm>>
        %dma_start3A_88 = tpu.memref_squeeze %dma_start3A_87 : memref<1x2000xi32, #tpu.memory_space<hbm>> -> memref<2000xi32, #tpu.memory_space<hbm>>
        %dma_start3A_89 = tpu.memref_slice %arg2[%run_scoped3A_19, %add3A_18] : memref<2x320000xi32, #tpu.memory_space<hbm>> -> memref<1x2000xi32, #tpu.memory_space<hbm>>
        %dma_start3A_90 = tpu.memref_squeeze %dma_start3A_89 : memref<1x2000xi32, #tpu.memory_space<hbm>> -> memref<2000xi32, #tpu.memory_space<hbm>>
        tpu.enqueue_dma source(%dma_start3A_90 : memref<2000xi32, #tpu.memory_space<hbm>>) target(%arg7 : memref<2000xi32, #tpu.memory_space<vmem>>) target_semaphore(%run_scoped3A_86 : memref<!tpu.dma_semaphore, #tpu.memory_space<semaphore_mem>>)
        %dma_wait3A_91 = tpu.memref_slice %arg2[%run_scoped3A_19, %add3A_18] : memref<2x320000xi32, #tpu.memory_space<hbm>> -> memref<1x2000xi32, #tpu.memory_space<hbm>>
        %dma_wait3A_92 = tpu.memref_squeeze %dma_wait3A_91 : memref<1x2000xi32, #tpu.memory_space<hbm>> -> memref<2000xi32, #tpu.memory_space<hbm>>
        %dma_wait3A_93 = tpu.memref_slice %arg2[%run_scoped3A_19, %add3A_18] : memref<2x320000xi32, #tpu.memory_space<hbm>> -> memref<1x2000xi32, #tpu.memory_space<hbm>>
        %dma_wait3A_94 = tpu.memref_squeeze %dma_wait3A_93 : memref<1x2000xi32, #tpu.memory_space<hbm>> -> memref<2000xi32, #tpu.memory_space<hbm>>
        tpu.wait_dma2 semaphore(%run_scoped3A_86 : memref<!tpu.dma_semaphore, #tpu.memory_space<semaphore_mem>>) src(%dma_wait3A_94 : memref<2000xi32, #tpu.memory_space<hbm>>) dst(%arg7 : memref<2000xi32, #tpu.memory_space<vmem>>)
        tpu.yield
      }) : () -> ()
      %run_scoped3A_20 = arith.constant 1 : i32
      "tpu.region"() ({
        %run_scoped3A_86 = tpu.sem_alloc : memref<!tpu.dma_semaphore, #tpu.memory_space<semaphore_mem>>
        %dma_start3A_87 = tpu.memref_slice %arg2[%run_scoped3A_20, %add3A_18] : memref<2x320000xi32, #tpu.memory_space<hbm>> -> memref<1x2000xi32, #tpu.memory_space<hbm>>
        %dma_start3A_88 = tpu.memref_squeeze %dma_start3A_87 : memref<1x2000xi32, #tpu.memory_space<hbm>> -> memref<2000xi32, #tpu.memory_space<hbm>>
        %dma_start3A_89 = tpu.memref_slice %arg2[%run_scoped3A_20, %add3A_18] : memref<2x320000xi32, #tpu.memory_space<hbm>> -> memref<1x2000xi32, #tpu.memory_space<hbm>>
        %dma_start3A_90 = tpu.memref_squeeze %dma_start3A_89 : memref<1x2000xi32, #tpu.memory_space<hbm>> -> memref<2000xi32, #tpu.memory_space<hbm>>
        tpu.enqueue_dma source(%dma_start3A_90 : memref<2000xi32, #tpu.memory_space<hbm>>) target(%arg9 : memref<2000xi32, #tpu.memory_space<vmem>>) target_semaphore(%run_scoped3A_86 : memref<!tpu.dma_semaphore, #tpu.memory_space<semaphore_mem>>)
        %dma_wait3A_91 = tpu.memref_slice %arg2[%run_scoped3A_20, %add3A_18] : memref<2x320000xi32, #tpu.memory_space<hbm>> -> memref<1x2000xi32, #tpu.memory_space<hbm>>
        %dma_wait3A_92 = tpu.memref_squeeze %dma_wait3A_91 : memref<1x2000xi32, #tpu.memory_space<hbm>> -> memref<2000xi32, #tpu.memory_space<hbm>>
        %dma_wait3A_93 = tpu.memref_slice %arg2[%run_scoped3A_20, %add3A_18] : memref<2x320000xi32, #tpu.memory_space<hbm>> -> memref<1x2000xi32, #tpu.memory_space<hbm>>
        %dma_wait3A_94 = tpu.memref_squeeze %dma_wait3A_93 : memref<1x2000xi32, #tpu.memory_space<hbm>> -> memref<2000xi32, #tpu.memory_space<hbm>>
        tpu.wait_dma2 semaphore(%run_scoped3A_86 : memref<!tpu.dma_semaphore, #tpu.memory_space<semaphore_mem>>) src(%dma_wait3A_94 : memref<2000xi32, #tpu.memory_space<hbm>>) dst(%arg9 : memref<2000xi32, #tpu.memory_space<vmem>>)
        tpu.yield
      }) : () -> ()
      %dma_start3A_21 = arith.constant 0 : i32
      %dma_start3A_22 = arith.constant 0 : i32
      %dma_start3A_23 = tpu.memref_slice %arg3[%dma_start3A_21, %dma_start3A_22] : memref<10000x16xf32, #tpu.memory_space<hbm>> -> memref<10000x16xf32, #tpu.memory_space<hbm>>
      tpu.enqueue_indirect_dma source(%dma_start3A_23 : memref<10000x16xf32, #tpu.memory_space<hbm>>) target(%arg11 : memref<2000x16xf32, #tpu.memory_space<vmem>>) offsets(%arg7 : memref<2000xi32, #tpu.memory_space<vmem>>) semaphore(%arg14 : memref<!tpu.dma_semaphore, #tpu.memory_space<semaphore_mem>>)
      %dma_wait3A = arith.constant 0 : i32
      %dma_wait3A_24 = arith.constant 0 : i32
      %dma_wait3A_25 = tpu.memref_slice %arg3[%dma_wait3A, %dma_wait3A_24] : memref<10000x16xf32, #tpu.memory_space<hbm>> -> memref<10000x16xf32, #tpu.memory_space<hbm>>
      tpu.wait_indirect_dma semaphore(%arg13 : memref<!tpu.dma_semaphore, #tpu.memory_space<semaphore_mem>>) src(%dma_wait3A_25 : memref<10000x16xf32, #tpu.memory_space<hbm>>) dst(%arg10 : memref<2000x16xf32, #tpu.memory_space<vmem>>)
      %dma_start3A_26 = arith.constant 0 : i32
      %dma_start3A_27 = arith.constant 0 : i32
      %dma_start3A_28 = tpu.memref_slice %arg12[%dma_start3A_26, %dma_start3A_27] : memref<10240x16xf32, #tpu.memory_space<vmem_shared>> -> memref<10240x16xf32, #tpu.memory_space<vmem_shared>>
      tpu.enqueue_indirect_dma source(%arg10 : memref<2000x16xf32, #tpu.memory_space<vmem>>) target(%dma_start3A_28 : memref<10240x16xf32, #tpu.memory_space<vmem_shared>>) offsets(%arg8 : memref<2000xi32, #tpu.memory_space<vmem>>) semaphore(%arg15 : memref<!tpu.dma_semaphore, #tpu.memory_space<semaphore_mem>>) {add = true}
      %add3A_29 = arith.constant 4000 : i32
      %add3A_30 = arith.addi %mul3A_2, %add3A_29 : i32
      %dma_wait3A_31 = arith.constant 0 : i32
      %dma_wait3A_32 = arith.constant 0 : i32
      %dma_wait3A_33 = tpu.memref_slice %arg12[%dma_wait3A_31, %dma_wait3A_32] : memref<10240x16xf32, #tpu.memory_space<vmem_shared>> -> memref<10240x16xf32, #tpu.memory_space<vmem_shared>>
      tpu.wait_indirect_dma semaphore(%arg15 : memref<!tpu.dma_semaphore, #tpu.memory_space<semaphore_mem>>) src(%arg10 : memref<2000x16xf32, #tpu.memory_space<vmem>>) dst(%dma_wait3A_33 : memref<10240x16xf32, #tpu.memory_space<vmem_shared>>)
      %run_scoped3A_34 = arith.constant 0 : i32
      "tpu.region"() ({
        %run_scoped3A_86 = tpu.sem_alloc : memref<!tpu.dma_semaphore, #tpu.memory_space<semaphore_mem>>
        %dma_start3A_87 = tpu.memref_slice %arg2[%run_scoped3A_34, %add3A_30] : memref<2x320000xi32, #tpu.memory_space<hbm>> -> memref<1x2000xi32, #tpu.memory_space<hbm>>
        %dma_start3A_88 = tpu.memref_squeeze %dma_start3A_87 : memref<1x2000xi32, #tpu.memory_space<hbm>> -> memref<2000xi32, #tpu.memory_space<hbm>>
        %dma_start3A_89 = tpu.memref_slice %arg2[%run_scoped3A_34, %add3A_30] : memref<2x320000xi32, #tpu.memory_space<hbm>> -> memref<1x2000xi32, #tpu.memory_space<hbm>>
        %dma_start3A_90 = tpu.memref_squeeze %dma_start3A_89 : memref<1x2000xi32, #tpu.memory_space<hbm>> -> memref<2000xi32, #tpu.memory_space<hbm>>
        tpu.enqueue_dma source(%dma_start3A_90 : memref<2000xi32, #tpu.memory_space<hbm>>) target(%arg6 : memref<2000xi32, #tpu.memory_space<vmem>>) target_semaphore(%run_scoped3A_86 : memref<!tpu.dma_semaphore, #tpu.memory_space<semaphore_mem>>)
        %dma_wait3A_91 = tpu.memref_slice %arg2[%run_scoped3A_34, %add3A_30] : memref<2x320000xi32, #tpu.memory_space<hbm>> -> memref<1x2000xi32, #tpu.memory_space<hbm>>
        %dma_wait3A_92 = tpu.memref_squeeze %dma_wait3A_91 : memref<1x2000xi32, #tpu.memory_space<hbm>> -> memref<2000xi32, #tpu.memory_space<hbm>>
        %dma_wait3A_93 = tpu.memref_slice %arg2[%run_scoped3A_34, %add3A_30] : memref<2x320000xi32, #tpu.memory_space<hbm>> -> memref<1x2000xi32, #tpu.memory_space<hbm>>
        %dma_wait3A_94 = tpu.memref_squeeze %dma_wait3A_93 : memref<1x2000xi32, #tpu.memory_space<hbm>> -> memref<2000xi32, #tpu.memory_space<hbm>>
        tpu.wait_dma2 semaphore(%run_scoped3A_86 : memref<!tpu.dma_semaphore, #tpu.memory_space<semaphore_mem>>) src(%dma_wait3A_94 : memref<2000xi32, #tpu.memory_space<hbm>>) dst(%arg6 : memref<2000xi32, #tpu.memory_space<vmem>>)
        tpu.yield
      }) : () -> ()
      %run_scoped3A_35 = arith.constant 1 : i32
      "tpu.region"() ({
        %run_scoped3A_86 = tpu.sem_alloc : memref<!tpu.dma_semaphore, #tpu.memory_space<semaphore_mem>>
        %dma_start3A_87 = tpu.memref_slice %arg2[%run_scoped3A_35, %add3A_30] : memref<2x320000xi32, #tpu.memory_space<hbm>> -> memref<1x2000xi32, #tpu.memory_space<hbm>>
        %dma_start3A_88 = tpu.memref_squeeze %dma_start3A_87 : memref<1x2000xi32, #tpu.memory_space<hbm>> -> memref<2000xi32, #tpu.memory_space<hbm>>
        %dma_start3A_89 = tpu.memref_slice %arg2[%run_scoped3A_35, %add3A_30] : memref<2x320000xi32, #tpu.memory_space<hbm>> -> memref<1x2000xi32, #tpu.memory_space<hbm>>
        %dma_start3A_90 = tpu.memref_squeeze %dma_start3A_89 : memref<1x2000xi32, #tpu.memory_space<hbm>> -> memref<2000xi32, #tpu.memory_space<hbm>>
        tpu.enqueue_dma source(%dma_start3A_90 : memref<2000xi32, #tpu.memory_space<hbm>>) target(%arg8 : memref<2000xi32, #tpu.memory_space<vmem>>) target_semaphore(%run_scoped3A_86 : memref<!tpu.dma_semaphore, #tpu.memory_space<semaphore_mem>>)
        %dma_wait3A_91 = tpu.memref_slice %arg2[%run_scoped3A_35, %add3A_30] : memref<2x320000xi32, #tpu.memory_space<hbm>> -> memref<1x2000xi32, #tpu.memory_space<hbm>>
        %dma_wait3A_92 = tpu.memref_squeeze %dma_wait3A_91 : memref<1x2000xi32, #tpu.memory_space<hbm>> -> memref<2000xi32, #tpu.memory_space<hbm>>
        %dma_wait3A_93 = tpu.memref_slice %arg2[%run_scoped3A_35, %add3A_30] : memref<2x320000xi32, #tpu.memory_space<hbm>> -> memref<1x2000xi32, #tpu.memory_space<hbm>>
        %dma_wait3A_94 = tpu.memref_squeeze %dma_wait3A_93 : memref<1x2000xi32, #tpu.memory_space<hbm>> -> memref<2000xi32, #tpu.memory_space<hbm>>
        tpu.wait_dma2 semaphore(%run_scoped3A_86 : memref<!tpu.dma_semaphore, #tpu.memory_space<semaphore_mem>>) src(%dma_wait3A_94 : memref<2000xi32, #tpu.memory_space<hbm>>) dst(%arg8 : memref<2000xi32, #tpu.memory_space<vmem>>)
        tpu.yield
      }) : () -> ()
      %dma_start3A_36 = arith.constant 0 : i32
      %dma_start3A_37 = arith.constant 0 : i32
      %dma_start3A_38 = tpu.memref_slice %arg3[%dma_start3A_36, %dma_start3A_37] : memref<10000x16xf32, #tpu.memory_space<hbm>> -> memref<10000x16xf32, #tpu.memory_space<hbm>>
      tpu.enqueue_indirect_dma source(%dma_start3A_38 : memref<10000x16xf32, #tpu.memory_space<hbm>>) target(%arg10 : memref<2000x16xf32, #tpu.memory_space<vmem>>) offsets(%arg6 : memref<2000xi32, #tpu.memory_space<vmem>>) semaphore(%arg13 : memref<!tpu.dma_semaphore, #tpu.memory_space<semaphore_mem>>)
      %dma_wait3A_39 = arith.constant 0 : i32
      %dma_wait3A_40 = arith.constant 0 : i32
      %dma_wait3A_41 = tpu.memref_slice %arg3[%dma_wait3A_39, %dma_wait3A_40] : memref<10000x16xf32, #tpu.memory_space<hbm>> -> memref<10000x16xf32, #tpu.memory_space<hbm>>
      tpu.wait_indirect_dma semaphore(%arg14 : memref<!tpu.dma_semaphore, #tpu.memory_space<semaphore_mem>>) src(%dma_wait3A_41 : memref<10000x16xf32, #tpu.memory_space<hbm>>) dst(%arg11 : memref<2000x16xf32, #tpu.memory_space<vmem>>)
      %dma_start3A_42 = arith.constant 0 : i32
      %dma_start3A_43 = arith.constant 0 : i32
      %dma_start3A_44 = tpu.memref_slice %arg12[%dma_start3A_42, %dma_start3A_43] : memref<10240x16xf32, #tpu.memory_space<vmem_shared>> -> memref<10240x16xf32, #tpu.memory_space<vmem_shared>>
      tpu.enqueue_indirect_dma source(%arg11 : memref<2000x16xf32, #tpu.memory_space<vmem>>) target(%dma_start3A_44 : memref<10240x16xf32, #tpu.memory_space<vmem_shared>>) offsets(%arg9 : memref<2000xi32, #tpu.memory_space<vmem>>) semaphore(%arg16 : memref<!tpu.dma_semaphore, #tpu.memory_space<semaphore_mem>>) {add = true}
      %add3A_45 = arith.constant 6000 : i32
      %add3A_46 = arith.addi %mul3A_2, %add3A_45 : i32
      %dma_wait3A_47 = arith.constant 0 : i32
      %dma_wait3A_48 = arith.constant 0 : i32
      %dma_wait3A_49 = tpu.memref_slice %arg12[%dma_wait3A_47, %dma_wait3A_48] : memref<10240x16xf32, #tpu.memory_space<vmem_shared>> -> memref<10240x16xf32, #tpu.memory_space<vmem_shared>>
      tpu.wait_indirect_dma semaphore(%arg16 : memref<!tpu.dma_semaphore, #tpu.memory_space<semaphore_mem>>) src(%arg11 : memref<2000x16xf32, #tpu.memory_space<vmem>>) dst(%dma_wait3A_49 : memref<10240x16xf32, #tpu.memory_space<vmem_shared>>)
      %run_scoped3A_50 = arith.constant 0 : i32
      "tpu.region"() ({
        %run_scoped3A_86 = tpu.sem_alloc : memref<!tpu.dma_semaphore, #tpu.memory_space<semaphore_mem>>
        %dma_start3A_87 = tpu.memref_slice %arg2[%run_scoped3A_50, %add3A_46] : memref<2x320000xi32, #tpu.memory_space<hbm>> -> memref<1x2000xi32, #tpu.memory_space<hbm>>
        %dma_start3A_88 = tpu.memref_squeeze %dma_start3A_87 : memref<1x2000xi32, #tpu.memory_space<hbm>> -> memref<2000xi32, #tpu.memory_space<hbm>>
        %dma_start3A_89 = tpu.memref_slice %arg2[%run_scoped3A_50, %add3A_46] : memref<2x320000xi32, #tpu.memory_space<hbm>> -> memref<1x2000xi32, #tpu.memory_space<hbm>>
        %dma_start3A_90 = tpu.memref_squeeze %dma_start3A_89 : memref<1x2000xi32, #tpu.memory_space<hbm>> -> memref<2000xi32, #tpu.memory_space<hbm>>
        tpu.enqueue_dma source(%dma_start3A_90 : memref<2000xi32, #tpu.memory_space<hbm>>) target(%arg7 : memref<2000xi32, #tpu.memory_space<vmem>>) target_semaphore(%run_scoped3A_86 : memref<!tpu.dma_semaphore, #tpu.memory_space<semaphore_mem>>)
        %dma_wait3A_91 = tpu.memref_slice %arg2[%run_scoped3A_50, %add3A_46] : memref<2x320000xi32, #tpu.memory_space<hbm>> -> memref<1x2000xi32, #tpu.memory_space<hbm>>
        %dma_wait3A_92 = tpu.memref_squeeze %dma_wait3A_91 : memref<1x2000xi32, #tpu.memory_space<hbm>> -> memref<2000xi32, #tpu.memory_space<hbm>>
        %dma_wait3A_93 = tpu.memref_slice %arg2[%run_scoped3A_50, %add3A_46] : memref<2x320000xi32, #tpu.memory_space<hbm>> -> memref<1x2000xi32, #tpu.memory_space<hbm>>
        %dma_wait3A_94 = tpu.memref_squeeze %dma_wait3A_93 : memref<1x2000xi32, #tpu.memory_space<hbm>> -> memref<2000xi32, #tpu.memory_space<hbm>>
        tpu.wait_dma2 semaphore(%run_scoped3A_86 : memref<!tpu.dma_semaphore, #tpu.memory_space<semaphore_mem>>) src(%dma_wait3A_94 : memref<2000xi32, #tpu.memory_space<hbm>>) dst(%arg7 : memref<2000xi32, #tpu.memory_space<vmem>>)
        tpu.yield
      }) : () -> ()
      %run_scoped3A_51 = arith.constant 1 : i32
      "tpu.region"() ({
        %run_scoped3A_86 = tpu.sem_alloc : memref<!tpu.dma_semaphore, #tpu.memory_space<semaphore_mem>>
        %dma_start3A_87 = tpu.memref_slice %arg2[%run_scoped3A_51, %add3A_46] : memref<2x320000xi32, #tpu.memory_space<hbm>> -> memref<1x2000xi32, #tpu.memory_space<hbm>>
        %dma_start3A_88 = tpu.memref_squeeze %dma_start3A_87 : memref<1x2000xi32, #tpu.memory_space<hbm>> -> memref<2000xi32, #tpu.memory_space<hbm>>
        %dma_start3A_89 = tpu.memref_slice %arg2[%run_scoped3A_51, %add3A_46] : memref<2x320000xi32, #tpu.memory_space<hbm>> -> memref<1x2000xi32, #tpu.memory_space<hbm>>
        %dma_start3A_90 = tpu.memref_squeeze %dma_start3A_89 : memref<1x2000xi32, #tpu.memory_space<hbm>> -> memref<2000xi32, #tpu.memory_space<hbm>>
        tpu.enqueue_dma source(%dma_start3A_90 : memref<2000xi32, #tpu.memory_space<hbm>>) target(%arg9 : memref<2000xi32, #tpu.memory_space<vmem>>) target_semaphore(%run_scoped3A_86 : memref<!tpu.dma_semaphore, #tpu.memory_space<semaphore_mem>>)
        %dma_wait3A_91 = tpu.memref_slice %arg2[%run_scoped3A_51, %add3A_46] : memref<2x320000xi32, #tpu.memory_space<hbm>> -> memref<1x2000xi32, #tpu.memory_space<hbm>>
        %dma_wait3A_92 = tpu.memref_squeeze %dma_wait3A_91 : memref<1x2000xi32, #tpu.memory_space<hbm>> -> memref<2000xi32, #tpu.memory_space<hbm>>
        %dma_wait3A_93 = tpu.memref_slice %arg2[%run_scoped3A_51, %add3A_46] : memref<2x320000xi32, #tpu.memory_space<hbm>> -> memref<1x2000xi32, #tpu.memory_space<hbm>>
        %dma_wait3A_94 = tpu.memref_squeeze %dma_wait3A_93 : memref<1x2000xi32, #tpu.memory_space<hbm>> -> memref<2000xi32, #tpu.memory_space<hbm>>
        tpu.wait_dma2 semaphore(%run_scoped3A_86 : memref<!tpu.dma_semaphore, #tpu.memory_space<semaphore_mem>>) src(%dma_wait3A_94 : memref<2000xi32, #tpu.memory_space<hbm>>) dst(%arg9 : memref<2000xi32, #tpu.memory_space<vmem>>)
        tpu.yield
      }) : () -> ()
      %dma_start3A_52 = arith.constant 0 : i32
      %dma_start3A_53 = arith.constant 0 : i32
      %dma_start3A_54 = tpu.memref_slice %arg3[%dma_start3A_52, %dma_start3A_53] : memref<10000x16xf32, #tpu.memory_space<hbm>> -> memref<10000x16xf32, #tpu.memory_space<hbm>>
      tpu.enqueue_indirect_dma source(%dma_start3A_54 : memref<10000x16xf32, #tpu.memory_space<hbm>>) target(%arg11 : memref<2000x16xf32, #tpu.memory_space<vmem>>) offsets(%arg7 : memref<2000xi32, #tpu.memory_space<vmem>>) semaphore(%arg14 : memref<!tpu.dma_semaphore, #tpu.memory_space<semaphore_mem>>)
      %dma_wait3A_55 = arith.constant 0 : i32
      %dma_wait3A_56 = arith.constant 0 : i32
      %dma_wait3A_57 = tpu.memref_slice %arg3[%dma_wait3A_55, %dma_wait3A_56] : memref<10000x16xf32, #tpu.memory_space<hbm>> -> memref<10000x16xf32, #tpu.memory_space<hbm>>
      tpu.wait_indirect_dma semaphore(%arg13 : memref<!tpu.dma_semaphore, #tpu.memory_space<semaphore_mem>>) src(%dma_wait3A_57 : memref<10000x16xf32, #tpu.memory_space<hbm>>) dst(%arg10 : memref<2000x16xf32, #tpu.memory_space<vmem>>)
      %dma_start3A_58 = arith.constant 0 : i32
      %dma_start3A_59 = arith.constant 0 : i32
      %dma_start3A_60 = tpu.memref_slice %arg12[%dma_start3A_58, %dma_start3A_59] : memref<10240x16xf32, #tpu.memory_space<vmem_shared>> -> memref<10240x16xf32, #tpu.memory_space<vmem_shared>>
      tpu.enqueue_indirect_dma source(%arg10 : memref<2000x16xf32, #tpu.memory_space<vmem>>) target(%dma_start3A_60 : memref<10240x16xf32, #tpu.memory_space<vmem_shared>>) offsets(%arg8 : memref<2000xi32, #tpu.memory_space<vmem>>) semaphore(%arg15 : memref<!tpu.dma_semaphore, #tpu.memory_space<semaphore_mem>>) {add = true}
      %add3A_61 = arith.constant 8000 : i32
      %add3A_62 = arith.addi %mul3A_2, %add3A_61 : i32
      %dma_wait3A_63 = arith.constant 0 : i32
      %dma_wait3A_64 = arith.constant 0 : i32
      %dma_wait3A_65 = tpu.memref_slice %arg12[%dma_wait3A_63, %dma_wait3A_64] : memref<10240x16xf32, #tpu.memory_space<vmem_shared>> -> memref<10240x16xf32, #tpu.memory_space<vmem_shared>>
      tpu.wait_indirect_dma semaphore(%arg15 : memref<!tpu.dma_semaphore, #tpu.memory_space<semaphore_mem>>) src(%arg10 : memref<2000x16xf32, #tpu.memory_space<vmem>>) dst(%dma_wait3A_65 : memref<10240x16xf32, #tpu.memory_space<vmem_shared>>)
      %run_scoped3A_66 = arith.constant 0 : i32
      "tpu.region"() ({
        %run_scoped3A_86 = tpu.sem_alloc : memref<!tpu.dma_semaphore, #tpu.memory_space<semaphore_mem>>
        %dma_start3A_87 = tpu.memref_slice %arg2[%run_scoped3A_66, %add3A_62] : memref<2x320000xi32, #tpu.memory_space<hbm>> -> memref<1x2000xi32, #tpu.memory_space<hbm>>
        %dma_start3A_88 = tpu.memref_squeeze %dma_start3A_87 : memref<1x2000xi32, #tpu.memory_space<hbm>> -> memref<2000xi32, #tpu.memory_space<hbm>>
        %dma_start3A_89 = tpu.memref_slice %arg2[%run_scoped3A_66, %add3A_62] : memref<2x320000xi32, #tpu.memory_space<hbm>> -> memref<1x2000xi32, #tpu.memory_space<hbm>>
        %dma_start3A_90 = tpu.memref_squeeze %dma_start3A_89 : memref<1x2000xi32, #tpu.memory_space<hbm>> -> memref<2000xi32, #tpu.memory_space<hbm>>
        tpu.enqueue_dma source(%dma_start3A_90 : memref<2000xi32, #tpu.memory_space<hbm>>) target(%arg6 : memref<2000xi32, #tpu.memory_space<vmem>>) target_semaphore(%run_scoped3A_86 : memref<!tpu.dma_semaphore, #tpu.memory_space<semaphore_mem>>)
        %dma_wait3A_91 = tpu.memref_slice %arg2[%run_scoped3A_66, %add3A_62] : memref<2x320000xi32, #tpu.memory_space<hbm>> -> memref<1x2000xi32, #tpu.memory_space<hbm>>
        %dma_wait3A_92 = tpu.memref_squeeze %dma_wait3A_91 : memref<1x2000xi32, #tpu.memory_space<hbm>> -> memref<2000xi32, #tpu.memory_space<hbm>>
        %dma_wait3A_93 = tpu.memref_slice %arg2[%run_scoped3A_66, %add3A_62] : memref<2x320000xi32, #tpu.memory_space<hbm>> -> memref<1x2000xi32, #tpu.memory_space<hbm>>
        %dma_wait3A_94 = tpu.memref_squeeze %dma_wait3A_93 : memref<1x2000xi32, #tpu.memory_space<hbm>> -> memref<2000xi32, #tpu.memory_space<hbm>>
        tpu.wait_dma2 semaphore(%run_scoped3A_86 : memref<!tpu.dma_semaphore, #tpu.memory_space<semaphore_mem>>) src(%dma_wait3A_94 : memref<2000xi32, #tpu.memory_space<hbm>>) dst(%arg6 : memref<2000xi32, #tpu.memory_space<vmem>>)
        tpu.yield
      }) : () -> ()
      %run_scoped3A_67 = arith.constant 1 : i32
      "tpu.region"() ({
        %run_scoped3A_86 = tpu.sem_alloc : memref<!tpu.dma_semaphore, #tpu.memory_space<semaphore_mem>>
        %dma_start3A_87 = tpu.memref_slice %arg2[%run_scoped3A_67, %add3A_62] : memref<2x320000xi32, #tpu.memory_space<hbm>> -> memref<1x2000xi32, #tpu.memory_space<hbm>>
        %dma_start3A_88 = tpu.memref_squeeze %dma_start3A_87 : memref<1x2000xi32, #tpu.memory_space<hbm>> -> memref<2000xi32, #tpu.memory_space<hbm>>
        %dma_start3A_89 = tpu.memref_slice %arg2[%run_scoped3A_67, %add3A_62] : memref<2x320000xi32, #tpu.memory_space<hbm>> -> memref<1x2000xi32, #tpu.memory_space<hbm>>
        %dma_start3A_90 = tpu.memref_squeeze %dma_start3A_89 : memref<1x2000xi32, #tpu.memory_space<hbm>> -> memref<2000xi32, #tpu.memory_space<hbm>>
        tpu.enqueue_dma source(%dma_start3A_90 : memref<2000xi32, #tpu.memory_space<hbm>>) target(%arg8 : memref<2000xi32, #tpu.memory_space<vmem>>) target_semaphore(%run_scoped3A_86 : memref<!tpu.dma_semaphore, #tpu.memory_space<semaphore_mem>>)
        %dma_wait3A_91 = tpu.memref_slice %arg2[%run_scoped3A_67, %add3A_62] : memref<2x320000xi32, #tpu.memory_space<hbm>> -> memref<1x2000xi32, #tpu.memory_space<hbm>>
        %dma_wait3A_92 = tpu.memref_squeeze %dma_wait3A_91 : memref<1x2000xi32, #tpu.memory_space<hbm>> -> memref<2000xi32, #tpu.memory_space<hbm>>
        %dma_wait3A_93 = tpu.memref_slice %arg2[%run_scoped3A_67, %add3A_62] : memref<2x320000xi32, #tpu.memory_space<hbm>> -> memref<1x2000xi32, #tpu.memory_space<hbm>>
        %dma_wait3A_94 = tpu.memref_squeeze %dma_wait3A_93 : memref<1x2000xi32, #tpu.memory_space<hbm>> -> memref<2000xi32, #tpu.memory_space<hbm>>
        tpu.wait_dma2 semaphore(%run_scoped3A_86 : memref<!tpu.dma_semaphore, #tpu.memory_space<semaphore_mem>>) src(%dma_wait3A_94 : memref<2000xi32, #tpu.memory_space<hbm>>) dst(%arg8 : memref<2000xi32, #tpu.memory_space<vmem>>)
        tpu.yield
      }) : () -> ()
      %dma_start3A_68 = arith.constant 0 : i32
      %dma_start3A_69 = arith.constant 0 : i32
      %dma_start3A_70 = tpu.memref_slice %arg3[%dma_start3A_68, %dma_start3A_69] : memref<10000x16xf32, #tpu.memory_space<hbm>> -> memref<10000x16xf32, #tpu.memory_space<hbm>>
      tpu.enqueue_indirect_dma source(%dma_start3A_70 : memref<10000x16xf32, #tpu.memory_space<hbm>>) target(%arg10 : memref<2000x16xf32, #tpu.memory_space<vmem>>) offsets(%arg6 : memref<2000xi32, #tpu.memory_space<vmem>>) semaphore(%arg13 : memref<!tpu.dma_semaphore, #tpu.memory_space<semaphore_mem>>)
      %dma_wait3A_71 = arith.constant 0 : i32
      %dma_wait3A_72 = arith.constant 0 : i32
      %dma_wait3A_73 = tpu.memref_slice %arg3[%dma_wait3A_71, %dma_wait3A_72] : memref<10000x16xf32, #tpu.memory_space<hbm>> -> memref<10000x16xf32, #tpu.memory_space<hbm>>
      tpu.wait_indirect_dma semaphore(%arg14 : memref<!tpu.dma_semaphore, #tpu.memory_space<semaphore_mem>>) src(%dma_wait3A_73 : memref<10000x16xf32, #tpu.memory_space<hbm>>) dst(%arg11 : memref<2000x16xf32, #tpu.memory_space<vmem>>)
      %dma_start3A_74 = arith.constant 0 : i32
      %dma_start3A_75 = arith.constant 0 : i32
      %dma_start3A_76 = tpu.memref_slice %arg12[%dma_start3A_74, %dma_start3A_75] : memref<10240x16xf32, #tpu.memory_space<vmem_shared>> -> memref<10240x16xf32, #tpu.memory_space<vmem_shared>>
      tpu.enqueue_indirect_dma source(%arg11 : memref<2000x16xf32, #tpu.memory_space<vmem>>) target(%dma_start3A_76 : memref<10240x16xf32, #tpu.memory_space<vmem_shared>>) offsets(%arg9 : memref<2000xi32, #tpu.memory_space<vmem>>) semaphore(%arg16 : memref<!tpu.dma_semaphore, #tpu.memory_space<semaphore_mem>>) {add = true}
      %dma_wait3A_77 = arith.constant 0 : i32
      %dma_wait3A_78 = arith.constant 0 : i32
      %dma_wait3A_79 = tpu.memref_slice %arg3[%dma_wait3A_77, %dma_wait3A_78] : memref<10000x16xf32, #tpu.memory_space<hbm>> -> memref<10000x16xf32, #tpu.memory_space<hbm>>
      tpu.wait_indirect_dma semaphore(%arg13 : memref<!tpu.dma_semaphore, #tpu.memory_space<semaphore_mem>>) src(%dma_wait3A_79 : memref<10000x16xf32, #tpu.memory_space<hbm>>) dst(%arg10 : memref<2000x16xf32, #tpu.memory_space<vmem>>)
      %dma_start3A_80 = arith.constant 0 : i32
      %dma_start3A_81 = arith.constant 0 : i32
      %dma_start3A_82 = tpu.memref_slice %arg12[%dma_start3A_80, %dma_start3A_81] : memref<10240x16xf32, #tpu.memory_space<vmem_shared>> -> memref<10240x16xf32, #tpu.memory_space<vmem_shared>>
      tpu.enqueue_indirect_dma source(%arg10 : memref<2000x16xf32, #tpu.memory_space<vmem>>) target(%dma_start3A_82 : memref<10240x16xf32, #tpu.memory_space<vmem_shared>>) offsets(%arg8 : memref<2000xi32, #tpu.memory_space<vmem>>) semaphore(%arg15 : memref<!tpu.dma_semaphore, #tpu.memory_space<semaphore_mem>>) {add = true}
      %dma_wait3A_83 = arith.constant 0 : i32
      %dma_wait3A_84 = arith.constant 0 : i32
      %dma_wait3A_85 = tpu.memref_slice %arg12[%dma_wait3A_83, %dma_wait3A_84] : memref<10240x16xf32, #tpu.memory_space<vmem_shared>> -> memref<10240x16xf32, #tpu.memory_space<vmem_shared>>
      tpu.wait_indirect_dma semaphore(%arg15 : memref<!tpu.dma_semaphore, #tpu.memory_space<semaphore_mem>>) src(%arg10 : memref<2000x16xf32, #tpu.memory_space<vmem>>) dst(%dma_wait3A_85 : memref<10240x16xf32, #tpu.memory_space<vmem_shared>>)
    } else {
    }
    %eq3A_5 = arith.constant 1 : i32
    %eq3A_6 = arith.cmpi eq, %arg0, %eq3A_5 : i32
    %convert_element_type3A_7 = arith.extui %eq3A_6 : i1 to i32
    %cond3A_8 = arith.constant 0 : i32
    %cond3A_9 = arith.cmpi ne, %convert_element_type3A_7, %cond3A_8 : i32
    scf.if %cond3A_9 {
      %add3A = arith.constant 10000 : i32
      %add3A_15 = arith.addi %mul3A_2, %add3A : i32
      %run_scoped3A = arith.constant 0 : i32
      "tpu.region"() ({
        %run_scoped3A_88 = tpu.sem_alloc : memref<!tpu.dma_semaphore, #tpu.memory_space<semaphore_mem>>
        %dma_start3A_89 = tpu.memref_slice %arg2[%run_scoped3A, %add3A_15] : memref<2x320000xi32, #tpu.memory_space<hbm>> -> memref<1x2000xi32, #tpu.memory_space<hbm>>
        %dma_start3A_90 = tpu.memref_squeeze %dma_start3A_89 : memref<1x2000xi32, #tpu.memory_space<hbm>> -> memref<2000xi32, #tpu.memory_space<hbm>>
        %dma_start3A_91 = tpu.memref_slice %arg2[%run_scoped3A, %add3A_15] : memref<2x320000xi32, #tpu.memory_space<hbm>> -> memref<1x2000xi32, #tpu.memory_space<hbm>>
        %dma_start3A_92 = tpu.memref_squeeze %dma_start3A_91 : memref<1x2000xi32, #tpu.memory_space<hbm>> -> memref<2000xi32, #tpu.memory_space<hbm>>
        tpu.enqueue_dma source(%dma_start3A_92 : memref<2000xi32, #tpu.memory_space<hbm>>) target(%arg6 : memref<2000xi32, #tpu.memory_space<vmem>>) target_semaphore(%run_scoped3A_88 : memref<!tpu.dma_semaphore, #tpu.memory_space<semaphore_mem>>)
        %dma_wait3A_93 = tpu.memref_slice %arg2[%run_scoped3A, %add3A_15] : memref<2x320000xi32, #tpu.memory_space<hbm>> -> memref<1x2000xi32, #tpu.memory_space<hbm>>
        %dma_wait3A_94 = tpu.memref_squeeze %dma_wait3A_93 : memref<1x2000xi32, #tpu.memory_space<hbm>> -> memref<2000xi32, #tpu.memory_space<hbm>>
        %dma_wait3A_95 = tpu.memref_slice %arg2[%run_scoped3A, %add3A_15] : memref<2x320000xi32, #tpu.memory_space<hbm>> -> memref<1x2000xi32, #tpu.memory_space<hbm>>
        %dma_wait3A_96 = tpu.memref_squeeze %dma_wait3A_95 : memref<1x2000xi32, #tpu.memory_space<hbm>> -> memref<2000xi32, #tpu.memory_space<hbm>>
        tpu.wait_dma2 semaphore(%run_scoped3A_88 : memref<!tpu.dma_semaphore, #tpu.memory_space<semaphore_mem>>) src(%dma_wait3A_96 : memref<2000xi32, #tpu.memory_space<hbm>>) dst(%arg6 : memref<2000xi32, #tpu.memory_space<vmem>>)
        tpu.yield
      }) : () -> ()
      %run_scoped3A_16 = arith.constant 1 : i32
      "tpu.region"() ({
        %run_scoped3A_88 = tpu.sem_alloc : memref<!tpu.dma_semaphore, #tpu.memory_space<semaphore_mem>>
        %dma_start3A_89 = tpu.memref_slice %arg2[%run_scoped3A_16, %add3A_15] : memref<2x320000xi32, #tpu.memory_space<hbm>> -> memref<1x2000xi32, #tpu.memory_space<hbm>>
        %dma_start3A_90 = tpu.memref_squeeze %dma_start3A_89 : memref<1x2000xi32, #tpu.memory_space<hbm>> -> memref<2000xi32, #tpu.memory_space<hbm>>
        %dma_start3A_91 = tpu.memref_slice %arg2[%run_scoped3A_16, %add3A_15] : memref<2x320000xi32, #tpu.memory_space<hbm>> -> memref<1x2000xi32, #tpu.memory_space<hbm>>
        %dma_start3A_92 = tpu.memref_squeeze %dma_start3A_91 : memref<1x2000xi32, #tpu.memory_space<hbm>> -> memref<2000xi32, #tpu.memory_space<hbm>>
        tpu.enqueue_dma source(%dma_start3A_92 : memref<2000xi32, #tpu.memory_space<hbm>>) target(%arg8 : memref<2000xi32, #tpu.memory_space<vmem>>) target_semaphore(%run_scoped3A_88 : memref<!tpu.dma_semaphore, #tpu.memory_space<semaphore_mem>>)
        %dma_wait3A_93 = tpu.memref_slice %arg2[%run_scoped3A_16, %add3A_15] : memref<2x320000xi32, #tpu.memory_space<hbm>> -> memref<1x2000xi32, #tpu.memory_space<hbm>>
        %dma_wait3A_94 = tpu.memref_squeeze %dma_wait3A_93 : memref<1x2000xi32, #tpu.memory_space<hbm>> -> memref<2000xi32, #tpu.memory_space<hbm>>
        %dma_wait3A_95 = tpu.memref_slice %arg2[%run_scoped3A_16, %add3A_15] : memref<2x320000xi32, #tpu.memory_space<hbm>> -> memref<1x2000xi32, #tpu.memory_space<hbm>>
        %dma_wait3A_96 = tpu.memref_squeeze %dma_wait3A_95 : memref<1x2000xi32, #tpu.memory_space<hbm>> -> memref<2000xi32, #tpu.memory_space<hbm>>
        tpu.wait_dma2 semaphore(%run_scoped3A_88 : memref<!tpu.dma_semaphore, #tpu.memory_space<semaphore_mem>>) src(%dma_wait3A_96 : memref<2000xi32, #tpu.memory_space<hbm>>) dst(%arg8 : memref<2000xi32, #tpu.memory_space<vmem>>)
        tpu.yield
      }) : () -> ()
      %dma_start3A = arith.constant 0 : i32
      %dma_start3A_17 = arith.constant 0 : i32
      %dma_start3A_18 = tpu.memref_slice %arg3[%dma_start3A, %dma_start3A_17] : memref<10000x16xf32, #tpu.memory_space<hbm>> -> memref<10000x16xf32, #tpu.memory_space<hbm>>
      tpu.enqueue_indirect_dma source(%dma_start3A_18 : memref<10000x16xf32, #tpu.memory_space<hbm>>) target(%arg10 : memref<2000x16xf32, #tpu.memory_space<vmem>>) offsets(%arg6 : memref<2000xi32, #tpu.memory_space<vmem>>) semaphore(%arg13 : memref<!tpu.dma_semaphore, #tpu.memory_space<semaphore_mem>>)
      %add3A_19 = arith.constant 2000 : i32
      %add3A_20 = arith.addi %add3A_15, %add3A_19 : i32
      %run_scoped3A_21 = arith.constant 0 : i32
      "tpu.region"() ({
        %run_scoped3A_88 = tpu.sem_alloc : memref<!tpu.dma_semaphore, #tpu.memory_space<semaphore_mem>>
        %dma_start3A_89 = tpu.memref_slice %arg2[%run_scoped3A_21, %add3A_20] : memref<2x320000xi32, #tpu.memory_space<hbm>> -> memref<1x2000xi32, #tpu.memory_space<hbm>>
        %dma_start3A_90 = tpu.memref_squeeze %dma_start3A_89 : memref<1x2000xi32, #tpu.memory_space<hbm>> -> memref<2000xi32, #tpu.memory_space<hbm>>
        %dma_start3A_91 = tpu.memref_slice %arg2[%run_scoped3A_21, %add3A_20] : memref<2x320000xi32, #tpu.memory_space<hbm>> -> memref<1x2000xi32, #tpu.memory_space<hbm>>
        %dma_start3A_92 = tpu.memref_squeeze %dma_start3A_91 : memref<1x2000xi32, #tpu.memory_space<hbm>> -> memref<2000xi32, #tpu.memory_space<hbm>>
        tpu.enqueue_dma source(%dma_start3A_92 : memref<2000xi32, #tpu.memory_space<hbm>>) target(%arg7 : memref<2000xi32, #tpu.memory_space<vmem>>) target_semaphore(%run_scoped3A_88 : memref<!tpu.dma_semaphore, #tpu.memory_space<semaphore_mem>>)
        %dma_wait3A_93 = tpu.memref_slice %arg2[%run_scoped3A_21, %add3A_20] : memref<2x320000xi32, #tpu.memory_space<hbm>> -> memref<1x2000xi32, #tpu.memory_space<hbm>>
        %dma_wait3A_94 = tpu.memref_squeeze %dma_wait3A_93 : memref<1x2000xi32, #tpu.memory_space<hbm>> -> memref<2000xi32, #tpu.memory_space<hbm>>
        %dma_wait3A_95 = tpu.memref_slice %arg2[%run_scoped3A_21, %add3A_20] : memref<2x320000xi32, #tpu.memory_space<hbm>> -> memref<1x2000xi32, #tpu.memory_space<hbm>>
        %dma_wait3A_96 = tpu.memref_squeeze %dma_wait3A_95 : memref<1x2000xi32, #tpu.memory_space<hbm>> -> memref<2000xi32, #tpu.memory_space<hbm>>
        tpu.wait_dma2 semaphore(%run_scoped3A_88 : memref<!tpu.dma_semaphore, #tpu.memory_space<semaphore_mem>>) src(%dma_wait3A_96 : memref<2000xi32, #tpu.memory_space<hbm>>) dst(%arg7 : memref<2000xi32, #tpu.memory_space<vmem>>)
        tpu.yield
      }) : () -> ()
      %run_scoped3A_22 = arith.constant 1 : i32
      "tpu.region"() ({
        %run_scoped3A_88 = tpu.sem_alloc : memref<!tpu.dma_semaphore, #tpu.memory_space<semaphore_mem>>
        %dma_start3A_89 = tpu.memref_slice %arg2[%run_scoped3A_22, %add3A_20] : memref<2x320000xi32, #tpu.memory_space<hbm>> -> memref<1x2000xi32, #tpu.memory_space<hbm>>
        %dma_start3A_90 = tpu.memref_squeeze %dma_start3A_89 : memref<1x2000xi32, #tpu.memory_space<hbm>> -> memref<2000xi32, #tpu.memory_space<hbm>>
        %dma_start3A_91 = tpu.memref_slice %arg2[%run_scoped3A_22, %add3A_20] : memref<2x320000xi32, #tpu.memory_space<hbm>> -> memref<1x2000xi32, #tpu.memory_space<hbm>>
        %dma_start3A_92 = tpu.memref_squeeze %dma_start3A_91 : memref<1x2000xi32, #tpu.memory_space<hbm>> -> memref<2000xi32, #tpu.memory_space<hbm>>
        tpu.enqueue_dma source(%dma_start3A_92 : memref<2000xi32, #tpu.memory_space<hbm>>) target(%arg9 : memref<2000xi32, #tpu.memory_space<vmem>>) target_semaphore(%run_scoped3A_88 : memref<!tpu.dma_semaphore, #tpu.memory_space<semaphore_mem>>)
        %dma_wait3A_93 = tpu.memref_slice %arg2[%run_scoped3A_22, %add3A_20] : memref<2x320000xi32, #tpu.memory_space<hbm>> -> memref<1x2000xi32, #tpu.memory_space<hbm>>
        %dma_wait3A_94 = tpu.memref_squeeze %dma_wait3A_93 : memref<1x2000xi32, #tpu.memory_space<hbm>> -> memref<2000xi32, #tpu.memory_space<hbm>>
        %dma_wait3A_95 = tpu.memref_slice %arg2[%run_scoped3A_22, %add3A_20] : memref<2x320000xi32, #tpu.memory_space<hbm>> -> memref<1x2000xi32, #tpu.memory_space<hbm>>
        %dma_wait3A_96 = tpu.memref_squeeze %dma_wait3A_95 : memref<1x2000xi32, #tpu.memory_space<hbm>> -> memref<2000xi32, #tpu.memory_space<hbm>>
        tpu.wait_dma2 semaphore(%run_scoped3A_88 : memref<!tpu.dma_semaphore, #tpu.memory_space<semaphore_mem>>) src(%dma_wait3A_96 : memref<2000xi32, #tpu.memory_space<hbm>>) dst(%arg9 : memref<2000xi32, #tpu.memory_space<vmem>>)
        tpu.yield
      }) : () -> ()
      %dma_start3A_23 = arith.constant 0 : i32
      %dma_start3A_24 = arith.constant 0 : i32
      %dma_start3A_25 = tpu.memref_slice %arg3[%dma_start3A_23, %dma_start3A_24] : memref<10000x16xf32, #tpu.memory_space<hbm>> -> memref<10000x16xf32, #tpu.memory_space<hbm>>
      tpu.enqueue_indirect_dma source(%dma_start3A_25 : memref<10000x16xf32, #tpu.memory_space<hbm>>) target(%arg11 : memref<2000x16xf32, #tpu.memory_space<vmem>>) offsets(%arg7 : memref<2000xi32, #tpu.memory_space<vmem>>) semaphore(%arg14 : memref<!tpu.dma_semaphore, #tpu.memory_space<semaphore_mem>>)
      %dma_wait3A = arith.constant 0 : i32
      %dma_wait3A_26 = arith.constant 0 : i32
      %dma_wait3A_27 = tpu.memref_slice %arg3[%dma_wait3A, %dma_wait3A_26] : memref<10000x16xf32, #tpu.memory_space<hbm>> -> memref<10000x16xf32, #tpu.memory_space<hbm>>
      tpu.wait_indirect_dma semaphore(%arg13 : memref<!tpu.dma_semaphore, #tpu.memory_space<semaphore_mem>>) src(%dma_wait3A_27 : memref<10000x16xf32, #tpu.memory_space<hbm>>) dst(%arg10 : memref<2000x16xf32, #tpu.memory_space<vmem>>)
      %dma_start3A_28 = arith.constant 0 : i32
      %dma_start3A_29 = arith.constant 0 : i32
      %dma_start3A_30 = tpu.memref_slice %arg12[%dma_start3A_28, %dma_start3A_29] : memref<10240x16xf32, #tpu.memory_space<vmem_shared>> -> memref<10240x16xf32, #tpu.memory_space<vmem_shared>>
      tpu.enqueue_indirect_dma source(%arg10 : memref<2000x16xf32, #tpu.memory_space<vmem>>) target(%dma_start3A_30 : memref<10240x16xf32, #tpu.memory_space<vmem_shared>>) offsets(%arg8 : memref<2000xi32, #tpu.memory_space<vmem>>) semaphore(%arg15 : memref<!tpu.dma_semaphore, #tpu.memory_space<semaphore_mem>>) {add = true}
      %add3A_31 = arith.constant 4000 : i32
      %add3A_32 = arith.addi %add3A_15, %add3A_31 : i32
      %dma_wait3A_33 = arith.constant 0 : i32
      %dma_wait3A_34 = arith.constant 0 : i32
      %dma_wait3A_35 = tpu.memref_slice %arg12[%dma_wait3A_33, %dma_wait3A_34] : memref<10240x16xf32, #tpu.memory_space<vmem_shared>> -> memref<10240x16xf32, #tpu.memory_space<vmem_shared>>
      tpu.wait_indirect_dma semaphore(%arg15 : memref<!tpu.dma_semaphore, #tpu.memory_space<semaphore_mem>>) src(%arg10 : memref<2000x16xf32, #tpu.memory_space<vmem>>) dst(%dma_wait3A_35 : memref<10240x16xf32, #tpu.memory_space<vmem_shared>>)
      %run_scoped3A_36 = arith.constant 0 : i32
      "tpu.region"() ({
        %run_scoped3A_88 = tpu.sem_alloc : memref<!tpu.dma_semaphore, #tpu.memory_space<semaphore_mem>>
        %dma_start3A_89 = tpu.memref_slice %arg2[%run_scoped3A_36, %add3A_32] : memref<2x320000xi32, #tpu.memory_space<hbm>> -> memref<1x2000xi32, #tpu.memory_space<hbm>>
        %dma_start3A_90 = tpu.memref_squeeze %dma_start3A_89 : memref<1x2000xi32, #tpu.memory_space<hbm>> -> memref<2000xi32, #tpu.memory_space<hbm>>
        %dma_start3A_91 = tpu.memref_slice %arg2[%run_scoped3A_36, %add3A_32] : memref<2x320000xi32, #tpu.memory_space<hbm>> -> memref<1x2000xi32, #tpu.memory_space<hbm>>
        %dma_start3A_92 = tpu.memref_squeeze %dma_start3A_91 : memref<1x2000xi32, #tpu.memory_space<hbm>> -> memref<2000xi32, #tpu.memory_space<hbm>>
        tpu.enqueue_dma source(%dma_start3A_92 : memref<2000xi32, #tpu.memory_space<hbm>>) target(%arg6 : memref<2000xi32, #tpu.memory_space<vmem>>) target_semaphore(%run_scoped3A_88 : memref<!tpu.dma_semaphore, #tpu.memory_space<semaphore_mem>>)
        %dma_wait3A_93 = tpu.memref_slice %arg2[%run_scoped3A_36, %add3A_32] : memref<2x320000xi32, #tpu.memory_space<hbm>> -> memref<1x2000xi32, #tpu.memory_space<hbm>>
        %dma_wait3A_94 = tpu.memref_squeeze %dma_wait3A_93 : memref<1x2000xi32, #tpu.memory_space<hbm>> -> memref<2000xi32, #tpu.memory_space<hbm>>
        %dma_wait3A_95 = tpu.memref_slice %arg2[%run_scoped3A_36, %add3A_32] : memref<2x320000xi32, #tpu.memory_space<hbm>> -> memref<1x2000xi32, #tpu.memory_space<hbm>>
        %dma_wait3A_96 = tpu.memref_squeeze %dma_wait3A_95 : memref<1x2000xi32, #tpu.memory_space<hbm>> -> memref<2000xi32, #tpu.memory_space<hbm>>
        tpu.wait_dma2 semaphore(%run_scoped3A_88 : memref<!tpu.dma_semaphore, #tpu.memory_space<semaphore_mem>>) src(%dma_wait3A_96 : memref<2000xi32, #tpu.memory_space<hbm>>) dst(%arg6 : memref<2000xi32, #tpu.memory_space<vmem>>)
        tpu.yield
      }) : () -> ()
      %run_scoped3A_37 = arith.constant 1 : i32
      "tpu.region"() ({
        %run_scoped3A_88 = tpu.sem_alloc : memref<!tpu.dma_semaphore, #tpu.memory_space<semaphore_mem>>
        %dma_start3A_89 = tpu.memref_slice %arg2[%run_scoped3A_37, %add3A_32] : memref<2x320000xi32, #tpu.memory_space<hbm>> -> memref<1x2000xi32, #tpu.memory_space<hbm>>
        %dma_start3A_90 = tpu.memref_squeeze %dma_start3A_89 : memref<1x2000xi32, #tpu.memory_space<hbm>> -> memref<2000xi32, #tpu.memory_space<hbm>>
        %dma_start3A_91 = tpu.memref_slice %arg2[%run_scoped3A_37, %add3A_32] : memref<2x320000xi32, #tpu.memory_space<hbm>> -> memref<1x2000xi32, #tpu.memory_space<hbm>>
        %dma_start3A_92 = tpu.memref_squeeze %dma_start3A_91 : memref<1x2000xi32, #tpu.memory_space<hbm>> -> memref<2000xi32, #tpu.memory_space<hbm>>
        tpu.enqueue_dma source(%dma_start3A_92 : memref<2000xi32, #tpu.memory_space<hbm>>) target(%arg8 : memref<2000xi32, #tpu.memory_space<vmem>>) target_semaphore(%run_scoped3A_88 : memref<!tpu.dma_semaphore, #tpu.memory_space<semaphore_mem>>)
        %dma_wait3A_93 = tpu.memref_slice %arg2[%run_scoped3A_37, %add3A_32] : memref<2x320000xi32, #tpu.memory_space<hbm>> -> memref<1x2000xi32, #tpu.memory_space<hbm>>
        %dma_wait3A_94 = tpu.memref_squeeze %dma_wait3A_93 : memref<1x2000xi32, #tpu.memory_space<hbm>> -> memref<2000xi32, #tpu.memory_space<hbm>>
        %dma_wait3A_95 = tpu.memref_slice %arg2[%run_scoped3A_37, %add3A_32] : memref<2x320000xi32, #tpu.memory_space<hbm>> -> memref<1x2000xi32, #tpu.memory_space<hbm>>
        %dma_wait3A_96 = tpu.memref_squeeze %dma_wait3A_95 : memref<1x2000xi32, #tpu.memory_space<hbm>> -> memref<2000xi32, #tpu.memory_space<hbm>>
        tpu.wait_dma2 semaphore(%run_scoped3A_88 : memref<!tpu.dma_semaphore, #tpu.memory_space<semaphore_mem>>) src(%dma_wait3A_96 : memref<2000xi32, #tpu.memory_space<hbm>>) dst(%arg8 : memref<2000xi32, #tpu.memory_space<vmem>>)
        tpu.yield
      }) : () -> ()
      %dma_start3A_38 = arith.constant 0 : i32
      %dma_start3A_39 = arith.constant 0 : i32
      %dma_start3A_40 = tpu.memref_slice %arg3[%dma_start3A_38, %dma_start3A_39] : memref<10000x16xf32, #tpu.memory_space<hbm>> -> memref<10000x16xf32, #tpu.memory_space<hbm>>
      tpu.enqueue_indirect_dma source(%dma_start3A_40 : memref<10000x16xf32, #tpu.memory_space<hbm>>) target(%arg10 : memref<2000x16xf32, #tpu.memory_space<vmem>>) offsets(%arg6 : memref<2000xi32, #tpu.memory_space<vmem>>) semaphore(%arg13 : memref<!tpu.dma_semaphore, #tpu.memory_space<semaphore_mem>>)
      %dma_wait3A_41 = arith.constant 0 : i32
      %dma_wait3A_42 = arith.constant 0 : i32
      %dma_wait3A_43 = tpu.memref_slice %arg3[%dma_wait3A_41, %dma_wait3A_42] : memref<10000x16xf32, #tpu.memory_space<hbm>> -> memref<10000x16xf32, #tpu.memory_space<hbm>>
      tpu.wait_indirect_dma semaphore(%arg14 : memref<!tpu.dma_semaphore, #tpu.memory_space<semaphore_mem>>) src(%dma_wait3A_43 : memref<10000x16xf32, #tpu.memory_space<hbm>>) dst(%arg11 : memref<2000x16xf32, #tpu.memory_space<vmem>>)
      %dma_start3A_44 = arith.constant 0 : i32
      %dma_start3A_45 = arith.constant 0 : i32
      %dma_start3A_46 = tpu.memref_slice %arg12[%dma_start3A_44, %dma_start3A_45] : memref<10240x16xf32, #tpu.memory_space<vmem_shared>> -> memref<10240x16xf32, #tpu.memory_space<vmem_shared>>
      tpu.enqueue_indirect_dma source(%arg11 : memref<2000x16xf32, #tpu.memory_space<vmem>>) target(%dma_start3A_46 : memref<10240x16xf32, #tpu.memory_space<vmem_shared>>) offsets(%arg9 : memref<2000xi32, #tpu.memory_space<vmem>>) semaphore(%arg16 : memref<!tpu.dma_semaphore, #tpu.memory_space<semaphore_mem>>) {add = true}
      %add3A_47 = arith.constant 6000 : i32
      %add3A_48 = arith.addi %add3A_15, %add3A_47 : i32
      %dma_wait3A_49 = arith.constant 0 : i32
      %dma_wait3A_50 = arith.constant 0 : i32
      %dma_wait3A_51 = tpu.memref_slice %arg12[%dma_wait3A_49, %dma_wait3A_50] : memref<10240x16xf32, #tpu.memory_space<vmem_shared>> -> memref<10240x16xf32, #tpu.memory_space<vmem_shared>>
      tpu.wait_indirect_dma semaphore(%arg16 : memref<!tpu.dma_semaphore, #tpu.memory_space<semaphore_mem>>) src(%arg11 : memref<2000x16xf32, #tpu.memory_space<vmem>>) dst(%dma_wait3A_51 : memref<10240x16xf32, #tpu.memory_space<vmem_shared>>)
      %run_scoped3A_52 = arith.constant 0 : i32
      "tpu.region"() ({
        %run_scoped3A_88 = tpu.sem_alloc : memref<!tpu.dma_semaphore, #tpu.memory_space<semaphore_mem>>
        %dma_start3A_89 = tpu.memref_slice %arg2[%run_scoped3A_52, %add3A_48] : memref<2x320000xi32, #tpu.memory_space<hbm>> -> memref<1x2000xi32, #tpu.memory_space<hbm>>
        %dma_start3A_90 = tpu.memref_squeeze %dma_start3A_89 : memref<1x2000xi32, #tpu.memory_space<hbm>> -> memref<2000xi32, #tpu.memory_space<hbm>>
        %dma_start3A_91 = tpu.memref_slice %arg2[%run_scoped3A_52, %add3A_48] : memref<2x320000xi32, #tpu.memory_space<hbm>> -> memref<1x2000xi32, #tpu.memory_space<hbm>>
        %dma_start3A_92 = tpu.memref_squeeze %dma_start3A_91 : memref<1x2000xi32, #tpu.memory_space<hbm>> -> memref<2000xi32, #tpu.memory_space<hbm>>
        tpu.enqueue_dma source(%dma_start3A_92 : memref<2000xi32, #tpu.memory_space<hbm>>) target(%arg7 : memref<2000xi32, #tpu.memory_space<vmem>>) target_semaphore(%run_scoped3A_88 : memref<!tpu.dma_semaphore, #tpu.memory_space<semaphore_mem>>)
        %dma_wait3A_93 = tpu.memref_slice %arg2[%run_scoped3A_52, %add3A_48] : memref<2x320000xi32, #tpu.memory_space<hbm>> -> memref<1x2000xi32, #tpu.memory_space<hbm>>
        %dma_wait3A_94 = tpu.memref_squeeze %dma_wait3A_93 : memref<1x2000xi32, #tpu.memory_space<hbm>> -> memref<2000xi32, #tpu.memory_space<hbm>>
        %dma_wait3A_95 = tpu.memref_slice %arg2[%run_scoped3A_52, %add3A_48] : memref<2x320000xi32, #tpu.memory_space<hbm>> -> memref<1x2000xi32, #tpu.memory_space<hbm>>
        %dma_wait3A_96 = tpu.memref_squeeze %dma_wait3A_95 : memref<1x2000xi32, #tpu.memory_space<hbm>> -> memref<2000xi32, #tpu.memory_space<hbm>>
        tpu.wait_dma2 semaphore(%run_scoped3A_88 : memref<!tpu.dma_semaphore, #tpu.memory_space<semaphore_mem>>) src(%dma_wait3A_96 : memref<2000xi32, #tpu.memory_space<hbm>>) dst(%arg7 : memref<2000xi32, #tpu.memory_space<vmem>>)
        tpu.yield
      }) : () -> ()
      %run_scoped3A_53 = arith.constant 1 : i32
      "tpu.region"() ({
        %run_scoped3A_88 = tpu.sem_alloc : memref<!tpu.dma_semaphore, #tpu.memory_space<semaphore_mem>>
        %dma_start3A_89 = tpu.memref_slice %arg2[%run_scoped3A_53, %add3A_48] : memref<2x320000xi32, #tpu.memory_space<hbm>> -> memref<1x2000xi32, #tpu.memory_space<hbm>>
        %dma_start3A_90 = tpu.memref_squeeze %dma_start3A_89 : memref<1x2000xi32, #tpu.memory_space<hbm>> -> memref<2000xi32, #tpu.memory_space<hbm>>
        %dma_start3A_91 = tpu.memref_slice %arg2[%run_scoped3A_53, %add3A_48] : memref<2x320000xi32, #tpu.memory_space<hbm>> -> memref<1x2000xi32, #tpu.memory_space<hbm>>
        %dma_start3A_92 = tpu.memref_squeeze %dma_start3A_91 : memref<1x2000xi32, #tpu.memory_space<hbm>> -> memref<2000xi32, #tpu.memory_space<hbm>>
        tpu.enqueue_dma source(%dma_start3A_92 : memref<2000xi32, #tpu.memory_space<hbm>>) target(%arg9 : memref<2000xi32, #tpu.memory_space<vmem>>) target_semaphore(%run_scoped3A_88 : memref<!tpu.dma_semaphore, #tpu.memory_space<semaphore_mem>>)
        %dma_wait3A_93 = tpu.memref_slice %arg2[%run_scoped3A_53, %add3A_48] : memref<2x320000xi32, #tpu.memory_space<hbm>> -> memref<1x2000xi32, #tpu.memory_space<hbm>>
        %dma_wait3A_94 = tpu.memref_squeeze %dma_wait3A_93 : memref<1x2000xi32, #tpu.memory_space<hbm>> -> memref<2000xi32, #tpu.memory_space<hbm>>
        %dma_wait3A_95 = tpu.memref_slice %arg2[%run_scoped3A_53, %add3A_48] : memref<2x320000xi32, #tpu.memory_space<hbm>> -> memref<1x2000xi32, #tpu.memory_space<hbm>>
        %dma_wait3A_96 = tpu.memref_squeeze %dma_wait3A_95 : memref<1x2000xi32, #tpu.memory_space<hbm>> -> memref<2000xi32, #tpu.memory_space<hbm>>
        tpu.wait_dma2 semaphore(%run_scoped3A_88 : memref<!tpu.dma_semaphore, #tpu.memory_space<semaphore_mem>>) src(%dma_wait3A_96 : memref<2000xi32, #tpu.memory_space<hbm>>) dst(%arg9 : memref<2000xi32, #tpu.memory_space<vmem>>)
        tpu.yield
      }) : () -> ()
      %dma_start3A_54 = arith.constant 0 : i32
      %dma_start3A_55 = arith.constant 0 : i32
      %dma_start3A_56 = tpu.memref_slice %arg3[%dma_start3A_54, %dma_start3A_55] : memref<10000x16xf32, #tpu.memory_space<hbm>> -> memref<10000x16xf32, #tpu.memory_space<hbm>>
      tpu.enqueue_indirect_dma source(%dma_start3A_56 : memref<10000x16xf32, #tpu.memory_space<hbm>>) target(%arg11 : memref<2000x16xf32, #tpu.memory_space<vmem>>) offsets(%arg7 : memref<2000xi32, #tpu.memory_space<vmem>>) semaphore(%arg14 : memref<!tpu.dma_semaphore, #tpu.memory_space<semaphore_mem>>)
      %dma_wait3A_57 = arith.constant 0 : i32
      %dma_wait3A_58 = arith.constant 0 : i32
      %dma_wait3A_59 = tpu.memref_slice %arg3[%dma_wait3A_57, %dma_wait3A_58] : memref<10000x16xf32, #tpu.memory_space<hbm>> -> memref<10000x16xf32, #tpu.memory_space<hbm>>
      tpu.wait_indirect_dma semaphore(%arg13 : memref<!tpu.dma_semaphore, #tpu.memory_space<semaphore_mem>>) src(%dma_wait3A_59 : memref<10000x16xf32, #tpu.memory_space<hbm>>) dst(%arg10 : memref<2000x16xf32, #tpu.memory_space<vmem>>)
      %dma_start3A_60 = arith.constant 0 : i32
      %dma_start3A_61 = arith.constant 0 : i32
      %dma_start3A_62 = tpu.memref_slice %arg12[%dma_start3A_60, %dma_start3A_61] : memref<10240x16xf32, #tpu.memory_space<vmem_shared>> -> memref<10240x16xf32, #tpu.memory_space<vmem_shared>>
      tpu.enqueue_indirect_dma source(%arg10 : memref<2000x16xf32, #tpu.memory_space<vmem>>) target(%dma_start3A_62 : memref<10240x16xf32, #tpu.memory_space<vmem_shared>>) offsets(%arg8 : memref<2000xi32, #tpu.memory_space<vmem>>) semaphore(%arg15 : memref<!tpu.dma_semaphore, #tpu.memory_space<semaphore_mem>>) {add = true}
      %add3A_63 = arith.constant 8000 : i32
      %add3A_64 = arith.addi %add3A_15, %add3A_63 : i32
      %dma_wait3A_65 = arith.constant 0 : i32
      %dma_wait3A_66 = arith.constant 0 : i32
      %dma_wait3A_67 = tpu.memref_slice %arg12[%dma_wait3A_65, %dma_wait3A_66] : memref<10240x16xf32, #tpu.memory_space<vmem_shared>> -> memref<10240x16xf32, #tpu.memory_space<vmem_shared>>
      tpu.wait_indirect_dma semaphore(%arg15 : memref<!tpu.dma_semaphore, #tpu.memory_space<semaphore_mem>>) src(%arg10 : memref<2000x16xf32, #tpu.memory_space<vmem>>) dst(%dma_wait3A_67 : memref<10240x16xf32, #tpu.memory_space<vmem_shared>>)
      %run_scoped3A_68 = arith.constant 0 : i32
      "tpu.region"() ({
        %run_scoped3A_88 = tpu.sem_alloc : memref<!tpu.dma_semaphore, #tpu.memory_space<semaphore_mem>>
        %dma_start3A_89 = tpu.memref_slice %arg2[%run_scoped3A_68, %add3A_64] : memref<2x320000xi32, #tpu.memory_space<hbm>> -> memref<1x2000xi32, #tpu.memory_space<hbm>>
        %dma_start3A_90 = tpu.memref_squeeze %dma_start3A_89 : memref<1x2000xi32, #tpu.memory_space<hbm>> -> memref<2000xi32, #tpu.memory_space<hbm>>
        %dma_start3A_91 = tpu.memref_slice %arg2[%run_scoped3A_68, %add3A_64] : memref<2x320000xi32, #tpu.memory_space<hbm>> -> memref<1x2000xi32, #tpu.memory_space<hbm>>
        %dma_start3A_92 = tpu.memref_squeeze %dma_start3A_91 : memref<1x2000xi32, #tpu.memory_space<hbm>> -> memref<2000xi32, #tpu.memory_space<hbm>>
        tpu.enqueue_dma source(%dma_start3A_92 : memref<2000xi32, #tpu.memory_space<hbm>>) target(%arg6 : memref<2000xi32, #tpu.memory_space<vmem>>) target_semaphore(%run_scoped3A_88 : memref<!tpu.dma_semaphore, #tpu.memory_space<semaphore_mem>>)
        %dma_wait3A_93 = tpu.memref_slice %arg2[%run_scoped3A_68, %add3A_64] : memref<2x320000xi32, #tpu.memory_space<hbm>> -> memref<1x2000xi32, #tpu.memory_space<hbm>>
        %dma_wait3A_94 = tpu.memref_squeeze %dma_wait3A_93 : memref<1x2000xi32, #tpu.memory_space<hbm>> -> memref<2000xi32, #tpu.memory_space<hbm>>
        %dma_wait3A_95 = tpu.memref_slice %arg2[%run_scoped3A_68, %add3A_64] : memref<2x320000xi32, #tpu.memory_space<hbm>> -> memref<1x2000xi32, #tpu.memory_space<hbm>>
        %dma_wait3A_96 = tpu.memref_squeeze %dma_wait3A_95 : memref<1x2000xi32, #tpu.memory_space<hbm>> -> memref<2000xi32, #tpu.memory_space<hbm>>
        tpu.wait_dma2 semaphore(%run_scoped3A_88 : memref<!tpu.dma_semaphore, #tpu.memory_space<semaphore_mem>>) src(%dma_wait3A_96 : memref<2000xi32, #tpu.memory_space<hbm>>) dst(%arg6 : memref<2000xi32, #tpu.memory_space<vmem>>)
        tpu.yield
      }) : () -> ()
      %run_scoped3A_69 = arith.constant 1 : i32
      "tpu.region"() ({
        %run_scoped3A_88 = tpu.sem_alloc : memref<!tpu.dma_semaphore, #tpu.memory_space<semaphore_mem>>
        %dma_start3A_89 = tpu.memref_slice %arg2[%run_scoped3A_69, %add3A_64] : memref<2x320000xi32, #tpu.memory_space<hbm>> -> memref<1x2000xi32, #tpu.memory_space<hbm>>
        %dma_start3A_90 = tpu.memref_squeeze %dma_start3A_89 : memref<1x2000xi32, #tpu.memory_space<hbm>> -> memref<2000xi32, #tpu.memory_space<hbm>>
        %dma_start3A_91 = tpu.memref_slice %arg2[%run_scoped3A_69, %add3A_64] : memref<2x320000xi32, #tpu.memory_space<hbm>> -> memref<1x2000xi32, #tpu.memory_space<hbm>>
        %dma_start3A_92 = tpu.memref_squeeze %dma_start3A_91 : memref<1x2000xi32, #tpu.memory_space<hbm>> -> memref<2000xi32, #tpu.memory_space<hbm>>
        tpu.enqueue_dma source(%dma_start3A_92 : memref<2000xi32, #tpu.memory_space<hbm>>) target(%arg8 : memref<2000xi32, #tpu.memory_space<vmem>>) target_semaphore(%run_scoped3A_88 : memref<!tpu.dma_semaphore, #tpu.memory_space<semaphore_mem>>)
        %dma_wait3A_93 = tpu.memref_slice %arg2[%run_scoped3A_69, %add3A_64] : memref<2x320000xi32, #tpu.memory_space<hbm>> -> memref<1x2000xi32, #tpu.memory_space<hbm>>
        %dma_wait3A_94 = tpu.memref_squeeze %dma_wait3A_93 : memref<1x2000xi32, #tpu.memory_space<hbm>> -> memref<2000xi32, #tpu.memory_space<hbm>>
        %dma_wait3A_95 = tpu.memref_slice %arg2[%run_scoped3A_69, %add3A_64] : memref<2x320000xi32, #tpu.memory_space<hbm>> -> memref<1x2000xi32, #tpu.memory_space<hbm>>
        %dma_wait3A_96 = tpu.memref_squeeze %dma_wait3A_95 : memref<1x2000xi32, #tpu.memory_space<hbm>> -> memref<2000xi32, #tpu.memory_space<hbm>>
        tpu.wait_dma2 semaphore(%run_scoped3A_88 : memref<!tpu.dma_semaphore, #tpu.memory_space<semaphore_mem>>) src(%dma_wait3A_96 : memref<2000xi32, #tpu.memory_space<hbm>>) dst(%arg8 : memref<2000xi32, #tpu.memory_space<vmem>>)
        tpu.yield
      }) : () -> ()
      %dma_start3A_70 = arith.constant 0 : i32
      %dma_start3A_71 = arith.constant 0 : i32
      %dma_start3A_72 = tpu.memref_slice %arg3[%dma_start3A_70, %dma_start3A_71] : memref<10000x16xf32, #tpu.memory_space<hbm>> -> memref<10000x16xf32, #tpu.memory_space<hbm>>
      tpu.enqueue_indirect_dma source(%dma_start3A_72 : memref<10000x16xf32, #tpu.memory_space<hbm>>) target(%arg10 : memref<2000x16xf32, #tpu.memory_space<vmem>>) offsets(%arg6 : memref<2000xi32, #tpu.memory_space<vmem>>) semaphore(%arg13 : memref<!tpu.dma_semaphore, #tpu.memory_space<semaphore_mem>>)
      %dma_wait3A_73 = arith.constant 0 : i32
      %dma_wait3A_74 = arith.constant 0 : i32
      %dma_wait3A_75 = tpu.memref_slice %arg3[%dma_wait3A_73, %dma_wait3A_74] : memref<10000x16xf32, #tpu.memory_space<hbm>> -> memref<10000x16xf32, #tpu.memory_space<hbm>>
      tpu.wait_indirect_dma semaphore(%arg14 : memref<!tpu.dma_semaphore, #tpu.memory_space<semaphore_mem>>) src(%dma_wait3A_75 : memref<10000x16xf32, #tpu.memory_space<hbm>>) dst(%arg11 : memref<2000x16xf32, #tpu.memory_space<vmem>>)
      %dma_start3A_76 = arith.constant 0 : i32
      %dma_start3A_77 = arith.constant 0 : i32
      %dma_start3A_78 = tpu.memref_slice %arg12[%dma_start3A_76, %dma_start3A_77] : memref<10240x16xf32, #tpu.memory_space<vmem_shared>> -> memref<10240x16xf32, #tpu.memory_space<vmem_shared>>
      tpu.enqueue_indirect_dma source(%arg11 : memref<2000x16xf32, #tpu.memory_space<vmem>>) target(%dma_start3A_78 : memref<10240x16xf32, #tpu.memory_space<vmem_shared>>) offsets(%arg9 : memref<2000xi32, #tpu.memory_space<vmem>>) semaphore(%arg16 : memref<!tpu.dma_semaphore, #tpu.memory_space<semaphore_mem>>) {add = true}
      %dma_wait3A_79 = arith.constant 0 : i32
      %dma_wait3A_80 = arith.constant 0 : i32
      %dma_wait3A_81 = tpu.memref_slice %arg3[%dma_wait3A_79, %dma_wait3A_80] : memref<10000x16xf32, #tpu.memory_space<hbm>> -> memref<10000x16xf32, #tpu.memory_space<hbm>>
      tpu.wait_indirect_dma semaphore(%arg13 : memref<!tpu.dma_semaphore, #tpu.memory_space<semaphore_mem>>) src(%dma_wait3A_81 : memref<10000x16xf32, #tpu.memory_space<hbm>>) dst(%arg10 : memref<2000x16xf32, #tpu.memory_space<vmem>>)
      %dma_start3A_82 = arith.constant 0 : i32
      %dma_start3A_83 = arith.constant 0 : i32
      %dma_start3A_84 = tpu.memref_slice %arg12[%dma_start3A_82, %dma_start3A_83] : memref<10240x16xf32, #tpu.memory_space<vmem_shared>> -> memref<10240x16xf32, #tpu.memory_space<vmem_shared>>
      tpu.enqueue_indirect_dma source(%arg10 : memref<2000x16xf32, #tpu.memory_space<vmem>>) target(%dma_start3A_84 : memref<10240x16xf32, #tpu.memory_space<vmem_shared>>) offsets(%arg8 : memref<2000xi32, #tpu.memory_space<vmem>>) semaphore(%arg15 : memref<!tpu.dma_semaphore, #tpu.memory_space<semaphore_mem>>) {add = true}
      %dma_wait3A_85 = arith.constant 0 : i32
      %dma_wait3A_86 = arith.constant 0 : i32
      %dma_wait3A_87 = tpu.memref_slice %arg12[%dma_wait3A_85, %dma_wait3A_86] : memref<10240x16xf32, #tpu.memory_space<vmem_shared>> -> memref<10240x16xf32, #tpu.memory_space<vmem_shared>>
      tpu.wait_indirect_dma semaphore(%arg15 : memref<!tpu.dma_semaphore, #tpu.memory_space<semaphore_mem>>) src(%arg10 : memref<2000x16xf32, #tpu.memory_space<vmem>>) dst(%dma_wait3A_87 : memref<10240x16xf32, #tpu.memory_space<vmem_shared>>)
    } else {
    }
    %barrier3A_10 = arith.constant 0 : index
    tpu.barrier barrier_id(%barrier3A_10)
    %mul3A_11 = arith.constant 640 : i32
    %mul3A_12 = arith.muli %arg1, %mul3A_11 : i32
    %mul3A_13 = arith.constant 640 : i32
    %mul3A_14 = arith.muli %arg1, %mul3A_13 : i32
    "tpu.region"() ({
      %run_scoped3A = tpu.sem_alloc : memref<!tpu.dma_semaphore, #tpu.memory_space<semaphore_mem>>
      %dma_start3A = arith.constant 0 : i32
      %dma_start3A_15 = tpu.memref_slice %arg5[%arg0, %mul3A_14, %dma_start3A] : memref<2x10240x16xf32, #tpu.memory_space<hbm>> -> memref<1x640x16xf32, #tpu.memory_space<hbm>>
      %dma_start3A_16 = tpu.memref_squeeze %dma_start3A_15 : memref<1x640x16xf32, #tpu.memory_space<hbm>> -> memref<640x16xf32, #tpu.memory_space<hbm>>
      %dma_start3A_17 = arith.constant 0 : i32
      %dma_start3A_18 = tpu.memref_slice %arg12[%mul3A_12, %dma_start3A_17] : memref<10240x16xf32, #tpu.memory_space<vmem_shared>> -> memref<640x16xf32, #tpu.memory_space<vmem_shared>>
      tpu.enqueue_dma source(%dma_start3A_18 : memref<640x16xf32, #tpu.memory_space<vmem_shared>>) target(%dma_start3A_16 : memref<640x16xf32, #tpu.memory_space<hbm>>) target_semaphore(%run_scoped3A : memref<!tpu.dma_semaphore, #tpu.memory_space<semaphore_mem>>)
      %dma_wait3A = arith.constant 0 : i32
      %dma_wait3A_19 = tpu.memref_slice %arg5[%arg0, %mul3A_14, %dma_wait3A] : memref<2x10240x16xf32, #tpu.memory_space<hbm>> -> memref<1x640x16xf32, #tpu.memory_space<hbm>>
      %dma_wait3A_20 = tpu.memref_squeeze %dma_wait3A_19 : memref<1x640x16xf32, #tpu.memory_space<hbm>> -> memref<640x16xf32, #tpu.memory_space<hbm>>
      %dma_wait3A_21 = arith.constant 0 : i32
      %dma_wait3A_22 = tpu.memref_slice %arg12[%mul3A_12, %dma_wait3A_21] : memref<10240x16xf32, #tpu.memory_space<vmem_shared>> -> memref<640x16xf32, #tpu.memory_space<vmem_shared>>
      tpu.wait_dma2 semaphore(%run_scoped3A : memref<!tpu.dma_semaphore, #tpu.memory_space<semaphore_mem>>) src(%dma_wait3A_22 : memref<640x16xf32, #tpu.memory_space<vmem_shared>>) dst(%dma_wait3A_20 : memref<640x16xf32, #tpu.memory_space<hbm>>)
      tpu.yield
    }) : () -> ()
    return
  }
}

module attributes {stable_mosaic.version = 14 : i64} {
  func.func @_tc0_body(%arg0: i32, %arg1: memref<1000x128xf32, #tpu.memory_space<vmem>>, %arg2: memref<128x16xf32, #tpu.memory_space<vmem>>, %arg3: memref<1000x16xf32, #tpu.memory_space<vmem>>) attributes {dimension_semantics = [#tpu.dimension_semantics<arbitrary>], iteration_bounds = array<i64: 10>, scalar_prefetch = 0 : i64, scratch_operands = 0 : i64, tpu.core_type = #tpu.core_type<tc>, window_params = [{transform_indices = @transform_0, window_bounds = array<i64: 1000, 128>}, {pipeline_mode = #tpu.pipeline_mode<synchronous>, transform_indices = @transform_1, window_bounds = array<i64: 128, 16>}, {transform_indices = @transform_2, window_bounds = array<i64: 1000, 16>}]} {
    %get3A = arith.constant 0 : index
    %get3A_0 = arith.constant 0 : index
    %get3A_1 = vector.load %arg1[%get3A, %get3A_0] : memref<1000x128xf32, #tpu.memory_space<vmem>>, vector<1000x128xf32>
    %get3A_2 = arith.constant 0 : index
    %get3A_3 = arith.constant 0 : index
    %get3A_4 = vector.load %arg2[%get3A_2, %get3A_3] : memref<128x16xf32, #tpu.memory_space<vmem>>, vector<128x16xf32>
    %dot_general3A = arith.constant dense<0.000000e+00> : vector<1000x16xf32>
    %dot_general3A_5 = tpu.matmul %get3A_1, %get3A_4, %dot_general3A {dimension_numbers = #tpu.dot_dimension_numbers<[1], [0], [0], [1], [0, 0, 1, 1], [], []>, transpose_lhs_hint = false} : vector<1000x128xf32>, vector<128x16xf32>, vector<1000x16xf32> -> vector<1000x16xf32>
    %swap3A = arith.constant 0 : index
    %swap3A_6 = arith.constant 0 : index
    %swap3A_7 = vector.load %arg3[%swap3A, %swap3A_6] : memref<1000x16xf32, #tpu.memory_space<vmem>>, vector<1000x16xf32>
    tpu.vector_store %arg3[%swap3A, %swap3A_6], %dot_general3A_5 {strides = array<i32>} : memref<1000x16xf32, #tpu.memory_space<vmem>>, vector<1000x16xf32>,
    return
  }
  func.func @transform_0(%arg0: i32) -> (i32, i32) {
    %c0_i32 = arith.constant 0 : i32
    %c0_i32_0 = arith.constant 0 : i32
    return %arg0, %c0_i32 : i32, i32
  }
  func.func @transform_1(%arg0: i32) -> (i32, i32) {
    %c0_i32 = arith.constant 0 : i32
    %c0_i32_0 = arith.constant 0 : i32
    %c0_i32_1 = arith.constant 0 : i32
    return %c0_i32, %c0_i32_0 : i32, i32
  }
  func.func @transform_2(%arg0: i32) -> (i32, i32) {
    %c0_i32 = arith.constant 0 : i32
    %c0_i32_0 = arith.constant 0 : i32
    return %arg0, %c0_i32 : i32, i32
  }
}

module attributes {stable_mosaic.version = 14 : i64} {
  func.func @_tc1_body(%arg0: i32, %arg1: memref<1000x16xf32, #tpu.memory_space<vmem>>, %arg2: memref<1000x1xf32, #tpu.memory_space<vmem>>, %arg3: memref<1000x1xf32, #tpu.memory_space<vmem>>, %arg4: memref<1000x16xf32, #tpu.memory_space<vmem>>, %arg5: memref<1000x1xf32, #tpu.memory_space<vmem>>) attributes {dimension_semantics = [#tpu.dimension_semantics<arbitrary>], iteration_bounds = array<i64: 10>, scalar_prefetch = 0 : i64, scratch_operands = 0 : i64, tpu.core_type = #tpu.core_type<tc>, window_params = [{transform_indices = @transform_0, window_bounds = array<i64: 1000, 16>}, {transform_indices = @transform_1, window_bounds = array<i64: 1000, 1>}, {transform_indices = @transform_2, window_bounds = array<i64: 1000, 1>}, {transform_indices = @transform_3, window_bounds = array<i64: 1000, 16>}, {transform_indices = @transform_4, window_bounds = array<i64: 1000, 1>}]} {
    %get3A = arith.constant 0 : index
    %get3A_0 = arith.constant 0 : index
    %get3A_1 = vector.load %arg2[%get3A, %get3A_0] : memref<1000x1xf32, #tpu.memory_space<vmem>>, vector<1000x1xf32>
    %get3A_2 = arith.constant 0 : index
    %get3A_3 = arith.constant 0 : index
    %get3A_4 = vector.load %arg3[%get3A_2, %get3A_3] : memref<1000x1xf32, #tpu.memory_space<vmem>>, vector<1000x1xf32>
    %add3A = arith.addf %get3A_1, %get3A_4 : vector<1000x1xf32>
    %add3A_5 = arith.constant 1.000000e+00 : f32
    %add3A_6 = vector.broadcast %add3A_5 : f32 to vector<1000x1xf32>
    %add3A_7 = arith.addf %add3A, %add3A_6 : vector<1000x1xf32>
    %rsqrt3A = math.rsqrt %add3A_7 : vector<1000x1xf32>
    %get3A_8 = arith.constant 0 : index
    %get3A_9 = arith.constant 0 : index
    %get3A_10 = vector.load %arg1[%get3A_8, %get3A_9] : memref<1000x16xf32, #tpu.memory_space<vmem>>, vector<1000x16xf32>
    %mul3A = vector.broadcast %rsqrt3A : vector<1000x1xf32> to vector<1000x16xf32>
    %mul3A_11 = arith.mulf %get3A_10, %mul3A : vector<1000x16xf32>
    %swap3A = arith.constant 0 : index
    %swap3A_12 = arith.constant 0 : index
    %swap3A_13 = vector.load %arg4[%swap3A, %swap3A_12] : memref<1000x16xf32, #tpu.memory_space<vmem>>, vector<1000x16xf32>
    tpu.vector_store %arg4[%swap3A, %swap3A_12], %mul3A_11 {strides = array<i32>} : memref<1000x16xf32, #tpu.memory_space<vmem>>, vector<1000x16xf32>,
    %swap3A_14 = arith.constant 0 : index
    %swap3A_15 = arith.constant 0 : index
    %swap3A_16 = vector.load %arg5[%swap3A_14, %swap3A_15] : memref<1000x1xf32, #tpu.memory_space<vmem>>, vector<1000x1xf32>
    tpu.vector_store %arg5[%swap3A_14, %swap3A_15], %rsqrt3A {strides = array<i32>} : memref<1000x1xf32, #tpu.memory_space<vmem>>, vector<1000x1xf32>,
    return
  }
  func.func @transform_0(%arg0: i32) -> (i32, i32) {
    %c0_i32 = arith.constant 0 : i32
    %c0_i32_0 = arith.constant 0 : i32
    return %arg0, %c0_i32 : i32, i32
  }
  func.func @transform_1(%arg0: i32) -> (i32, i32) {
    %c0_i32 = arith.constant 0 : i32
    %c0_i32_0 = arith.constant 0 : i32
    return %arg0, %c0_i32 : i32, i32
  }
  func.func @transform_2(%arg0: i32) -> (i32, i32) {
    %c0_i32 = arith.constant 0 : i32
    %c0_i32_0 = arith.constant 0 : i32
    return %arg0, %c0_i32 : i32, i32
  }
  func.func @transform_3(%arg0: i32) -> (i32, i32) {
    %c0_i32 = arith.constant 0 : i32
    %c0_i32_0 = arith.constant 0 : i32
    return %arg0, %c0_i32 : i32, i32
  }
  func.func @transform_4(%arg0: i32) -> (i32, i32) {
    %c0_i32 = arith.constant 0 : i32
    %c0_i32_0 = arith.constant 0 : i32
    return %arg0, %c0_i32 : i32, i32
  }
}

module attributes {stable_mosaic.version = 14 : i64} {
  func.func @_tc2_body(%arg0: i32, %arg1: memref<1x1000x16xf32, #tpu.memory_space<vmem>>, %arg2: memref<1x1000x16xf32, #tpu.memory_space<vmem>>, %arg3: memref<1000x16xf32, #tpu.memory_space<vmem>>, %arg4: memref<1000x1xf32, #tpu.memory_space<vmem>>, %arg5: memref<1x16xf32, #tpu.memory_space<vmem>>, %arg6: memref<16x1xf32, #tpu.memory_space<vmem>>, %arg7: memref<1000x1xf32, #tpu.memory_space<vmem>>) attributes {dimension_semantics = [#tpu.dimension_semantics<arbitrary>], iteration_bounds = array<i64: 10>, scalar_prefetch = 0 : i64, scratch_operands = 0 : i64, tpu.core_type = #tpu.core_type<tc>, window_params = [{transform_indices = @transform_0, window_bounds = array<i64: 1, 1000, 16>}, {transform_indices = @transform_1, window_bounds = array<i64: 1, 1000, 16>}, {transform_indices = @transform_2, window_bounds = array<i64: 1000, 16>}, {transform_indices = @transform_3, window_bounds = array<i64: 1000, 1>}, {pipeline_mode = #tpu.pipeline_mode<synchronous>, transform_indices = @transform_4, window_bounds = array<i64: 1, 16>}, {pipeline_mode = #tpu.pipeline_mode<synchronous>, transform_indices = @transform_5, window_bounds = array<i64: 16, 1>}, {transform_indices = @transform_6, window_bounds = array<i64: 1000, 1>}]} {
    %get3A = arith.constant 0 : index
    %get3A_0 = arith.constant 0 : index
    %get3A_1 = vector.load %arg4[%get3A, %get3A_0] : memref<1000x1xf32, #tpu.memory_space<vmem>>, vector<1000x1xf32>
    %get3A_2 = arith.constant 0 : index
    %get3A_3 = arith.constant 0 : index
    %get3A_4 = arith.constant 0 : index
    %get3A_5 = vector.load %arg1[%get3A_2, %get3A_3, %get3A_4] : memref<1x1000x16xf32, #tpu.memory_space<vmem>>, vector<1x1000x16xf32>
    %get3A_6 = vector.shape_cast %get3A_5 : vector<1x1000x16xf32> to vector<1000x16xf32>
    %get3A_7 = arith.constant 0 : index
    %get3A_8 = arith.constant 0 : index
    %get3A_9 = arith.constant 0 : index
    %get3A_10 = vector.load %arg2[%get3A_7, %get3A_8, %get3A_9] : memref<1x1000x16xf32, #tpu.memory_space<vmem>>, vector<1x1000x16xf32>
    %get3A_11 = vector.shape_cast %get3A_10 : vector<1x1000x16xf32> to vector<1000x16xf32>
    %add3A = arith.addf %get3A_6, %get3A_11 : vector<1000x16xf32>
    %get3A_12 = arith.constant 0 : index
    %get3A_13 = arith.constant 0 : index
    %get3A_14 = vector.load %arg3[%get3A_12, %get3A_13] : memref<1000x16xf32, #tpu.memory_space<vmem>>, vector<1000x16xf32>
    %add3A_15 = arith.addf %add3A, %get3A_14 : vector<1000x16xf32>
    %mul3A = vector.broadcast %get3A_1 : vector<1000x1xf32> to vector<1000x16xf32>
    %mul3A_16 = arith.mulf %mul3A, %add3A_15 : vector<1000x16xf32>
    %get3A_17 = arith.constant 0 : index
    %get3A_18 = arith.constant 0 : index
    %get3A_19 = vector.load %arg5[%get3A_17, %get3A_18] : memref<1x16xf32, #tpu.memory_space<vmem>>, vector<1x16xf32>
    %add3A_20 = vector.broadcast %get3A_19 : vector<1x16xf32> to vector<1000x16xf32>
    %add3A_21 = arith.addf %mul3A_16, %add3A_20 : vector<1000x16xf32>
    %max3A = arith.constant 0.000000e+00 : f32
    %max3A_22 = vector.broadcast %max3A : f32 to vector<1000x16xf32>
    %max3A_23 = arith.maximumf %add3A_21, %max3A_22 : vector<1000x16xf32>
    %get3A_24 = arith.constant 0 : index
    %get3A_25 = arith.constant 0 : index
    %get3A_26 = vector.load %arg6[%get3A_24, %get3A_25] : memref<16x1xf32, #tpu.memory_space<vmem>>, vector<16x1xf32>
    %dot_general3A = arith.constant dense<0.000000e+00> : vector<1000x1xf32>
    %dot_general3A_27 = tpu.matmul %max3A_23, %get3A_26, %dot_general3A {dimension_numbers = #tpu.dot_dimension_numbers<[1], [0], [0], [1], [0, 0, 1, 1], [], []>, transpose_lhs_hint = false} : vector<1000x16xf32>, vector<16x1xf32>, vector<1000x1xf32> -> vector<1000x1xf32>
    %mul3A_28 = arith.mulf %get3A_1, %dot_general3A_27 : vector<1000x1xf32>
    %swap3A = arith.constant 0 : index
    %swap3A_29 = arith.constant 0 : index
    %swap3A_30 = vector.load %arg7[%swap3A, %swap3A_29] : memref<1000x1xf32, #tpu.memory_space<vmem>>, vector<1000x1xf32>
    tpu.vector_store %arg7[%swap3A, %swap3A_29], %mul3A_28 {strides = array<i32>} : memref<1000x1xf32, #tpu.memory_space<vmem>>, vector<1000x1xf32>,
    return
  }
  func.func @transform_0(%arg0: i32) -> (i32, i32, i32) {
    %c0_i32 = arith.constant 0 : i32
    %c0_i32_0 = arith.constant 0 : i32
    %c0_i32_1 = arith.constant 0 : i32
    return %c0_i32, %arg0, %c0_i32_0 : i32, i32, i32
  }
  func.func @transform_1(%arg0: i32) -> (i32, i32, i32) {
    %c1_i32 = arith.constant 1 : i32
    %c0_i32 = arith.constant 0 : i32
    %c0_i32_0 = arith.constant 0 : i32
    return %c1_i32, %arg0, %c0_i32 : i32, i32, i32
  }
  func.func @transform_2(%arg0: i32) -> (i32, i32) {
    %c0_i32 = arith.constant 0 : i32
    %c0_i32_0 = arith.constant 0 : i32
    return %arg0, %c0_i32 : i32, i32
  }
  func.func @transform_3(%arg0: i32) -> (i32, i32) {
    %c0_i32 = arith.constant 0 : i32
    %c0_i32_0 = arith.constant 0 : i32
    return %arg0, %c0_i32 : i32, i32
  }
  func.func @transform_4(%arg0: i32) -> (i32, i32) {
    %c0_i32 = arith.constant 0 : i32
    %c0_i32_0 = arith.constant 0 : i32
    %c0_i32_1 = arith.constant 0 : i32
    return %c0_i32, %c0_i32_0 : i32, i32
  }
  func.func @transform_5(%arg0: i32) -> (i32, i32) {
    %c0_i32 = arith.constant 0 : i32
    %c0_i32_0 = arith.constant 0 : i32
    %c0_i32_1 = arith.constant 0 : i32
    return %c0_i32, %c0_i32_0 : i32, i32
  }
  func.func @transform_6(%arg0: i32) -> (i32, i32) {
    %c0_i32 = arith.constant 0 : i32
    %c0_i32_0 = arith.constant 0 : i32
    return %arg0, %c0_i32 : i32, i32
  }
}

module attributes {stable_mosaic.version = 14 : i64} {
  func.func @_tc3_body(%arg0: i32, %arg1: memref<1000x1xf32, #tpu.memory_space<vmem>>, %arg2: memref<1000x1xf32, #tpu.memory_space<vmem>>, %arg3: memref<1000x1xf32, #tpu.memory_space<vmem>>, %arg4: memref<1000x1xf32, #tpu.memory_space<vmem>>, %arg5: memref<1x1xf32, #tpu.memory_space<vmem>>, %arg6: memref<1000x1xf32, #tpu.memory_space<vmem>>) attributes {dimension_semantics = [#tpu.dimension_semantics<arbitrary>], iteration_bounds = array<i64: 10>, scalar_prefetch = 0 : i64, scratch_operands = 0 : i64, tpu.core_type = #tpu.core_type<tc>, window_params = [{transform_indices = @transform_0, window_bounds = array<i64: 1000, 1>}, {transform_indices = @transform_1, window_bounds = array<i64: 1000, 1>}, {transform_indices = @transform_2, window_bounds = array<i64: 1000, 1>}, {transform_indices = @transform_3, window_bounds = array<i64: 1000, 1>}, {pipeline_mode = #tpu.pipeline_mode<synchronous>, transform_indices = @transform_4, window_bounds = array<i64: 1, 1>}, {transform_indices = @transform_5, window_bounds = array<i64: 1000, 1>}]} {
    %get3A = arith.constant 0 : index
    %get3A_0 = arith.constant 0 : index
    %get3A_1 = vector.load %arg1[%get3A, %get3A_0] : memref<1000x1xf32, #tpu.memory_space<vmem>>, vector<1000x1xf32>
    %get3A_2 = arith.constant 0 : index
    %get3A_3 = arith.constant 0 : index
    %get3A_4 = vector.load %arg2[%get3A_2, %get3A_3] : memref<1000x1xf32, #tpu.memory_space<vmem>>, vector<1000x1xf32>
    %add3A = arith.addf %get3A_1, %get3A_4 : vector<1000x1xf32>
    %get3A_5 = arith.constant 0 : index
    %get3A_6 = arith.constant 0 : index
    %get3A_7 = vector.load %arg4[%get3A_5, %get3A_6] : memref<1000x1xf32, #tpu.memory_space<vmem>>, vector<1000x1xf32>
    %get3A_8 = arith.constant 0 : index
    %get3A_9 = arith.constant 0 : index
    %get3A_10 = vector.load %arg3[%get3A_8, %get3A_9] : memref<1000x1xf32, #tpu.memory_space<vmem>>, vector<1000x1xf32>
    %add3A_11 = arith.addf %add3A, %get3A_10 : vector<1000x1xf32>
    %mul3A = arith.mulf %get3A_7, %add3A_11 : vector<1000x1xf32>
    %get3A_12 = arith.constant 0 : index
    %get3A_13 = arith.constant 0 : index
    %get3A_14 = vector.load %arg5[%get3A_12, %get3A_13] : memref<1x1xf32, #tpu.memory_space<vmem>>, vector<1x1xf32>
    %add3A_15 = vector.broadcast %get3A_14 : vector<1x1xf32> to vector<1000x1xf32>
    %add3A_16 = arith.addf %mul3A, %add3A_15 : vector<1000x1xf32>
    %swap3A = arith.constant 0 : index
    %swap3A_17 = arith.constant 0 : index
    %swap3A_18 = vector.load %arg6[%swap3A, %swap3A_17] : memref<1000x1xf32, #tpu.memory_space<vmem>>, vector<1000x1xf32>
    tpu.vector_store %arg6[%swap3A, %swap3A_17], %add3A_16 {strides = array<i32>} : memref<1000x1xf32, #tpu.memory_space<vmem>>, vector<1000x1xf32>,
    return
  }
  func.func @transform_0(%arg0: i32) -> (i32, i32) {
    %c0_i32 = arith.constant 0 : i32
    %c0_i32_0 = arith.constant 0 : i32
    return %arg0, %c0_i32 : i32, i32
  }
  func.func @transform_1(%arg0: i32) -> (i32, i32) {
    %c0_i32 = arith.constant 0 : i32
    %c0_i32_0 = arith.constant 0 : i32
    return %arg0, %c0_i32 : i32, i32
  }
  func.func @transform_2(%arg0: i32) -> (i32, i32) {
    %c0_i32 = arith.constant 0 : i32
    %c0_i32_0 = arith.constant 0 : i32
    return %arg0, %c0_i32 : i32, i32
  }
  func.func @transform_3(%arg0: i32) -> (i32, i32) {
    %c0_i32 = arith.constant 0 : i32
    %c0_i32_0 = arith.constant 0 : i32
    return %arg0, %c0_i32 : i32, i32
  }
  func.func @transform_4(%arg0: i32) -> (i32, i32) {
    %c0_i32 = arith.constant 0 : i32
    %c0_i32_0 = arith.constant 0 : i32
    %c0_i32_1 = arith.constant 0 : i32
    return %c0_i32, %c0_i32_0 : i32, i32
  }
  func.func @transform_5(%arg0: i32) -> (i32, i32) {
    %c0_i32 = arith.constant 0 : i32
    %c0_i32_0 = arith.constant 0 : i32
    return %arg0, %c0_i32 : i32, i32
  }
}

</mosaic_0001>

<sc_bundles>
// kernel: kernel.12.cloned.1.call-start
scs
__scs_entry_jumppad:
0x0: {  	(pc) =	sbr.rel $0x88, $3  }
0x1: {  	(tag) =	ssettag $0x0;
	lr =	simm.s32 $0x1  }
0x2: {  	[smem:$0x3F9B] =	sst lr;
	_ =	strace $0xD0000000  }
0x3: {  	_ = 	snop  }
0x4: {  	_ = 	snop  }
0x5: {  	_ = 	snop  }
0x6: {  	_ = 	snop  }
0x7: {  	_ = 	snop  }
__scs_overlays_trampoline_lowered:
0x8: {  	[smem:$0x3FAA] =	sst s0  }
0x9: {  	[smem:$0x3FAB] =	sst s1  }
0xa: {  	[smem:$0x3FAC] =	sst s2  }
0xb: {  	[smem:$0x3FAD] =	sst s3  }
0xc: {  	[smem:$0x3FAE] =	sst s4  }
0xd: {  	[smem:$0x3FAF] =	sst s5  }
0xe: {  	[smem:$0x3FB0] =	sst s6  }
0xf: {  	[smem:$0x3FB1] =	sst s7  }
0x10: {  	[smem:$0x3FB2] =	sst s8  }
0x11: {  	[smem:$0x3FB3] =	sst s9;
	s0 =	simm.s32 @!p0 $0x0  }
0x12: {  	s1 =	sld [smem:$0x3F99];
	s0 =	simm.s32 @p0 $0x1  }
0x13: {  	[smem:$0x3FB4] =	sst s0;
	s0 =	simm.s32 @!p1 $0x0  }
0x14: {  	s2 =	sld [smem:$0x3F98];
	s0 =	simm.s32 @p1 $0x1  }
0x15: {  	[smem:$0x3FB5] =	sst s0;
	s0 =	simm.s32 @!p2 $0x0  }
0x16: {  	s3 =	sld [smem:$0x3FDB];
	s0 =	simm.s32 @p2 $0x1  }
0x17: {  	s4 =	simm.s32 $0x1BF5;
	[smem:$0x3FB7] =	sst s0  }
0x18: {  	s0 =	sld [smem:$0x3F9A];
	_ =	swait.ge [sflag:s4], $0x0  }
0x19: {  	s7 =	sld [smem:$0x3F9B]  }
0x1a: {  	s8 =	sadd.s32 $0xFFFFE003, lr  }
0x1b: {  	s9 =	sadd.s32 $0xFFFFFEF7, lr;
	s5 =	simm.s32 $0xFFFFFFFF;
	p2 =	slt.u32 s8, $0xFFFFF086  }
0x1c: {  	p1 =	slt.u32 s9, $0xF7A;
	s5 =	simm.s32 @!p2 $0x0  }
0x1d: {  	s5 =	simm.s32 @p1 $0x1;
	p0 =	seq.s32 s7, s2  }
0x1e: {  	s7 =	smul.u32 @!p0 $0xF7A, s2;
	p2 =	seq.s32 @!p0 s5, $0x0  }
0x1f: {  	s9 =	smul.u32 $0xF7A, s1;
	s8 =	simm.s32 @!p0 $0x1BF5;
	p2 =	por !p2, p0  }
0x20: {  	[sflag:s8] =	ssyncset.s32 @!p0 $0xFFFFF086;
	s6 =	sadd.s32 @!p0 s3, s7;
	s7 =	simm.s32 @!p0 $0x108  }
0x21: {  	s3 =	sadd.s32 s3, s9;
	s6 =	sadd.s32 @!p0 $0x88, s6;
	s7 =	simm.s32 @p2 $0x1082  }
0x22: {  	[simem:s7], [sflag:s8] =	dma.local @!p0 [hbm:s6], $0xF7A  }
0x23: {  	s9 =	sor.u32 $0xD0000000, s2;
	s6 =	simm.s32 $0x108;
	_ =	swait.ge @!p0 [sflag:s8], $0x0  }
0x24: {  	s3 =	sadd.s32 $0x88, s3;
	s6 =	simm.s32 @!p1 $0x1082;
	[sflag:s4] =	ssyncset.s32 $0xFFFFF086  }
0x25: {  	[simem:s6], [sflag:s4] =	dma.local [hbm:s3], $0xF7A  }
0x26: {  	[smem:$0x3F9B] =	sst s1;
	(tag) =	ssettag s2;
	_ =	strace s9  }
0x27: {  	s1 =	sld [smem:$0x3FAB]  }
0x28: {  	s2 =	sld [smem:$0x3FAC]  }
0x29: {  	s4 =	sld [smem:$0x3FAE]  }
0x2a: {  	p0 =	seq.s32 s5, $0x0;
	s5 =	sld [smem:$0x3FAF]  }
0x2b: {  	s6 =	sld [smem:$0x3FB0]  }
0x2c: {  	s7 =	sld [smem:$0x3FB1]  }
0x2d: {  	s3 =	simm.s32 $0x108;
	s8 =	sld [smem:$0x3FB2]  }
0x2e: {  	s3 =	simm.s32 @!p0 $0x1082;
	s9 =	sld [smem:$0x3FB3]  }
0x2f: {  	lr =	sadd.s32 s0, s3;
	s0 =	sld [smem:$0x3FAA]  }
0x30: {  	s3 =	sld [smem:$0x3FAD]  }
0x31: {  	[smem:$0x3FB6] =	sst s10  }
0x32: {  	s10 =	sld [smem:$0x3FB4];
	_ =	sdelay $0x3  }
0x33: {  	p0 =	seq.s32 s10, $0x1;
	s10 =	sld [smem:$0x3FB6];
	_ =	sdelay $0x3  }
0x34: {  	[smem:$0x3FB6] =	sst s10  }
0x35: {  	s10 =	sld [smem:$0x3FB5];
	_ =	sdelay $0x3  }
0x36: {  	p1 =	seq.s32 s10, $0x1;
	s10 =	sld [smem:$0x3FB6];
	_ =	sdelay $0x3  }
0x37: {  	[smem:$0x3FB6] =	sst s10  }
0x38: {  	s10 =	sld [smem:$0x3FB7]  }
0x39: {  	_ = 	snop;
	(pc) =	sbr.ind lr, $3  }
0x3a: {  	_ = 	snop  }
0x3b: {  	_ = 	snop  }
0x3c: {  	p2 =	seq.s32 s10, $0x1;
	s10 =	sld [smem:$0x3FB6]  }
0x3d: {  	_ =	shalt  }
0x3e: {  	_ =	shalt  }
0x3f: {  	_ =	shalt  }
0x40: {  	_ =	shalt  }
0x41: {  	_ =	shalt  }
0x42: {  	_ =	shalt  }
0x43: {  	_ =	shalt  }
0x44: {  	_ =	shalt  }
0x45: {  	_ =	shalt  }
0x46: {  	_ =	shalt  }
0x47: {  	_ =	shalt  }
0x48: {  	_ =	shalt  }
0x49: {  	_ =	shalt  }
0x4a: {  	_ =	shalt  }
0x4b: {  	_ =	shalt  }
0x4c: {  	_ =	shalt  }
0x4d: {  	_ =	shalt  }
0x4e: {  	_ =	shalt  }
0x4f: {  	_ =	shalt  }
0x50: {  	_ =	shalt  }
0x51: {  	_ =	shalt  }
0x52: {  	_ =	shalt  }
0x53: {  	_ =	shalt  }
0x54: {  	_ =	shalt  }
0x55: {  	_ =	shalt  }
0x56: {  	_ =	shalt  }
0x57: {  	_ =	shalt  }
0x58: {  	_ =	shalt  }
0x59: {  	_ =	shalt  }
0x5a: {  	_ =	shalt  }
0x5b: {  	_ =	shalt  }
0x5c: {  	_ =	shalt  }
0x5d: {  	_ =	shalt  }
0x5e: {  	_ =	shalt  }
0x5f: {  	_ =	shalt  }
0x60: {  	_ =	shalt  }
0x61: {  	_ =	shalt  }
0x62: {  	_ =	shalt  }
0x63: {  	_ =	shalt  }
0x64: {  	_ =	shalt  }
0x65: {  	_ =	shalt  }
0x66: {  	_ =	shalt  }
0x67: {  	_ =	shalt  }
0x68: {  	_ =	shalt  }
0x69: {  	_ =	shalt  }
0x6a: {  	_ =	shalt  }
0x6b: {  	_ =	shalt  }
0x6c: {  	_ =	shalt  }
0x6d: {  	_ =	shalt  }
0x6e: {  	_ =	shalt  }
0x6f: {  	_ =	shalt  }
0x70: {  	_ =	shalt  }
0x71: {  	_ =	shalt  }
0x72: {  	_ =	shalt  }
0x73: {  	_ =	shalt  }
0x74: {  	_ =	shalt  }
0x75: {  	_ =	shalt  }
0x76: {  	_ =	shalt  }
0x77: {  	_ =	shalt  }
0x78: {  	_ =	shalt  }
0x79: {  	_ =	shalt  }
0x7a: {  	_ =	shalt  }
0x7b: {  	_ =	shalt  }
0x7c: {  	_ =	shalt  }
0x7d: {  	_ =	shalt  }
0x7e: {  	_ =	shalt  }
0x7f: {  	_ =	shalt  }
0x80: {  	_ =	shalt  }
0x81: {  	_ =	shalt  }
0x82: {  	_ =	shalt  }
0x83: {  	_ =	shalt  }
0x84: {  	_ =	shalt  }
0x85: {  	_ =	shalt  }
0x86: {  	_ =	shalt  }
0x87: {  	_ =	shalt  }
.Lfunc_end0:
.L_simem_size_0:
called_computation.1_lowered:
.L_overlay_start_0:
0x88: {  	s2 =	sld [smem:$0x3FD9]  }
0x89: {  	s3 =	sld [smem:$0x3FFE];
	_ =	sdelay $0x1  }
0x8a: {  	s1 =	srdreg.scid  }
0x8b: {  	s0 =	sand.u32 $0x1, s1  }
0x8c: {  	s17 =	sshll.u32 s0, $0xA;
	s2 =	sadd.s32 s3, s2  }
0x8d: {  	s2 =	sadd.s32 s2, s17  }
0x8e: {  	[smem:$0x3FC2] =	sst s2  }
0x8f: {  	_ = 	snop  }
0x90: {  	s2 =	sld [smem:$0x3FD0];
	(tm) =	ssettm $0x1  }
0x91: {  	s18 =	sld [smem:$0x3FFB];
	_ =	sdelay $0x3  }
0x92: {  	_ =	strace s18  }
0x93: {  	s3 =	sld [smem:$0x3FFC];
	_ =	sdelay $0x3  }
0x94: {  	_ =	strace s3  }
0x95: {  	s3 =	sld [smem:$0x3FFD];
	_ =	sdelay $0x3  }
0x96: {  	_ =	strace s3  }
0x97: {  	_ =	strace $0x8FFFFFFF  }
0x98: {  	s19 =	sld [smem:$0x3FDB];
	_ =	sdelay $0x1  }
0x99: {  	s4 =	simm.s32 $_scs_section_size  }
0x9a: {  	s5 =	simm.s32 $_size__tile_overlayer_lowered;
	s6 =	simm.s32 $_tile_overlayer_lowered  }
0x9b: {  	s22 =	simm.s32 $0x1BFF;
	s21 =	sshll.u32 s6, $0x1;
	s3 =	sadd.s32 s4, s19  }
0x9c: {  	s7 =	simm.s32 $0x0;
	s20 =	sshll.u32 s5, $0x1;
	s5 =	sadd.s32 s21, s3  }
0x9d: {  	[timem:s7], [sflag:s22] =	dma.local [hbm:s5], s20  }
0x9e: {  	_ =	swait.ge [sflag:s22], s20  }
0x9f: {  	s4 =	ssub.s32 $0x0, s20;
	[sflag:s22] =	ssyncset.done $0x0  }
0xa0: {  	[sflag:s22] =	ssyncadd.s32 s4;
	_ =	sdelay $0x1  }
0xa1: {  	s23 =	simm.s32 $0x1B8B  }
0xa2: {  	_ =	swait.ge [sflag:s23], $0x1  }
0xa3: {  	[sflag:s23] =	ssyncset.done $0x0  }
0xa4: {  	s25 =	simm.s32 $0x1B8E;
	s24 =	sld [smem:$0x3FFE];
	[sflag:s23] =	ssyncadd.s32 $0xFFFFFFFF  }
0xa5: {  	s26 =	simm.s32 $execute0_lowered;
	[smem:$0x3FD2] =	sst s25  }
0xa6: {  	s5 =	sshll.u32 s26, $0x1;
	_ =	strace $0x80000049;
	[dreg:$0x1] =	wrdreg $0xFFFFFFFF  }
0xa7: {  	s28 =	simm.s32 $_size_execute0_lowered;
	s3 =	sadd.s32 s3, s5;
	[dreg:$0x0] =	wrdreg $0x0  }
0xa8: {  	s5 =	sshll.u32 s28, $0x1;
	[dreg:$0x2] =	wrdreg s3  }
0xa9: {  	[dreg:$0x3] =	wrdreg s5  }
0xaa: {  	[dreg:$0x4] =	wrdreg $0xC0  }
0xab: {  	_ =	task [dreg:s7], $0x5FFFF  }
0xac: {  	[dreg:$0x1] =	wrdreg $0xFFFFFFFF  }
0xad: {  	[dreg:$0x0] =	wrdreg $0x60  }
0xae: {  	[dreg:$0x2] =	wrdreg s24  }
0xaf: {  	[dreg:$0x3] =	wrdreg s2  }
0xb0: {  	[dreg:$0x4] =	wrdreg $0x119400  }
0xb1: {  	[dreg:$0x5] =	wrdreg $0x9  }
0xb2: {  	_ =	task.clear_ibuf [dreg:s7], $0x6FFFF;
	_ =	strace $0x90000049  }
0xb3: {  	s29 =	simm.s32 $0x9;
	_ =	strace $0x8000004B  }
0xb4: {  	_ =	swait.ge [sflag:s29], $0x1  }
0xb5: {  	[sflag:s29] =	ssyncadd.s32 $0xFFFFFFFF  }
0xb6: {  	_ =	strace $0x9000004B  }
0xb7: {  	_ =	sfence  }
0xb8: {  	s30 =	sld [smem:$0x0];
	_ =	sdelay $0x2  }
0xb9: {  	s31 =	sshll.u32 s1, $0xD;
	s1 =	sshrl.u32 s1, $0x2  }
0xba: {  	s3 =	sand.u32 $0x4000, s31;
	s1 =	sadd.s32 s1, s30  }
0xbb: {  	s0 =	sor.u32 s3, s0;
	s1 =	sshll.u32 s1, $0x11  }
0xbc: {  	s0 =	sor.u32 s1, s0  }
0xbd: {  	s0 =	sadd.s32 $0x8F2B, s0  }
0xbe: {  	[sflag:s0] =	ssyncadd.remote.s32 $0x1  }
0xbf: {  	_ =	sfence.sel $0xFFFF  }
0xc0: {  	[dreg:$0x0] =	wrdreg $0xFFFFFFFF;
	(pc) =	sbr.abs _section_cstart, $3  }
0xc1: {  	[dreg:$0x1] =	wrdreg $0xFFFFFFFF  }
0xc2: {  	_ =	task.clear_ibuf [dreg:s7], $0x2FFFF;
	_ =	strace $0x9FFFFFFF  }
0xc3: {  	(tm) =	ssettm $0x7FFFFFFF  }
tec
execute0_lowered:
.L_overlay_start_1:
0x0: {  	(tag) =	ssettag $0x1  }
0x1: {  	s29 =	rddreg [dreg:$0x0]  }
0x2: {  	s2 =	rddreg [dreg:$0x1]  }
0x3: {  	s3 =	rddreg [dreg:$0x2]  }
0x4: {  	s4 =	simm.s32 $0x0;
	s1 =	stileid.u32;
	s0 =	srdreg.scid  }
0x5: {  	[smem:$0x7FF] =	sst s4;
	s30 =	smul.u32 $0x2800, s1  }
0x6: {  	s5 =	sshll.u32 s1, $0x6;
	s31 =	sand.u32 $0x1, s0;
	s0 =	smul.u32 $0x4E20, s1  }
0x7: {  	_ =	strace $0x8000004A;
	s5 =	sor.u32 $0x1C05, s5;
	s6 =	sadd.s32 s30, s3  }
0x8: {  	p0 =	seq.s32 s31, $0x1;
	s7 =	sshrl.u32 s6, $0x3;
	s6 =	simm.s32 $0x5  }
0x9: {  	[spmem:s7], [sflag:s5] =	dma.local [hbm:s2], $0x500  }
0xa: {  	s8 =	sadd.s32 $0x2710, s0;
	s9 =	smov.u32 s0;
	_ =	swait.ge [sflag:s6], $0x500  }
0xb: {  	s10 =	simm.s32 $0x50910;
	s9 =	smov.u32 @p0 s8;
	[sflag:s6] =	ssyncset.done $0x0  }
0xc: {  	s28 =	sadd.s32 $0x1800, s29;
	s8 =	sshrl.u32 s9, $0x3;
	[sflag:s6] =	ssyncadd.s32 $0xFFFFFB00  }
0xd: {  	s10 =	simm.s32 @!p0 $0x4E200;
	s8 =	sadd.s32 s28, s8;
	[bflag:$0x0] =	sbarrier.arrive $0xFFFF  }
0xe: {  	[tilespmem:s4], [sflag:$0x5] =	stream.linear.gather [hbm4b:s8+s4], $0x7D0, $0x38;
	[tilespmem:$0x14140] =	vst v63  }
0xf: {  	s12 =	simm.s32 $0x2EE0;
	s26 =	sadd.s32 s10, s0;
	_ =	swait.ge [sflag:s6], $0x7D0  }
0x10: {  	s15 =	simm.s32 $0x510E0;
	s9 =	sshrl.u32 s26, $0x3;
	[sflag:s6] =	ssyncset.done $0x0  }
0x11: {  	s10 =	simm.s32 $0xFA0;
	s9 =	sadd.s32 s28, s9;
	[sflag:s6] =	ssyncadd.s32 $0xFFFFF830  }
0x12: {  	[tilespmem:s10], [sflag:$0x5] =	stream.linear.gather [hbm4b:s9+s4], $0x7D0, $0x38;
	[tilespmem:$0x14140] =	vst v63  }
0x13: {  	s13 =	simm.s32 $0x1F40;
	s12 =	simm.s32 @!p0 $0x7D0;
	_ =	swait.ge [sflag:s6], $0x7D0  }
0x14: {  	s11 =	sadd.s32 $0x3C400, s29;
	s12 =	sadd.s32 s12, s0;
	[sflag:s6] =	ssyncset.done $0x0  }
0x15: {  	s14 =	sshrl.u32 s12, $0x3;
	s12 =	simm.s32 $0x7D0;
	[sflag:s6] =	ssyncadd.s32 $0xFFFFF830  }
0x16: {  	[tilespmem:s13], [sflag:$0x1] =	stream.indirect.gather [hbm4b:s11+s12], $0x10, s4, s12, $0xb8;
	[tilespmem:$0x14140] =	vst v63  }
0x17: {  	s15 =	simm.s32 @!p0 $0x4E9D0;
	s14 =	sadd.s32 s28, s14  }
0x18: {  	[tilespmem:s12], [sflag:$0x5] =	stream.linear.gather [hbm4b:s14+s4], $0x7D0, $0x38;
	[tilespmem:$0x14140] =	vst v63  }
0x19: {  	s15 =	sadd.s32 s15, s0;
	_ =	swait.ge [sflag:s6], $0x7D0  }
0x1a: {  	s15 =	sshrl.u32 s15, $0x3;
	[sflag:s6] =	ssyncset.done $0x0  }
0x1b: {  	s16 =	simm.s32 $0x1770;
	s15 =	sadd.s32 s28, s15;
	[sflag:s6] =	ssyncadd.s32 $0xFFFFF830  }
0x1c: {  	[tilespmem:s16], [sflag:$0x5] =	stream.linear.gather [hbm4b:s15+s4], $0x7D0, $0x38;
	[tilespmem:$0x14140] =	vst v63  }
0x1d: {  	_ =	swait.ge [sflag:s6], $0x7D0  }
0x1e: {  	[sflag:s6] =	ssyncset.done $0x0  }
0x1f: {  	s17 =	simm.s32 $0x9C40;
	s18 =	simm.s32 $0x1;
	[sflag:s6] =	ssyncadd.s32 $0xFFFFF830  }
0x20: {  	[tilespmem:s17], [sflag:$0x2] =	stream.indirect.gather [hbm4b:s11+s12], $0x10, s12, s12, $0xb8;
	[tilespmem:$0x14140] =	vst v63  }
0x21: {  	_ =	swait.ge [sflag:s18], $0x7D00  }
0x22: {  	s20 =	simm.s32 $0x36B0;
	[sflag:s18] =	ssyncset.done $0x0  }
0x23: {  	s19 =	simm.s32 $0x3;
	s20 =	simm.s32 @!p0 $0xFA0;
	[sflag:s18] =	ssyncadd.s32 $0xFFFF8300  }
0x24: {  	[spmem:s3] =	stream.indirect.scatter.add.f32 [tilespmem:s13], [sflag:$0x3], $0x10, s10, s12, $0xb8;
	[tilespmem:$0x14140] =	vst v63  }
0x25: {  	s20 =	sadd.s32 s20, s0;
	_ =	swait.ge [sflag:s19], $0x7D00  }
0x26: {  	s21 =	simm.s32 $0x518B0;
	s20 =	sshrl.u32 s20, $0x3;
	[sflag:s19] =	ssyncset.done $0x0  }
0x27: {  	s21 =	simm.s32 @!p0 $0x4F1A0;
	s20 =	sadd.s32 s28, s20;
	[sflag:s19] =	ssyncadd.s32 $0xFFFF8300  }
0x28: {  	[tilespmem:s4], [sflag:$0x5] =	stream.linear.gather [hbm4b:s20+s4], $0x7D0, $0x38;
	[tilespmem:$0x14140] =	vst v63  }
0x29: {  	s21 =	sadd.s32 s21, s0;
	_ =	swait.ge [sflag:s6], $0x7D0  }
0x2a: {  	s21 =	sshrl.u32 s21, $0x3;
	[sflag:s6] =	ssyncset.done $0x0  }
0x2b: {  	s21 =	sadd.s32 s28, s21;
	[sflag:s6] =	ssyncadd.s32 $0xFFFFF830  }
0x2c: {  	[tilespmem:s10], [sflag:$0x5] =	stream.linear.gather [hbm4b:s21+s4], $0x7D0, $0x38;
	[tilespmem:$0x14140] =	vst v63  }
0x2d: {  	_ =	swait.ge [sflag:s6], $0x7D0  }
0x2e: {  	[sflag:s6] =	ssyncset.done $0x0  }
0x2f: {  	s22 =	simm.s32 $0x2;
	[sflag:s6] =	ssyncadd.s32 $0xFFFFF830  }
0x30: {  	[tilespmem:s13], [sflag:$0x1] =	stream.indirect.gather [hbm4b:s11+s12], $0x10, s4, s12, $0xb8;
	[tilespmem:$0x14140] =	vst v63  }
0x31: {  	_ =	swait.ge [sflag:s22], $0x7D00  }
0x32: {  	s24 =	simm.s32 $0x3E80;
	[sflag:s22] =	ssyncset.done $0x0  }
0x33: {  	s23 =	simm.s32 $0x4;
	s24 =	simm.s32 @!p0 $0x1770;
	[sflag:s22] =	ssyncadd.s32 $0xFFFF8300  }
0x34: {  	[spmem:s3] =	stream.indirect.scatter.add.f32 [tilespmem:s17], [sflag:$0x4], $0x10, s16, s12, $0xb8;
	[tilespmem:$0x14140] =	vst v63  }
0x35: {  	s24 =	sadd.s32 s24, s0;
	_ =	swait.ge [sflag:s23], $0x7D00  }
0x36: {  	s25 =	simm.s32 $0x52080;
	s24 =	sshrl.u32 s24, $0x3;
	[sflag:s23] =	ssyncset.done $0x0  }
0x37: {  	s25 =	simm.s32 @!p0 $0x4F970;
	s24 =	sadd.s32 s28, s24;
	[sflag:s23] =	ssyncadd.s32 $0xFFFF8300  }
0x38: {  	[tilespmem:s12], [sflag:$0x5] =	stream.linear.gather [hbm4b:s24+s4], $0x7D0, $0x38;
	[tilespmem:$0x14140] =	vst v63  }
0x39: {  	s25 =	sadd.s32 s25, s0;
	_ =	swait.ge [sflag:s6], $0x7D0  }
0x3a: {  	s25 =	sshrl.u32 s25, $0x3;
	[sflag:s6] =	ssyncset.done $0x0  }
0x3b: {  	s25 =	sadd.s32 s28, s25;
	[sflag:s6] =	ssyncadd.s32 $0xFFFFF830  }
0x3c: {  	[tilespmem:s16], [sflag:$0x5] =	stream.linear.gather [hbm4b:s25+s4], $0x7D0, $0x38;
	[tilespmem:$0x14140] =	vst v63  }
0x3d: {  	_ =	swait.ge [sflag:s6], $0x7D0  }
0x3e: {  	[sflag:s6] =	ssyncset.done $0x0  }
0x3f: {  	[sflag:s6] =	ssyncadd.s32 $0xFFFFF830  }
0x40: {  	[tilespmem:s17], [sflag:$0x2] =	stream.indirect.gather [hbm4b:s11+s12], $0x10, s12, s12, $0xb8;
	[tilespmem:$0x14140] =	vst v63  }
0x41: {  	_ =	swait.ge [sflag:s18], $0x7D00  }
0x42: {  	s26 =	simm.s32 $0x4650;
	[sflag:s18] =	ssyncset.done $0x0  }
0x43: {  	s26 =	simm.s32 @!p0 $0x1F40;
	[sflag:s18] =	ssyncadd.s32 $0xFFFF8300  }
0x44: {  	[spmem:s3] =	stream.indirect.scatter.add.f32 [tilespmem:s13], [sflag:$0x3], $0x10, s10, s12, $0xb8;
	[tilespmem:$0x14140] =	vst v63  }
0x45: {  	s26 =	sadd.s32 s26, s0;
	_ =	swait.ge [sflag:s19], $0x7D00  }
0x46: {  	s1 =	simm.s32 $0x52850;
	s26 =	sshrl.u32 s26, $0x3;
	[sflag:s19] =	ssyncset.done $0x0  }
0x47: {  	s1 =	simm.s32 @!p0 $0x50140;
	s26 =	sadd.s32 s28, s26;
	[sflag:s19] =	ssyncadd.s32 $0xFFFF8300  }
0x48: {  	[tilespmem:s4], [sflag:$0x5] =	stream.linear.gather [hbm4b:s26+s4], $0x7D0, $0x38;
	[tilespmem:$0x14140] =	vst v63  }
0x49: {  	s0 =	sadd.s32 s1, s0;
	_ =	swait.ge [sflag:s6], $0x7D0  }
0x4a: {  	s0 =	sshrl.u32 s0, $0x3;
	[sflag:s6] =	ssyncset.done $0x0  }
0x4b: {  	s28 =	sadd.s32 s28, s0;
	[sflag:s6] =	ssyncadd.s32 $0xFFFFF830  }
0x4c: {  	[tilespmem:s10], [sflag:$0x5] =	stream.linear.gather [hbm4b:s28+s4], $0x7D0, $0x38;
	[tilespmem:$0x14140] =	vst v63  }
0x4d: {  	_ =	swait.ge [sflag:s6], $0x7D0  }
0x4e: {  	[sflag:s6] =	ssyncset.done $0x0  }
0x4f: {  	[sflag:s6] =	ssyncadd.s32 $0xFFFFF830  }
0x50: {  	[tilespmem:s13], [sflag:$0x1] =	stream.indirect.gather [hbm4b:s11+s12], $0x10, s4, s12, $0xb8;
	[tilespmem:$0x14140] =	vst v63  }
0x51: {  	_ =	swait.ge [sflag:s22], $0x7D00  }
0x52: {  	[sflag:s22] =	ssyncset.done $0x0  }
0x53: {  	s1 =	smul.u32 $0x28000, s31;
	[sflag:s22] =	ssyncadd.s32 $0xFFFF8300  }
0x54: {  	[spmem:s3] =	stream.indirect.scatter.add.f32 [tilespmem:s17], [sflag:$0x4], $0x10, s16, s12, $0xb8;
	[tilespmem:$0x14140] =	vst v63  }
0x55: {  	s31 =	ssub.s32 $0x2, s31;
	_ =	swait.ge [sflag:s18], $0x7D00  }
0x56: {  	s0 =	sadd.s32 s30, s1;
	s30 =	sshrl.u32 s31, $0x1;
	[sflag:s18] =	ssyncset.done $0x0  }
0x57: {  	s1 =	ssub.s32 s31, s30;
	[sflag:s18] =	ssyncadd.s32 $0xFFFF8300  }
0x58: {  	[spmem:s3] =	stream.indirect.scatter.add.f32 [tilespmem:s13], [sflag:$0x3], $0x10, s10, s12, $0xb8;
	[tilespmem:$0x14140] =	vst v63  }
0x59: {  	s31 =	smax.u32 s1, $0x1;
	_ =	swait.ge [sflag:s19], $0x7D00  }
0x5a: {  	s0 =	sshrl.u32 s0, $0x3;
	p0 =	sne.s32 s31, $0x1;
	[sflag:s19] =	ssyncset.done $0x0  }
.Ltmp0:
0x5b: {  	s0 =	sadd.s32 s0, s29;
	[sflag:s19] =	ssyncadd.s32 $0xFFFF8300;
	(pc) =	sbr.rel @!p0 .LBB2_2-.Ltmp0, $4  }
0x5c: {  	s29 =	sadd.s32 $0x41400, s0;
	[bflag:$0x0] =	sbarrier.arrive $0xFFFF  }
0x5d: {  	[hbm:s29], [sflag:s5] =	dma.local [spmem:s7], $0x500  }
0x5e: {  	_ =	swait.ge [sflag:s6], $0x500  }
0x5f: {  	s30 =	sadd.s32 $0xFFFFFFFF, s31;
	[sflag:s6] =	ssyncset.done $0x0  }
.LBB2_1:
0x60: {  	p0 =	sne.s32 s30, $0x1;
	s30 =	sadd.s32 $0xFFFFFFFF, s30;
	[sflag:s6] =	ssyncadd.s32 $0xFFFFFB00  }
0x61: {  	[spmem:s7], [sflag:s5] =	dma.local [hbm:s2], $0x500  }
0x62: {  	_ =	swait.ge [sflag:s6], $0x500  }
0x63: {  	[sflag:s6] =	ssyncset.done $0x0  }
0x64: {  	[sflag:s6] =	ssyncadd.s32 $0xFFFFFB00  }
0x65: {  	[bflag:$0x0] =	sbarrier.arrive $0xFFFF  }
0x66: {  	[tilespmem:s4], [sflag:$0x5] =	stream.linear.gather [hbm4b:s8+s4], $0x7D0, $0x38;
	[tilespmem:$0x14140] =	vst v63  }
0x67: {  	_ =	swait.ge [sflag:s6], $0x7D0  }
0x68: {  	[sflag:s6] =	ssyncset.done $0x0  }
0x69: {  	[sflag:s6] =	ssyncadd.s32 $0xFFFFF830  }
0x6a: {  	[tilespmem:s10], [sflag:$0x5] =	stream.linear.gather [hbm4b:s9+s4], $0x7D0, $0x38;
	[tilespmem:$0x14140] =	vst v63  }
0x6b: {  	_ =	swait.ge [sflag:s6], $0x7D0  }
0x6c: {  	[sflag:s6] =	ssyncset.done $0x0  }
0x6d: {  	[sflag:s6] =	ssyncadd.s32 $0xFFFFF830  }
0x6e: {  	[tilespmem:s13], [sflag:$0x1] =	stream.indirect.gather [hbm4b:s11+s12], $0x10, s4, s12, $0xb8;
	[tilespmem:$0x14140] =	vst v63  }
0x6f: {  	_ = 	snop  }
0x70: {  	[tilespmem:s12], [sflag:$0x5] =	stream.linear.gather [hbm4b:s14+s4], $0x7D0, $0x38;
	[tilespmem:$0x14140] =	vst v63  }
0x71: {  	_ =	swait.ge [sflag:s6], $0x7D0  }
0x72: {  	[sflag:s6] =	ssyncset.done $0x0  }
0x73: {  	[sflag:s6] =	ssyncadd.s32 $0xFFFFF830  }
0x74: {  	[tilespmem:s16], [sflag:$0x5] =	stream.linear.gather [hbm4b:s15+s4], $0x7D0, $0x38;
	[tilespmem:$0x14140] =	vst v63  }
0x75: {  	_ =	swait.ge [sflag:s6], $0x7D0  }
0x76: {  	[sflag:s6] =	ssyncset.done $0x0  }
0x77: {  	[sflag:s6] =	ssyncadd.s32 $0xFFFFF830  }
0x78: {  	[tilespmem:s17], [sflag:$0x2] =	stream.indirect.gather [hbm4b:s11+s12], $0x10, s12, s12, $0xb8;
	[tilespmem:$0x14140] =	vst v63  }
0x79: {  	_ =	swait.ge [sflag:s18], $0x7D00  }
0x7a: {  	[sflag:s18] =	ssyncset.done $0x0  }
0x7b: {  	[sflag:s18] =	ssyncadd.s32 $0xFFFF8300  }
0x7c: {  	[spmem:s3] =	stream.indirect.scatter.add.f32 [tilespmem:s13], [sflag:$0x3], $0x10, s10, s12, $0xb8;
	[tilespmem:$0x14140] =	vst v63  }
0x7d: {  	_ =	swait.ge [sflag:s19], $0x7D00  }
0x7e: {  	[sflag:s19] =	ssyncset.done $0x0  }
0x7f: {  	[sflag:s19] =	ssyncadd.s32 $0xFFFF8300  }
0x80: {  	[tilespmem:s4], [sflag:$0x5] =	stream.linear.gather [hbm4b:s20+s4], $0x7D0, $0x38;
	[tilespmem:$0x14140] =	vst v63  }
0x81: {  	_ =	swait.ge [sflag:s6], $0x7D0  }
0x82: {  	[sflag:s6] =	ssyncset.done $0x0  }
0x83: {  	[sflag:s6] =	ssyncadd.s32 $0xFFFFF830  }
0x84: {  	[tilespmem:s10], [sflag:$0x5] =	stream.linear.gather [hbm4b:s21+s4], $0x7D0, $0x38;
	[tilespmem:$0x14140] =	vst v63  }
0x85: {  	_ =	swait.ge [sflag:s6], $0x7D0  }
0x86: {  	[sflag:s6] =	ssyncset.done $0x0  }
0x87: {  	[sflag:s6] =	ssyncadd.s32 $0xFFFFF830  }
0x88: {  	[tilespmem:s13], [sflag:$0x1] =	stream.indirect.gather [hbm4b:s11+s12], $0x10, s4, s12, $0xb8;
	[tilespmem:$0x14140] =	vst v63  }
0x89: {  	_ =	swait.ge [sflag:s22], $0x7D00  }
0x8a: {  	[sflag:s22] =	ssyncset.done $0x0  }
0x8b: {  	[sflag:s22] =	ssyncadd.s32 $0xFFFF8300  }
0x8c: {  	[spmem:s3] =	stream.indirect.scatter.add.f32 [tilespmem:s17], [sflag:$0x4], $0x10, s16, s12, $0xb8;
	[tilespmem:$0x14140] =	vst v63  }
0x8d: {  	_ =	swait.ge [sflag:s23], $0x7D00  }
0x8e: {  	[sflag:s23] =	ssyncset.done $0x0  }
0x8f: {  	[sflag:s23] =	ssyncadd.s32 $0xFFFF8300  }
0x90: {  	[tilespmem:s12], [sflag:$0x5] =	stream.linear.gather [hbm4b:s24+s4], $0x7D0, $0x38;
	[tilespmem:$0x14140] =	vst v63  }
0x91: {  	_ =	swait.ge [sflag:s6], $0x7D0  }
0x92: {  	[sflag:s6] =	ssyncset.done $0x0  }
0x93: {  	[sflag:s6] =	ssyncadd.s32 $0xFFFFF830  }
0x94: {  	[tilespmem:s16], [sflag:$0x5] =	stream.linear.gather [hbm4b:s25+s4], $0x7D0, $0x38;
	[tilespmem:$0x14140] =	vst v63  }
0x95: {  	_ =	swait.ge [sflag:s6], $0x7D0  }
0x96: {  	[sflag:s6] =	ssyncset.done $0x0  }
0x97: {  	[sflag:s6] =	ssyncadd.s32 $0xFFFFF830  }
0x98: {  	[tilespmem:s17], [sflag:$0x2] =	stream.indirect.gather [hbm4b:s11+s12], $0x10, s12, s12, $0xb8;
	[tilespmem:$0x14140] =	vst v63  }
0x99: {  	_ =	swait.ge [sflag:s18], $0x7D00  }
0x9a: {  	[sflag:s18] =	ssyncset.done $0x0  }
0x9b: {  	[sflag:s18] =	ssyncadd.s32 $0xFFFF8300  }
0x9c: {  	[spmem:s3] =	stream.indirect.scatter.add.f32 [tilespmem:s13], [sflag:$0x3], $0x10, s10, s12, $0xb8;
	[tilespmem:$0x14140] =	vst v63  }
0x9d: {  	_ =	swait.ge [sflag:s19], $0x7D00  }
0x9e: {  	[sflag:s19] =	ssyncset.done $0x0  }
0x9f: {  	[sflag:s19] =	ssyncadd.s32 $0xFFFF8300  }
0xa0: {  	[tilespmem:s4], [sflag:$0x5] =	stream.linear.gather [hbm4b:s26+s4], $0x7D0, $0x38;
	[tilespmem:$0x14140] =	vst v63  }
0xa1: {  	_ =	swait.ge [sflag:s6], $0x7D0  }
0xa2: {  	[sflag:s6] =	ssyncset.done $0x0  }
0xa3: {  	[sflag:s6] =	ssyncadd.s32 $0xFFFFF830  }
0xa4: {  	[tilespmem:s10], [sflag:$0x5] =	stream.linear.gather [hbm4b:s28+s4], $0x7D0, $0x38;
	[tilespmem:$0x14140] =	vst v63  }
0xa5: {  	_ =	swait.ge [sflag:s6], $0x7D0  }
0xa6: {  	[sflag:s6] =	ssyncset.done $0x0  }
0xa7: {  	[sflag:s6] =	ssyncadd.s32 $0xFFFFF830  }
0xa8: {  	[tilespmem:s13], [sflag:$0x1] =	stream.indirect.gather [hbm4b:s11+s12], $0x10, s4, s12, $0xb8;
	[tilespmem:$0x14140] =	vst v63  }
0xa9: {  	_ =	swait.ge [sflag:s22], $0x7D00  }
0xaa: {  	[sflag:s22] =	ssyncset.done $0x0  }
0xab: {  	[sflag:s22] =	ssyncadd.s32 $0xFFFF8300  }
0xac: {  	[spmem:s3] =	stream.indirect.scatter.add.f32 [tilespmem:s17], [sflag:$0x4], $0x10, s16, s12, $0xb8;
	[tilespmem:$0x14140] =	vst v63  }
0xad: {  	_ =	swait.ge [sflag:s18], $0x7D00  }
0xae: {  	[sflag:s18] =	ssyncset.done $0x0  }
0xaf: {  	[sflag:s18] =	ssyncadd.s32 $0xFFFF8300  }
0xb0: {  	[spmem:s3] =	stream.indirect.scatter.add.f32 [tilespmem:s13], [sflag:$0x3], $0x10, s10, s12, $0xb8;
	[tilespmem:$0x14140] =	vst v63  }
0xb1: {  	_ =	swait.ge [sflag:s19], $0x7D00  }
0xb2: {  	[sflag:s19] =	ssyncset.done $0x0  }
.Ltmp1:
0xb3: {  	[sflag:s19] =	ssyncadd.s32 $0xFFFF8300;
	(pc) =	sbr.rel @p0 .LBB2_1-.Ltmp1, $4  }
0xb4: {  	[bflag:$0x0] =	sbarrier.arrive $0xFFFF  }
0xb5: {  	[hbm:s29], [sflag:s5] =	dma.local [spmem:s7], $0x500  }
0xb6: {  	_ =	swait.ge [sflag:s6], $0x500  }
0xb7: {  	[sflag:s6] =	ssyncset.done $0x0  }
.LBB2_2:
0xb8: {  	[sflag:s6] =	ssyncadd.s32 $0xFFFFFB00  }
0xb9: {  	_ =	sfence.sel $0x180000  }
0xba: {  	[bflag:$0x0] =	sbarrier.arrive $0xFFFF  }
0xbb: {  	_ =	strace $0x9000004A  }
0xbc: {  	s0 =	stileid.u32;
	[bflag:$0x2] =	sbarrier.arrive $0xFFFF  }
0xbd: {  	p0 =	sne.s32 s0, $0x0;
	s0 =	rddreg [dreg:$0x3]  }
0xbe: {  	s0 =	sadd.s32 @!p0 $0x100000, s0  }
0xbf: {  	[sflag:s0] =	ssyncadd.tile.s32 @!p0 $0x1;
	_ =	shalt  }
.Lfunc_end2:
_tile_overlayer_lowered:
.L_overlay_start_2:
0xc0: {  	(tag) =	ssettag $0x2  }
0xc1: {  	s0 =	rddreg [dreg:$0x0];
	s2 =	stileid.u32  }
0xc2: {  	s1 =	rddreg [dreg:$0x1];
	p0 =	sne.s32 s2, $0x0  }
0xc3: {  	s3 =	rddreg [dreg:$0x2];
	[bflag:$0x3] =	sbarrier.arrive $0xFFFF;
	s2 =	simm.s32 @!p0 $0x1C05  }
0xc4: {  	[timem:s3], [sflag:s2] =	dma.local @!p0 [hbm:s0], s1  }
0xc5: {  	s0 =	simm.s32 @!p0 $0x5  }
0xc6: {  	_ =	swait.ge @!p0 [sflag:s0], s1  }
0xc7: {  	s1 =	ssub.s32 @!p0 $0x0, s1;
	[sflag:s0] =	ssyncset.done @!p0 $0x0  }
0xc8: {  	[sflag:s0] =	ssyncadd.s32 @!p0 s1  }
0xc9: {  	[bflag:$0x3] =	sbarrier.arrive $0xFFFF  }
0xca: {  	_ =	shalt  }

// kernel: kernel.15.cloned.1.call-start
scs
__scs_entry_jumppad:
0x0: {  	(pc) =	sbr.rel $0x88, $3  }
0x1: {  	(tag) =	ssettag $0x0;
	lr =	simm.s32 $0x1  }
0x2: {  	[smem:$0x3F9B] =	sst lr;
	_ =	strace $0xD0000000  }
0x3: {  	_ = 	snop  }
0x4: {  	_ = 	snop  }
0x5: {  	_ = 	snop  }
0x6: {  	_ = 	snop  }
0x7: {  	_ = 	snop  }
__scs_overlays_trampoline_lowered:
0x8: {  	[smem:$0x3FAA] =	sst s0  }
0x9: {  	[smem:$0x3FAB] =	sst s1  }
0xa: {  	[smem:$0x3FAC] =	sst s2  }
0xb: {  	[smem:$0x3FAD] =	sst s3  }
0xc: {  	[smem:$0x3FAE] =	sst s4  }
0xd: {  	[smem:$0x3FAF] =	sst s5  }
0xe: {  	[smem:$0x3FB0] =	sst s6  }
0xf: {  	[smem:$0x3FB1] =	sst s7  }
0x10: {  	[smem:$0x3FB2] =	sst s8  }
0x11: {  	[smem:$0x3FB3] =	sst s9;
	s0 =	simm.s32 @!p0 $0x0  }
0x12: {  	s1 =	sld [smem:$0x3F99];
	s0 =	simm.s32 @p0 $0x1  }
0x13: {  	[smem:$0x3FB4] =	sst s0;
	s0 =	simm.s32 @!p1 $0x0  }
0x14: {  	s2 =	sld [smem:$0x3F98];
	s0 =	simm.s32 @p1 $0x1  }
0x15: {  	[smem:$0x3FB5] =	sst s0;
	s0 =	simm.s32 @!p2 $0x0  }
0x16: {  	s3 =	sld [smem:$0x3FDB];
	s0 =	simm.s32 @p2 $0x1  }
0x17: {  	s4 =	simm.s32 $0x1BF5;
	[smem:$0x3FB7] =	sst s0  }
0x18: {  	s0 =	sld [smem:$0x3F9A];
	_ =	swait.ge [sflag:s4], $0x0  }
0x19: {  	s7 =	sld [smem:$0x3F9B]  }
0x1a: {  	s8 =	sadd.s32 $0xFFFFE003, lr  }
0x1b: {  	s9 =	sadd.s32 $0xFFFFFEF7, lr;
	s5 =	simm.s32 $0xFFFFFFFF;
	p2 =	slt.u32 s8, $0xFFFFF086  }
0x1c: {  	p1 =	slt.u32 s9, $0xF7A;
	s5 =	simm.s32 @!p2 $0x0  }
0x1d: {  	s5 =	simm.s32 @p1 $0x1;
	p0 =	seq.s32 s7, s2  }
0x1e: {  	s7 =	smul.u32 @!p0 $0xF7A, s2;
	p2 =	seq.s32 @!p0 s5, $0x0  }
0x1f: {  	s9 =	smul.u32 $0xF7A, s1;
	s8 =	simm.s32 @!p0 $0x1BF5;
	p2 =	por !p2, p0  }
0x20: {  	[sflag:s8] =	ssyncset.s32 @!p0 $0xFFFFF086;
	s6 =	sadd.s32 @!p0 s3, s7;
	s7 =	simm.s32 @!p0 $0x108  }
0x21: {  	s3 =	sadd.s32 s3, s9;
	s6 =	sadd.s32 @!p0 $0x88, s6;
	s7 =	simm.s32 @p2 $0x1082  }
0x22: {  	[simem:s7], [sflag:s8] =	dma.local @!p0 [hbm:s6], $0xF7A  }
0x23: {  	s9 =	sor.u32 $0xD0000000, s2;
	s6 =	simm.s32 $0x108;
	_ =	swait.ge @!p0 [sflag:s8], $0x0  }
0x24: {  	s3 =	sadd.s32 $0x88, s3;
	s6 =	simm.s32 @!p1 $0x1082;
	[sflag:s4] =	ssyncset.s32 $0xFFFFF086  }
0x25: {  	[simem:s6], [sflag:s4] =	dma.local [hbm:s3], $0xF7A  }
0x26: {  	[smem:$0x3F9B] =	sst s1;
	(tag) =	ssettag s2;
	_ =	strace s9  }
0x27: {  	s1 =	sld [smem:$0x3FAB]  }
0x28: {  	s2 =	sld [smem:$0x3FAC]  }
0x29: {  	s4 =	sld [smem:$0x3FAE]  }
0x2a: {  	p0 =	seq.s32 s5, $0x0;
	s5 =	sld [smem:$0x3FAF]  }
0x2b: {  	s6 =	sld [smem:$0x3FB0]  }
0x2c: {  	s7 =	sld [smem:$0x3FB1]  }
0x2d: {  	s3 =	simm.s32 $0x108;
	s8 =	sld [smem:$0x3FB2]  }
0x2e: {  	s3 =	simm.s32 @!p0 $0x1082;
	s9 =	sld [smem:$0x3FB3]  }
0x2f: {  	lr =	sadd.s32 s0, s3;
	s0 =	sld [smem:$0x3FAA]  }
0x30: {  	s3 =	sld [smem:$0x3FAD]  }
0x31: {  	[smem:$0x3FB6] =	sst s10  }
0x32: {  	s10 =	sld [smem:$0x3FB4];
	_ =	sdelay $0x3  }
0x33: {  	p0 =	seq.s32 s10, $0x1;
	s10 =	sld [smem:$0x3FB6];
	_ =	sdelay $0x3  }
0x34: {  	[smem:$0x3FB6] =	sst s10  }
0x35: {  	s10 =	sld [smem:$0x3FB5];
	_ =	sdelay $0x3  }
0x36: {  	p1 =	seq.s32 s10, $0x1;
	s10 =	sld [smem:$0x3FB6];
	_ =	sdelay $0x3  }
0x37: {  	[smem:$0x3FB6] =	sst s10  }
0x38: {  	s10 =	sld [smem:$0x3FB7]  }
0x39: {  	_ = 	snop;
	(pc) =	sbr.ind lr, $3  }
0x3a: {  	_ = 	snop  }
0x3b: {  	_ = 	snop  }
0x3c: {  	p2 =	seq.s32 s10, $0x1;
	s10 =	sld [smem:$0x3FB6]  }
0x3d: {  	_ =	shalt  }
0x3e: {  	_ =	shalt  }
0x3f: {  	_ =	shalt  }
0x40: {  	_ =	shalt  }
0x41: {  	_ =	shalt  }
0x42: {  	_ =	shalt  }
0x43: {  	_ =	shalt  }
0x44: {  	_ =	shalt  }
0x45: {  	_ =	shalt  }
0x46: {  	_ =	shalt  }
0x47: {  	_ =	shalt  }
0x48: {  	_ =	shalt  }
0x49: {  	_ =	shalt  }
0x4a: {  	_ =	shalt  }
0x4b: {  	_ =	shalt  }
0x4c: {  	_ =	shalt  }
0x4d: {  	_ =	shalt  }
0x4e: {  	_ =	shalt  }
0x4f: {  	_ =	shalt  }
0x50: {  	_ =	shalt  }
0x51: {  	_ =	shalt  }
0x52: {  	_ =	shalt  }
0x53: {  	_ =	shalt  }
0x54: {  	_ =	shalt  }
0x55: {  	_ =	shalt  }
0x56: {  	_ =	shalt  }
0x57: {  	_ =	shalt  }
0x58: {  	_ =	shalt  }
0x59: {  	_ =	shalt  }
0x5a: {  	_ =	shalt  }
0x5b: {  	_ =	shalt  }
0x5c: {  	_ =	shalt  }
0x5d: {  	_ =	shalt  }
0x5e: {  	_ =	shalt  }
0x5f: {  	_ =	shalt  }
0x60: {  	_ =	shalt  }
0x61: {  	_ =	shalt  }
0x62: {  	_ =	shalt  }
0x63: {  	_ =	shalt  }
0x64: {  	_ =	shalt  }
0x65: {  	_ =	shalt  }
0x66: {  	_ =	shalt  }
0x67: {  	_ =	shalt  }
0x68: {  	_ =	shalt  }
0x69: {  	_ =	shalt  }
0x6a: {  	_ =	shalt  }
0x6b: {  	_ =	shalt  }
0x6c: {  	_ =	shalt  }
0x6d: {  	_ =	shalt  }
0x6e: {  	_ =	shalt  }
0x6f: {  	_ =	shalt  }
0x70: {  	_ =	shalt  }
0x71: {  	_ =	shalt  }
0x72: {  	_ =	shalt  }
0x73: {  	_ =	shalt  }
0x74: {  	_ =	shalt  }
0x75: {  	_ =	shalt  }
0x76: {  	_ =	shalt  }
0x77: {  	_ =	shalt  }
0x78: {  	_ =	shalt  }
0x79: {  	_ =	shalt  }
0x7a: {  	_ =	shalt  }
0x7b: {  	_ =	shalt  }
0x7c: {  	_ =	shalt  }
0x7d: {  	_ =	shalt  }
0x7e: {  	_ =	shalt  }
0x7f: {  	_ =	shalt  }
0x80: {  	_ =	shalt  }
0x81: {  	_ =	shalt  }
0x82: {  	_ =	shalt  }
0x83: {  	_ =	shalt  }
0x84: {  	_ =	shalt  }
0x85: {  	_ =	shalt  }
0x86: {  	_ =	shalt  }
0x87: {  	_ =	shalt  }
.Lfunc_end0:
.L_simem_size_0:
called_computation.2_lowered:
.L_overlay_start_0:
0x88: {  	s2 =	sld [smem:$0x3FD9]  }
0x89: {  	s3 =	sld [smem:$0x3FFE];
	_ =	sdelay $0x1  }
0x8a: {  	s1 =	srdreg.scid  }
0x8b: {  	s0 =	sand.u32 $0x1, s1  }
0x8c: {  	s17 =	sshll.u32 s0, $0xA;
	s2 =	sadd.s32 s3, s2  }
0x8d: {  	s2 =	sadd.s32 s2, s17  }
0x8e: {  	[smem:$0x3FC2] =	sst s2  }
0x8f: {  	_ = 	snop  }
0x90: {  	s2 =	sld [smem:$0x3FD0];
	(tm) =	ssettm $0x1  }
0x91: {  	s18 =	sld [smem:$0x3FFB];
	_ =	sdelay $0x3  }
0x92: {  	_ =	strace s18  }
0x93: {  	s3 =	sld [smem:$0x3FFC];
	_ =	sdelay $0x3  }
0x94: {  	_ =	strace s3  }
0x95: {  	s3 =	sld [smem:$0x3FFD];
	_ =	sdelay $0x3  }
0x96: {  	_ =	strace s3  }
0x97: {  	_ =	strace $0x8FFFFFFF  }
0x98: {  	s19 =	sld [smem:$0x3FDB];
	_ =	sdelay $0x1  }
0x99: {  	s4 =	simm.s32 $_scs_section_size  }
0x9a: {  	s5 =	simm.s32 $_size__tile_overlayer_lowered;
	s6 =	simm.s32 $_tile_overlayer_lowered  }
0x9b: {  	s22 =	simm.s32 $0x1BFF;
	s21 =	sshll.u32 s6, $0x1;
	s3 =	sadd.s32 s4, s19  }
0x9c: {  	s7 =	simm.s32 $0x0;
	s20 =	sshll.u32 s5, $0x1;
	s5 =	sadd.s32 s21, s3  }
0x9d: {  	[timem:s7], [sflag:s22] =	dma.local [hbm:s5], s20  }
0x9e: {  	_ =	swait.ge [sflag:s22], s20  }
0x9f: {  	s4 =	ssub.s32 $0x0, s20;
	[sflag:s22] =	ssyncset.done $0x0  }
0xa0: {  	[sflag:s22] =	ssyncadd.s32 s4;
	_ =	sdelay $0x1  }
0xa1: {  	s23 =	simm.s32 $0x1B8B  }
0xa2: {  	_ =	swait.ge [sflag:s23], $0x1  }
0xa3: {  	[sflag:s23] =	ssyncset.done $0x0  }
0xa4: {  	s25 =	simm.s32 $0x1B8E;
	s24 =	sld [smem:$0x3FFE];
	[sflag:s23] =	ssyncadd.s32 $0xFFFFFFFF  }
0xa5: {  	s26 =	simm.s32 $execute0_lowered;
	[smem:$0x3FD2] =	sst s25  }
0xa6: {  	s5 =	sshll.u32 s26, $0x1;
	_ =	strace $0x8000004C;
	[dreg:$0x1] =	wrdreg $0xFFFFFFFF  }
0xa7: {  	s28 =	simm.s32 $_size_execute0_lowered;
	s3 =	sadd.s32 s3, s5;
	[dreg:$0x0] =	wrdreg $0x0  }
0xa8: {  	s5 =	sshll.u32 s28, $0x1;
	[dreg:$0x2] =	wrdreg s3  }
0xa9: {  	[dreg:$0x3] =	wrdreg s5  }
0xaa: {  	[dreg:$0x4] =	wrdreg $0xC0  }
0xab: {  	_ =	task [dreg:s7], $0x5FFFF  }
0xac: {  	[dreg:$0x1] =	wrdreg $0xFFFFFFFF  }
0xad: {  	[dreg:$0x0] =	wrdreg $0x60  }
0xae: {  	[dreg:$0x2] =	wrdreg s24  }
0xaf: {  	[dreg:$0x3] =	wrdreg s2  }
0xb0: {  	[dreg:$0x4] =	wrdreg $0x4E200  }
0xb1: {  	[dreg:$0x5] =	wrdreg $0x9  }
0xb2: {  	_ =	task.clear_ibuf [dreg:s7], $0x6FFFF;
	_ =	strace $0x9000004C  }
0xb3: {  	s29 =	simm.s32 $0x9;
	_ =	strace $0x8000004E  }
0xb4: {  	_ =	swait.ge [sflag:s29], $0x1  }
0xb5: {  	[sflag:s29] =	ssyncadd.s32 $0xFFFFFFFF  }
0xb6: {  	_ =	strace $0x9000004E  }
0xb7: {  	_ =	sfence  }
0xb8: {  	s30 =	sld [smem:$0x0];
	_ =	sdelay $0x2  }
0xb9: {  	s31 =	sshll.u32 s1, $0xD;
	s1 =	sshrl.u32 s1, $0x2  }
0xba: {  	s3 =	sand.u32 $0x4000, s31;
	s1 =	sadd.s32 s1, s30  }
0xbb: {  	s0 =	sor.u32 s3, s0;
	s1 =	sshll.u32 s1, $0x11  }
0xbc: {  	s0 =	sor.u32 s1, s0  }
0xbd: {  	s0 =	sadd.s32 $0x8F2B, s0  }
0xbe: {  	[sflag:s0] =	ssyncadd.remote.s32 $0x1  }
0xbf: {  	_ =	sfence.sel $0xFFFF  }
0xc0: {  	[dreg:$0x0] =	wrdreg $0xFFFFFFFF;
	(pc) =	sbr.abs _section_cstart, $3  }
0xc1: {  	[dreg:$0x1] =	wrdreg $0xFFFFFFFF  }
0xc2: {  	_ =	task.clear_ibuf [dreg:s7], $0x2FFFF;
	_ =	strace $0x9FFFFFFF  }
0xc3: {  	(tm) =	ssettm $0x7FFFFFFF  }
tec
execute0_lowered:
.L_overlay_start_1:
0x0: {  	(tag) =	ssettag $0x1  }
0x1: {  	s1 =	srdreg.scid;
	s5 =	rddreg [dreg:$0x0]  }
0x2: {  	s0 =	stileid.u32;
	s6 =	rddreg [dreg:$0x1];
	s20 =	simm.s32 $0x3  }
0x3: {  	s21 =	simm.s32 $0x2710;
	s22 =	simm.s32 $0x7D0;
	s23 =	simm.s32 $0x1770  }
0x4: {  	s24 =	simm.s32 $0xFA0;
	s25 =	simm.s32 $0x1F40;
	s26 =	simm.s32 $0x1  }
0x5: {  	s28 =	simm.s32 $0x2;
	s29 =	simm.s32 $0x0;
	s1 =	sand.u32 $0x1, s1  }
0x6: {  	s2 =	sshll.u32 s0, $0x1;
	s7 =	smul.u32 $0x280, s0;
	s31 =	sshll.u32 s0, $0x6  }
0x7: {  	s3 =	sor.u32 s1, s2;
	s2 =	rddreg [dreg:$0x2];
	s8 =	smul.u32 $0x2800, s1  }
0x8: {  	s1 =	ssub.s32 $0x2, s1;
	s4 =	smul.u32 $0x2710, s3;
	s3 =	simm.s32 $0x0  }
0x9: {  	s9 =	sshrl.u32 s1, $0x1;
	s19 =	sadd.s32 s7, s2;
	s30 =	sshrl.u32 s7, $0x3  }
0xa: {  	[smem:$0x7FF] =	sst s3;
	s8 =	sadd.s32 s7, s8;
	s1 =	ssub.s32 s1, s9  }
0xb: {  	s19 =	sshrl.u32 s19, $0x3;
	_ =	strace $0x8000004D;
	s4 =	sshrl.u32 s4, $0x3  }
0xc: {  	s8 =	sshrl.u32 s8, $0x3;
	s18 =	smax.u32 s1, $0x1;
	s16 =	sadd.s32 s4, s5  }
0xd: {  	s4 =	sadd.s32 $0x3C400, s5;
	s17 =	sadd.s32 s8, s5;
	s5 =	sadd.s32 s6, s30  }
0xe: {  	s6 =	sor.u32 $0x1C03, s31;
	s7 =	sadd.s32 $0x1800, s16;
	s8 =	sadd.s32 $0xB440, s16  }
0xf: {  	s9 =	sadd.s32 $0x18FA, s16;
	s10 =	sadd.s32 $0xB53A, s16;
	s11 =	sadd.s32 $0x19F4, s16  }
0x10: {  	s12 =	sadd.s32 $0xB634, s16;
	s13 =	sadd.s32 $0x1AEE, s16;
	s14 =	sadd.s32 $0xB72E, s16  }
0x11: {  	s15 =	sadd.s32 $0x1BE8, s16;
	s16 =	sadd.s32 $0xB828, s16;
	s17 =	sadd.s32 $0x3CA00, s17  }
.LBB2_1:
0x12: {  	[spmem:s19], [sflag:s6] =	dma.local [hbm:s5], $0x50  }
0x13: {  	_ =	swait.ge [sflag:s20], $0x50  }
0x14: {  	[sflag:s20] =	ssyncset.done $0x0  }
0x15: {  	[sflag:s20] =	ssyncadd.s32 $0xFFFFFFB0  }
0x16: {  	[tilespmem:s21], [sflag:$0x3] =	stream.linear.gather [hbm4b:s4+s3], $0x2710, $0x38;
	[tilespmem:$0x50A0] =	vst v63  }
0x17: {  	_ =	swait.ge [sflag:s20], $0x2710  }
0x18: {  	[sflag:s20] =	ssyncset.done $0x0  }
0x19: {  	[sflag:s20] =	ssyncadd.s32 $0xFFFFD8F0  }
0x1a: {  	[bflag:$0x0] =	sbarrier.arrive $0xFFFF  }
0x1b: {  	[tilespmem:s3], [sflag:$0x3] =	stream.linear.gather [hbm4b:s7+s3], $0x7D0, $0x38;
	[tilespmem:$0x50A0] =	vst v63  }
0x1c: {  	_ =	swait.ge [sflag:s20], $0x7D0  }
0x1d: {  	[sflag:s20] =	ssyncset.done $0x0  }
0x1e: {  	[sflag:s20] =	ssyncadd.s32 $0xFFFFF830  }
0x1f: {  	[tilespmem:s22], [sflag:$0x3] =	stream.linear.gather [hbm4b:s8+s3], $0x7D0, $0x38;
	[tilespmem:$0x50A0] =	vst v63  }
0x20: {  	_ =	swait.ge [sflag:s20], $0x7D0  }
0x21: {  	[sflag:s20] =	ssyncset.done $0x0  }
0x22: {  	s30 =	simm.s32 $0x0;
	[sflag:s20] =	ssyncadd.s32 $0xFFFFF830  }
0x23: {  	v0 =	vld [tilespmem:s30+$0x0];
	_ =	sdelay $0x6  }
0x24: {  	v1 =	vld [tilespmem:s30+$0x10]  }
0x25: {  	v0 =	vld.idx.msk [tilespmem:v0+s21+$0x0], $0xffff;
	_ =	sdelay $0x4  }
0x26: {  	[tilespmem:s30+$0x1770] =	vst v0;
	v0 =	vld [tilespmem:s30+$0x20];
	_ =	sdelay $0x1  }
0x27: {  	v1 =	vld.idx.msk [tilespmem:v1+s21+$0x0], $0xffff;
	_ =	sdelay $0x4  }
0x28: {  	[tilespmem:s30+$0x1780] =	vst v1;
	v1 =	vld [tilespmem:s30+$0x30]  }
0x29: {  	v0 =	vld.idx.msk [tilespmem:v0+s21+$0x0], $0xffff;
	_ =	sdelay $0x4  }
0x2a: {  	[tilespmem:s30+$0x1790] =	vst v0;
	v0 =	vld [tilespmem:s30+$0x40];
	_ =	sdelay $0x1  }
0x2b: {  	v1 =	vld.idx.msk [tilespmem:v1+s21+$0x0], $0xffff;
	_ =	sdelay $0x3  }
0x2c: {  	s1 =	simm.s32 $0x50;
	s31 =	simm.s32 $0x280  }
.LBB2_2:
0x2d: {  	p0 =	sne.s32 s31, $0x1E00;
	v2 =	vld [tilespmem:s1+$0x0];
	[tilespmem:s30+$0x17A0] =	vst v1  }
0x2e: {  	v0 =	vld.idx.msk [tilespmem:v0+s21+$0x0], $0xffff;
	_ =	sdelay $0x5  }
0x2f: {  	v1 =	vld [tilespmem:s1+$0x10];
	[tilespmem:s30+$0x17B0] =	vst v0;
	s30 =	smov.u32 s1  }
0x30: {  	v0 =	vld.idx.msk [tilespmem:v2+s21+$0x0], $0xffff;
	_ =	sdelay $0x5  }
0x31: {  	[tilespmem:s30+$0x1770] =	vst v0;
	v0 =	vld [tilespmem:s30+$0x20]  }
0x32: {  	v1 =	vld.idx.msk [tilespmem:v1+s21+$0x0], $0xffff;
	_ =	sdelay $0x5  }
0x33: {  	[tilespmem:s30+$0x1780] =	vst v1;
	v1 =	vld [tilespmem:s30+$0x30]  }
0x34: {  	v0 =	vld.idx.msk [tilespmem:v0+s21+$0x0], $0xffff;
	_ =	sdelay $0x5  }
0x35: {  	[tilespmem:s30+$0x1790] =	vst v0;
	v0 =	vld [tilespmem:s30+$0x40]  }
0x36: {  	v1 =	vld.idx.msk [tilespmem:v1+s21+$0x0], $0xffff  }
.Ltmp0:
0x37: {  	(pc) =	sbr.rel @p0 .LBB2_2-.Ltmp0, $2  }
0x38: {  	_ =	sdelay $0x2  }
0x39: {  	s1 =	sshra.s32 s31, $0x2;
	s31 =	sadd.s32 $0x140, s31  }
0x3a: {  	_ =	sdelay $0x1  }
0x3b: {  	v2 =	vld [tilespmem:s1+$0x0]  }
0x3c: {  	[tilespmem:s30+$0x17A0] =	vst v1  }
0x3d: {  	v0 =	vld.idx.msk [tilespmem:v0+s21+$0x0], $0xffff;
	_ =	sdelay $0x4  }
0x3e: {  	v1 =	vld [tilespmem:s1+$0x10];
	[tilespmem:s30+$0x17B0] =	vst v0  }
0x3f: {  	v0 =	vld.idx.msk [tilespmem:v2+s21+$0x0], $0xffff;
	_ =	sdelay $0x4  }
0x40: {  	[tilespmem:s1+$0x1770] =	vst v0;
	v0 =	vld [tilespmem:s1+$0x20];
	_ =	sdelay $0x1  }
0x41: {  	v1 =	vld.idx.msk [tilespmem:v1+s21+$0x0], $0xffff;
	_ =	sdelay $0x4  }
0x42: {  	[tilespmem:s1+$0x1780] =	vst v1;
	v1 =	vld [tilespmem:s1+$0x30]  }
0x43: {  	v0 =	vld.idx.msk [tilespmem:v0+s21+$0x0], $0xffff;
	_ =	sdelay $0x4  }
0x44: {  	[tilespmem:s1+$0x1790] =	vst v0;
	v0 =	vld [tilespmem:s1+$0x40];
	_ =	sdelay $0x1  }
0x45: {  	v1 =	vld.idx.msk [tilespmem:v1+s21+$0x0], $0xffff;
	_ =	sdelay $0x4  }
0x46: {  	[tilespmem:s1+$0x17A0] =	vst v1  }
0x47: {  	v0 =	vld.idx.msk [tilespmem:v0+s21+$0x0], $0xffff;
	_ =	sdelay $0x4  }
0x48: {  	[tilespmem:s1+$0x17B0] =	vst v0  }
0x49: {  	[spmem:s2] =	stream.indirect.scatter.add.f32 [tilespmem:s23], [sflag:$0x1], $0x1, s22, s22, $0xb8;
	[tilespmem:$0x50A0] =	vst v63  }
0x4a: {  	s1 =	simm.s32 $0x0  }
0x4b: {  	[tilespmem:s1], [sflag:$0x3] =	stream.linear.gather [hbm4b:s9+s1], $0x7D0, $0x38;
	[tilespmem:$0x50A0] =	vst v63  }
0x4c: {  	_ =	swait.ge [sflag:s20], $0x7D0  }
0x4d: {  	[sflag:s20] =	ssyncset.done $0x0  }
0x4e: {  	[sflag:s20] =	ssyncadd.s32 $0xFFFFF830  }
0x4f: {  	[tilespmem:s24], [sflag:$0x3] =	stream.linear.gather [hbm4b:s10+s1], $0x7D0, $0x38;
	[tilespmem:$0x50A0] =	vst v63  }
0x50: {  	_ =	swait.ge [sflag:s20], $0x7D0  }
0x51: {  	[sflag:s20] =	ssyncset.done $0x0  }
0x52: {  	s30 =	simm.s32 $0x0;
	[sflag:s20] =	ssyncadd.s32 $0xFFFFF830  }
0x53: {  	v0 =	vld [tilespmem:s30+$0x0];
	_ =	sdelay $0x6  }
0x54: {  	v1 =	vld [tilespmem:s30+$0x10]  }
0x55: {  	v0 =	vld.idx.msk [tilespmem:v0+s21+$0x0], $0xffff;
	_ =	sdelay $0x4  }
0x56: {  	[tilespmem:s30+$0x1F40] =	vst v0;
	v0 =	vld [tilespmem:s30+$0x20];
	_ =	sdelay $0x1  }
0x57: {  	v1 =	vld.idx.msk [tilespmem:v1+s21+$0x0], $0xffff;
	_ =	sdelay $0x4  }
0x58: {  	[tilespmem:s30+$0x1F50] =	vst v1;
	v1 =	vld [tilespmem:s30+$0x30]  }
0x59: {  	v0 =	vld.idx.msk [tilespmem:v0+s21+$0x0], $0xffff;
	_ =	sdelay $0x4  }
0x5a: {  	[tilespmem:s30+$0x1F60] =	vst v0;
	v0 =	vld [tilespmem:s30+$0x40];
	_ =	sdelay $0x1  }
0x5b: {  	v1 =	vld.idx.msk [tilespmem:v1+s21+$0x0], $0xffff;
	_ =	sdelay $0x3  }
0x5c: {  	s31 =	simm.s32 $0x280;
	s1 =	simm.s32 $0x50  }
.LBB2_4:
0x5d: {  	p0 =	sne.s32 s31, $0x1E00;
	v2 =	vld [tilespmem:s1+$0x0];
	[tilespmem:s30+$0x1F70] =	vst v1  }
0x5e: {  	v0 =	vld.idx.msk [tilespmem:v0+s21+$0x0], $0xffff;
	_ =	sdelay $0x5  }
0x5f: {  	v1 =	vld [tilespmem:s1+$0x10];
	[tilespmem:s30+$0x1F80] =	vst v0;
	s30 =	smov.u32 s1  }
0x60: {  	v0 =	vld.idx.msk [tilespmem:v2+s21+$0x0], $0xffff;
	_ =	sdelay $0x5  }
0x61: {  	[tilespmem:s30+$0x1F40] =	vst v0;
	v0 =	vld [tilespmem:s30+$0x20]  }
0x62: {  	v1 =	vld.idx.msk [tilespmem:v1+s21+$0x0], $0xffff;
	_ =	sdelay $0x5  }
0x63: {  	[tilespmem:s30+$0x1F50] =	vst v1;
	v1 =	vld [tilespmem:s30+$0x30]  }
0x64: {  	v0 =	vld.idx.msk [tilespmem:v0+s21+$0x0], $0xffff;
	_ =	sdelay $0x5  }
0x65: {  	[tilespmem:s30+$0x1F60] =	vst v0;
	v0 =	vld [tilespmem:s30+$0x40]  }
0x66: {  	v1 =	vld.idx.msk [tilespmem:v1+s21+$0x0], $0xffff  }
.Ltmp1:
0x67: {  	(pc) =	sbr.rel @p0 .LBB2_4-.Ltmp1, $2  }
0x68: {  	_ =	sdelay $0x2  }
0x69: {  	s1 =	sshra.s32 s31, $0x2;
	s31 =	sadd.s32 $0x140, s31  }
0x6a: {  	_ =	sdelay $0x1  }
0x6b: {  	v2 =	vld [tilespmem:s1+$0x0]  }
0x6c: {  	[tilespmem:s30+$0x1F70] =	vst v1  }
0x6d: {  	v0 =	vld.idx.msk [tilespmem:v0+s21+$0x0], $0xffff;
	_ =	sdelay $0x4  }
0x6e: {  	v1 =	vld [tilespmem:s1+$0x10];
	[tilespmem:s30+$0x1F80] =	vst v0  }
0x6f: {  	v0 =	vld.idx.msk [tilespmem:v2+s21+$0x0], $0xffff;
	_ =	sdelay $0x4  }
0x70: {  	[tilespmem:s1+$0x1F40] =	vst v0;
	v0 =	vld [tilespmem:s1+$0x20];
	_ =	sdelay $0x1  }
0x71: {  	v1 =	vld.idx.msk [tilespmem:v1+s21+$0x0], $0xffff;
	_ =	sdelay $0x4  }
0x72: {  	[tilespmem:s1+$0x1F50] =	vst v1;
	v1 =	vld [tilespmem:s1+$0x30]  }
0x73: {  	v0 =	vld.idx.msk [tilespmem:v0+s21+$0x0], $0xffff;
	_ =	sdelay $0x4  }
0x74: {  	[tilespmem:s1+$0x1F60] =	vst v0;
	v0 =	vld [tilespmem:s1+$0x40];
	_ =	sdelay $0x1  }
0x75: {  	v1 =	vld.idx.msk [tilespmem:v1+s21+$0x0], $0xffff;
	_ =	sdelay $0x4  }
0x76: {  	[tilespmem:s1+$0x1F70] =	vst v1  }
0x77: {  	v0 =	vld.idx.msk [tilespmem:v0+s21+$0x0], $0xffff;
	_ =	sdelay $0x4  }
0x78: {  	[tilespmem:s1+$0x1F80] =	vst v0  }
0x79: {  	[spmem:s2] =	stream.indirect.scatter.add.f32 [tilespmem:s25], [sflag:$0x2], $0x1, s24, s22, $0xb8;
	[tilespmem:$0x50A0] =	vst v63  }
0x7a: {  	s1 =	simm.s32 $0x0  }
0x7b: {  	[tilespmem:s1], [sflag:$0x3] =	stream.linear.gather [hbm4b:s11+s1], $0x7D0, $0x38;
	[tilespmem:$0x50A0] =	vst v63  }
0x7c: {  	_ =	swait.ge [sflag:s20], $0x7D0  }
0x7d: {  	[sflag:s20] =	ssyncset.done $0x0  }
0x7e: {  	[sflag:s20] =	ssyncadd.s32 $0xFFFFF830  }
0x7f: {  	_ =	swait.ge [sflag:s26], $0x7D0  }
0x80: {  	[sflag:s26] =	ssyncset.done $0x0  }
0x81: {  	[sflag:s26] =	ssyncadd.s32 $0xFFFFF830  }
0x82: {  	[tilespmem:s22], [sflag:$0x3] =	stream.linear.gather [hbm4b:s12+s1], $0x7D0, $0x38;
	[tilespmem:$0x50A0] =	vst v63  }
0x83: {  	_ =	swait.ge [sflag:s20], $0x7D0  }
0x84: {  	[sflag:s20] =	ssyncset.done $0x0  }
0x85: {  	s30 =	simm.s32 $0x0;
	[sflag:s20] =	ssyncadd.s32 $0xFFFFF830  }
0x86: {  	v0 =	vld [tilespmem:s30+$0x0];
	_ =	sdelay $0x6  }
0x87: {  	v1 =	vld [tilespmem:s30+$0x10]  }
0x88: {  	v0 =	vld.idx.msk [tilespmem:v0+s21+$0x0], $0xffff;
	_ =	sdelay $0x4  }
0x89: {  	[tilespmem:s30+$0x1770] =	vst v0;
	v0 =	vld [tilespmem:s30+$0x20];
	_ =	sdelay $0x1  }
0x8a: {  	v1 =	vld.idx.msk [tilespmem:v1+s21+$0x0], $0xffff;
	_ =	sdelay $0x4  }
0x8b: {  	[tilespmem:s30+$0x1780] =	vst v1;
	v1 =	vld [tilespmem:s30+$0x30]  }
0x8c: {  	v0 =	vld.idx.msk [tilespmem:v0+s21+$0x0], $0xffff;
	_ =	sdelay $0x4  }
0x8d: {  	[tilespmem:s30+$0x1790] =	vst v0;
	v0 =	vld [tilespmem:s30+$0x40];
	_ =	sdelay $0x1  }
0x8e: {  	v1 =	vld.idx.msk [tilespmem:v1+s21+$0x0], $0xffff;
	_ =	sdelay $0x3  }
0x8f: {  	s31 =	simm.s32 $0x280;
	s1 =	simm.s32 $0x50  }
.LBB2_6:
0x90: {  	p0 =	sne.s32 s31, $0x1E00;
	v2 =	vld [tilespmem:s1+$0x0];
	[tilespmem:s30+$0x17A0] =	vst v1  }
0x91: {  	v0 =	vld.idx.msk [tilespmem:v0+s21+$0x0], $0xffff;
	_ =	sdelay $0x5  }
0x92: {  	v1 =	vld [tilespmem:s1+$0x10];
	[tilespmem:s30+$0x17B0] =	vst v0;
	s30 =	smov.u32 s1  }
0x93: {  	v0 =	vld.idx.msk [tilespmem:v2+s21+$0x0], $0xffff;
	_ =	sdelay $0x5  }
0x94: {  	[tilespmem:s30+$0x1770] =	vst v0;
	v0 =	vld [tilespmem:s30+$0x20]  }
0x95: {  	v1 =	vld.idx.msk [tilespmem:v1+s21+$0x0], $0xffff;
	_ =	sdelay $0x5  }
0x96: {  	[tilespmem:s30+$0x1780] =	vst v1;
	v1 =	vld [tilespmem:s30+$0x30]  }
0x97: {  	v0 =	vld.idx.msk [tilespmem:v0+s21+$0x0], $0xffff;
	_ =	sdelay $0x5  }
0x98: {  	[tilespmem:s30+$0x1790] =	vst v0;
	v0 =	vld [tilespmem:s30+$0x40]  }
0x99: {  	v1 =	vld.idx.msk [tilespmem:v1+s21+$0x0], $0xffff  }
.Ltmp2:
0x9a: {  	(pc) =	sbr.rel @p0 .LBB2_6-.Ltmp2, $2  }
0x9b: {  	_ =	sdelay $0x2  }
0x9c: {  	s1 =	sshra.s32 s31, $0x2;
	s31 =	sadd.s32 $0x140, s31  }
0x9d: {  	_ =	sdelay $0x1  }
0x9e: {  	v2 =	vld [tilespmem:s1+$0x0]  }
0x9f: {  	[tilespmem:s30+$0x17A0] =	vst v1  }
0xa0: {  	v0 =	vld.idx.msk [tilespmem:v0+s21+$0x0], $0xffff;
	_ =	sdelay $0x4  }
0xa1: {  	v1 =	vld [tilespmem:s1+$0x10];
	[tilespmem:s30+$0x17B0] =	vst v0  }
0xa2: {  	v0 =	vld.idx.msk [tilespmem:v2+s21+$0x0], $0xffff;
	_ =	sdelay $0x4  }
0xa3: {  	[tilespmem:s1+$0x1770] =	vst v0;
	v0 =	vld [tilespmem:s1+$0x20];
	_ =	sdelay $0x1  }
0xa4: {  	v1 =	vld.idx.msk [tilespmem:v1+s21+$0x0], $0xffff;
	_ =	sdelay $0x4  }
0xa5: {  	[tilespmem:s1+$0x1780] =	vst v1;
	v1 =	vld [tilespmem:s1+$0x30]  }
0xa6: {  	v0 =	vld.idx.msk [tilespmem:v0+s21+$0x0], $0xffff;
	_ =	sdelay $0x4  }
0xa7: {  	[tilespmem:s1+$0x1790] =	vst v0;
	v0 =	vld [tilespmem:s1+$0x40];
	_ =	sdelay $0x1  }
0xa8: {  	v1 =	vld.idx.msk [tilespmem:v1+s21+$0x0], $0xffff;
	_ =	sdelay $0x4  }
0xa9: {  	[tilespmem:s1+$0x17A0] =	vst v1  }
0xaa: {  	v0 =	vld.idx.msk [tilespmem:v0+s21+$0x0], $0xffff;
	_ =	sdelay $0x4  }
0xab: {  	[tilespmem:s1+$0x17B0] =	vst v0  }
0xac: {  	[spmem:s2] =	stream.indirect.scatter.add.f32 [tilespmem:s23], [sflag:$0x1], $0x1, s22, s22, $0xb8;
	[tilespmem:$0x50A0] =	vst v63  }
0xad: {  	s1 =	simm.s32 $0x0  }
0xae: {  	[tilespmem:s1], [sflag:$0x3] =	stream.linear.gather [hbm4b:s13+s1], $0x7D0, $0x38;
	[tilespmem:$0x50A0] =	vst v63  }
0xaf: {  	_ =	swait.ge [sflag:s20], $0x7D0  }
0xb0: {  	[sflag:s20] =	ssyncset.done $0x0  }
0xb1: {  	[sflag:s20] =	ssyncadd.s32 $0xFFFFF830  }
0xb2: {  	_ =	swait.ge [sflag:s28], $0x7D0  }
0xb3: {  	[sflag:s28] =	ssyncset.done $0x0  }
0xb4: {  	[sflag:s28] =	ssyncadd.s32 $0xFFFFF830  }
0xb5: {  	[tilespmem:s24], [sflag:$0x3] =	stream.linear.gather [hbm4b:s14+s1], $0x7D0, $0x38;
	[tilespmem:$0x50A0] =	vst v63  }
0xb6: {  	_ =	swait.ge [sflag:s20], $0x7D0  }
0xb7: {  	[sflag:s20] =	ssyncset.done $0x0  }
0xb8: {  	s30 =	simm.s32 $0x0;
	[sflag:s20] =	ssyncadd.s32 $0xFFFFF830  }
0xb9: {  	v0 =	vld [tilespmem:s30+$0x0];
	_ =	sdelay $0x6  }
0xba: {  	v1 =	vld [tilespmem:s30+$0x10]  }
0xbb: {  	v0 =	vld.idx.msk [tilespmem:v0+s21+$0x0], $0xffff;
	_ =	sdelay $0x4  }
0xbc: {  	[tilespmem:s30+$0x1F40] =	vst v0;
	v0 =	vld [tilespmem:s30+$0x20];
	_ =	sdelay $0x1  }
0xbd: {  	v1 =	vld.idx.msk [tilespmem:v1+s21+$0x0], $0xffff;
	_ =	sdelay $0x4  }
0xbe: {  	[tilespmem:s30+$0x1F50] =	vst v1;
	v1 =	vld [tilespmem:s30+$0x30]  }
0xbf: {  	v0 =	vld.idx.msk [tilespmem:v0+s21+$0x0], $0xffff;
	_ =	sdelay $0x4  }
0xc0: {  	[tilespmem:s30+$0x1F60] =	vst v0;
	v0 =	vld [tilespmem:s30+$0x40];
	_ =	sdelay $0x1  }
0xc1: {  	v1 =	vld.idx.msk [tilespmem:v1+s21+$0x0], $0xffff;
	_ =	sdelay $0x3  }
0xc2: {  	s31 =	simm.s32 $0x280;
	s1 =	simm.s32 $0x50  }
.LBB2_8:
0xc3: {  	p0 =	sne.s32 s31, $0x1E00;
	v2 =	vld [tilespmem:s1+$0x0];
	[tilespmem:s30+$0x1F70] =	vst v1  }
0xc4: {  	v0 =	vld.idx.msk [tilespmem:v0+s21+$0x0], $0xffff;
	_ =	sdelay $0x5  }
0xc5: {  	v1 =	vld [tilespmem:s1+$0x10];
	[tilespmem:s30+$0x1F80] =	vst v0;
	s30 =	smov.u32 s1  }
0xc6: {  	v0 =	vld.idx.msk [tilespmem:v2+s21+$0x0], $0xffff;
	_ =	sdelay $0x5  }
0xc7: {  	[tilespmem:s30+$0x1F40] =	vst v0;
	v0 =	vld [tilespmem:s30+$0x20]  }
0xc8: {  	v1 =	vld.idx.msk [tilespmem:v1+s21+$0x0], $0xffff;
	_ =	sdelay $0x5  }
0xc9: {  	[tilespmem:s30+$0x1F50] =	vst v1;
	v1 =	vld [tilespmem:s30+$0x30]  }
0xca: {  	v0 =	vld.idx.msk [tilespmem:v0+s21+$0x0], $0xffff;
	_ =	sdelay $0x5  }
0xcb: {  	[tilespmem:s30+$0x1F60] =	vst v0;
	v0 =	vld [tilespmem:s30+$0x40]  }
0xcc: {  	v1 =	vld.idx.msk [tilespmem:v1+s21+$0x0], $0xffff  }
.Ltmp3:
0xcd: {  	(pc) =	sbr.rel @p0 .LBB2_8-.Ltmp3, $2  }
0xce: {  	_ =	sdelay $0x2  }
0xcf: {  	s1 =	sshra.s32 s31, $0x2;
	s31 =	sadd.s32 $0x140, s31  }
0xd0: {  	_ =	sdelay $0x1  }
0xd1: {  	v2 =	vld [tilespmem:s1+$0x0]  }
0xd2: {  	[tilespmem:s30+$0x1F70] =	vst v1  }
0xd3: {  	v0 =	vld.idx.msk [tilespmem:v0+s21+$0x0], $0xffff;
	_ =	sdelay $0x4  }
0xd4: {  	v1 =	vld [tilespmem:s1+$0x10];
	[tilespmem:s30+$0x1F80] =	vst v0  }
0xd5: {  	v0 =	vld.idx.msk [tilespmem:v2+s21+$0x0], $0xffff;
	_ =	sdelay $0x4  }
0xd6: {  	[tilespmem:s1+$0x1F40] =	vst v0;
	v0 =	vld [tilespmem:s1+$0x20];
	_ =	sdelay $0x1  }
0xd7: {  	v1 =	vld.idx.msk [tilespmem:v1+s21+$0x0], $0xffff;
	_ =	sdelay $0x4  }
0xd8: {  	[tilespmem:s1+$0x1F50] =	vst v1;
	v1 =	vld [tilespmem:s1+$0x30]  }
0xd9: {  	v0 =	vld.idx.msk [tilespmem:v0+s21+$0x0], $0xffff;
	_ =	sdelay $0x4  }
0xda: {  	[tilespmem:s1+$0x1F60] =	vst v0;
	v0 =	vld [tilespmem:s1+$0x40];
	_ =	sdelay $0x1  }
0xdb: {  	v1 =	vld.idx.msk [tilespmem:v1+s21+$0x0], $0xffff;
	_ =	sdelay $0x4  }
0xdc: {  	[tilespmem:s1+$0x1F70] =	vst v1  }
0xdd: {  	v0 =	vld.idx.msk [tilespmem:v0+s21+$0x0], $0xffff;
	_ =	sdelay $0x4  }
0xde: {  	[tilespmem:s1+$0x1F80] =	vst v0  }
0xdf: {  	[spmem:s2] =	stream.indirect.scatter.add.f32 [tilespmem:s25], [sflag:$0x2], $0x1, s24, s22, $0xb8;
	[tilespmem:$0x50A0] =	vst v63  }
0xe0: {  	s1 =	simm.s32 $0x0  }
0xe1: {  	[tilespmem:s1], [sflag:$0x3] =	stream.linear.gather [hbm4b:s15+s1], $0x7D0, $0x38;
	[tilespmem:$0x50A0] =	vst v63  }
0xe2: {  	_ =	swait.ge [sflag:s20], $0x7D0  }
0xe3: {  	[sflag:s20] =	ssyncset.done $0x0  }
0xe4: {  	[sflag:s20] =	ssyncadd.s32 $0xFFFFF830  }
0xe5: {  	_ =	swait.ge [sflag:s26], $0x7D0  }
0xe6: {  	[sflag:s26] =	ssyncset.done $0x0  }
0xe7: {  	[sflag:s26] =	ssyncadd.s32 $0xFFFFF830  }
0xe8: {  	[tilespmem:s22], [sflag:$0x3] =	stream.linear.gather [hbm4b:s16+s1], $0x7D0, $0x38;
	[tilespmem:$0x50A0] =	vst v63  }
0xe9: {  	_ =	swait.ge [sflag:s20], $0x7D0  }
0xea: {  	[sflag:s20] =	ssyncset.done $0x0  }
0xeb: {  	s30 =	simm.s32 $0x0;
	[sflag:s20] =	ssyncadd.s32 $0xFFFFF830  }
0xec: {  	v0 =	vld [tilespmem:s30+$0x0];
	_ =	sdelay $0x6  }
0xed: {  	v1 =	vld [tilespmem:s30+$0x10]  }
0xee: {  	v0 =	vld.idx.msk [tilespmem:v0+s21+$0x0], $0xffff;
	_ =	sdelay $0x4  }
0xef: {  	[tilespmem:s30+$0x1770] =	vst v0;
	v0 =	vld [tilespmem:s30+$0x20];
	_ =	sdelay $0x1  }
0xf0: {  	v1 =	vld.idx.msk [tilespmem:v1+s21+$0x0], $0xffff;
	_ =	sdelay $0x4  }
0xf1: {  	[tilespmem:s30+$0x1780] =	vst v1;
	v1 =	vld [tilespmem:s30+$0x30]  }
0xf2: {  	v0 =	vld.idx.msk [tilespmem:v0+s21+$0x0], $0xffff;
	_ =	sdelay $0x4  }
0xf3: {  	[tilespmem:s30+$0x1790] =	vst v0;
	v0 =	vld [tilespmem:s30+$0x40];
	_ =	sdelay $0x1  }
0xf4: {  	v1 =	vld.idx.msk [tilespmem:v1+s21+$0x0], $0xffff;
	_ =	sdelay $0x3  }
0xf5: {  	s31 =	simm.s32 $0x280;
	s1 =	simm.s32 $0x50  }
.LBB2_10:
0xf6: {  	p0 =	sne.s32 s31, $0x1E00;
	v2 =	vld [tilespmem:s1+$0x0];
	[tilespmem:s30+$0x17A0] =	vst v1  }
0xf7: {  	v0 =	vld.idx.msk [tilespmem:v0+s21+$0x0], $0xffff;
	_ =	sdelay $0x5  }
0xf8: {  	v1 =	vld [tilespmem:s1+$0x10];
	[tilespmem:s30+$0x17B0] =	vst v0;
	s30 =	smov.u32 s1  }
0xf9: {  	v0 =	vld.idx.msk [tilespmem:v2+s21+$0x0], $0xffff;
	_ =	sdelay $0x5  }
0xfa: {  	[tilespmem:s30+$0x1770] =	vst v0;
	v0 =	vld [tilespmem:s30+$0x20]  }
0xfb: {  	v1 =	vld.idx.msk [tilespmem:v1+s21+$0x0], $0xffff;
	_ =	sdelay $0x5  }
0xfc: {  	[tilespmem:s30+$0x1780] =	vst v1;
	v1 =	vld [tilespmem:s30+$0x30]  }
0xfd: {  	v0 =	vld.idx.msk [tilespmem:v0+s21+$0x0], $0xffff;
	_ =	sdelay $0x5  }
0xfe: {  	[tilespmem:s30+$0x1790] =	vst v0;
	v0 =	vld [tilespmem:s30+$0x40]  }
0xff: {  	v1 =	vld.idx.msk [tilespmem:v1+s21+$0x0], $0xffff  }
.Ltmp4:
0x100: {  	(pc) =	sbr.rel @p0 .LBB2_10-.Ltmp4, $2  }
0x101: {  	_ =	sdelay $0x2  }
0x102: {  	s1 =	sshra.s32 s31, $0x2;
	s31 =	sadd.s32 $0x140, s31  }
0x103: {  	_ =	sdelay $0x1  }
0x104: {  	v2 =	vld [tilespmem:s1+$0x0]  }
0x105: {  	[tilespmem:s30+$0x17A0] =	vst v1  }
0x106: {  	v0 =	vld.idx.msk [tilespmem:v0+s21+$0x0], $0xffff;
	_ =	sdelay $0x3  }
0x107: {  	v1 =	vld [tilespmem:s1+$0x10]  }
0x108: {  	[tilespmem:s30+$0x17B0] =	vst v0  }
0x109: {  	v0 =	vld.idx.msk [tilespmem:v2+s21+$0x0], $0xffff;
	_ =	sdelay $0x3  }
0x10a: {  	v61 =	vld [tilespmem:s1+$0x20]  }
0x10b: {  	[tilespmem:s1+$0x1770] =	vst v0  }
0x10c: {  	v1 =	vld.idx.msk [tilespmem:v1+s21+$0x0], $0xffff;
	_ =	sdelay $0x3  }
0x10d: {  	v62 =	vld [tilespmem:s1+$0x30]  }
0x10e: {  	[tilespmem:s1+$0x1780] =	vst v1  }
0x10f: {  	v0 =	vld.idx.msk [tilespmem:v61+s21+$0x0], $0xffff;
	_ =	sdelay $0x3  }
0x110: {  	v63 =	vld [tilespmem:s1+$0x40]  }
0x111: {  	[tilespmem:s1+$0x1790] =	vst v0  }
0x112: {  	v1 =	vld.idx.msk [tilespmem:v62+s21+$0x0], $0xffff;
	_ =	sdelay $0x4  }
0x113: {  	[tilespmem:s1+$0x17A0] =	vst v1  }
0x114: {  	v0 =	vld.idx.msk [tilespmem:v63+s21+$0x0], $0xffff;
	_ =	sdelay $0x4  }
0x115: {  	[tilespmem:s1+$0x17B0] =	vst v0  }
0x116: {  	[spmem:s2] =	stream.indirect.scatter.add.f32 [tilespmem:s23], [sflag:$0x1], $0x1, s22, s22, $0xb8;
	[tilespmem:$0x50A0] =	vst v63  }
0x117: {  	_ =	swait.ge [sflag:s28], $0x7D0  }
0x118: {  	[sflag:s28] =	ssyncset.done $0x0  }
0x119: {  	[sflag:s28] =	ssyncadd.s32 $0xFFFFF830  }
0x11a: {  	_ =	swait.ge [sflag:s26], $0x7D0  }
0x11b: {  	s29 =	sadd.s32 $0x1, s29;
	[sflag:s26] =	ssyncset.done $0x0  }
0x11c: {  	p0 =	sne.s32 s29, s18;
	[sflag:s26] =	ssyncadd.s32 $0xFFFFF830  }
.Ltmp5:
0x11d: {  	[bflag:$0x0] =	sbarrier.arrive $0xFFFF;
	(pc) =	sbr.rel @p0 .LBB2_1-.Ltmp5, $4  }
0x11e: {  	[hbm:s17], [sflag:s6] =	dma.local [spmem:s19], $0x50  }
0x11f: {  	_ =	swait.ge [sflag:s20], $0x50  }
0x120: {  	[sflag:s20] =	ssyncset.done $0x0  }
0x121: {  	[sflag:s20] =	ssyncadd.s32 $0xFFFFFFB0  }
0x122: {  	_ =	sfence.sel $0x180000  }
0x123: {  	[bflag:$0x0] =	sbarrier.arrive $0xFFFF  }
0x124: {  	_ =	strace $0x9000004D  }
0x125: {  	[bflag:$0x2] =	sbarrier.arrive $0xFFFF  }
0x126: {  	p0 =	sne.s32 s0, $0x0;
	s0 =	rddreg [dreg:$0x3]  }
0x127: {  	s0 =	sadd.s32 @!p0 $0x100000, s0  }
0x128: {  	[sflag:s0] =	ssyncadd.tile.s32 @!p0 $0x1;
	_ =	shalt  }
.Lfunc_end2:
_tile_overlayer_lowered:
.L_overlay_start_2:
0x129: {  	(tag) =	ssettag $0x2  }
0x12a: {  	s0 =	rddreg [dreg:$0x0];
	s2 =	stileid.u32  }
0x12b: {  	s1 =	rddreg [dreg:$0x1];
	p0 =	sne.s32 s2, $0x0  }
0x12c: {  	s3 =	rddreg [dreg:$0x2];
	[bflag:$0x3] =	sbarrier.arrive $0xFFFF;
	s2 =	simm.s32 @!p0 $0x1C03  }
0x12d: {  	[timem:s3], [sflag:s2] =	dma.local @!p0 [hbm:s0], s1  }
0x12e: {  	s0 =	simm.s32 @!p0 $0x3  }
0x12f: {  	_ =	swait.ge @!p0 [sflag:s0], s1  }
0x130: {  	s1 =	ssub.s32 @!p0 $0x0, s1;
	[sflag:s0] =	ssyncset.done @!p0 $0x0  }
0x131: {  	[sflag:s0] =	ssyncadd.s32 @!p0 s1  }
0x132: {  	[bflag:$0x3] =	sbarrier.arrive $0xFFFF  }
0x133: {  	_ =	shalt  }

// kernel: kernel.9.cloned.1.call-start
scs
__scs_entry_jumppad:
0x0: {  	(pc) =	sbr.rel $0x88, $3  }
0x1: {  	(tag) =	ssettag $0x0;
	lr =	simm.s32 $0x1  }
0x2: {  	[smem:$0x3F9B] =	sst lr;
	_ =	strace $0xD0000000  }
0x3: {  	_ = 	snop  }
0x4: {  	_ = 	snop  }
0x5: {  	_ = 	snop  }
0x6: {  	_ = 	snop  }
0x7: {  	_ = 	snop  }
__scs_overlays_trampoline_lowered:
0x8: {  	[smem:$0x3FAA] =	sst s0  }
0x9: {  	[smem:$0x3FAB] =	sst s1  }
0xa: {  	[smem:$0x3FAC] =	sst s2  }
0xb: {  	[smem:$0x3FAD] =	sst s3  }
0xc: {  	[smem:$0x3FAE] =	sst s4  }
0xd: {  	[smem:$0x3FAF] =	sst s5  }
0xe: {  	[smem:$0x3FB0] =	sst s6  }
0xf: {  	[smem:$0x3FB1] =	sst s7  }
0x10: {  	[smem:$0x3FB2] =	sst s8  }
0x11: {  	[smem:$0x3FB3] =	sst s9;
	s0 =	simm.s32 @!p0 $0x0  }
0x12: {  	s1 =	sld [smem:$0x3F99];
	s0 =	simm.s32 @p0 $0x1  }
0x13: {  	[smem:$0x3FB4] =	sst s0;
	s0 =	simm.s32 @!p1 $0x0  }
0x14: {  	s2 =	sld [smem:$0x3F98];
	s0 =	simm.s32 @p1 $0x1  }
0x15: {  	[smem:$0x3FB5] =	sst s0;
	s0 =	simm.s32 @!p2 $0x0  }
0x16: {  	s3 =	sld [smem:$0x3FDB];
	s0 =	simm.s32 @p2 $0x1  }
0x17: {  	s4 =	simm.s32 $0x1BF5;
	[smem:$0x3FB7] =	sst s0  }
0x18: {  	s0 =	sld [smem:$0x3F9A];
	_ =	swait.ge [sflag:s4], $0x0  }
0x19: {  	s7 =	sld [smem:$0x3F9B]  }
0x1a: {  	s8 =	sadd.s32 $0xFFFFE003, lr  }
0x1b: {  	s9 =	sadd.s32 $0xFFFFFEF7, lr;
	s5 =	simm.s32 $0xFFFFFFFF;
	p2 =	slt.u32 s8, $0xFFFFF086  }
0x1c: {  	p1 =	slt.u32 s9, $0xF7A;
	s5 =	simm.s32 @!p2 $0x0  }
0x1d: {  	s5 =	simm.s32 @p1 $0x1;
	p0 =	seq.s32 s7, s2  }
0x1e: {  	s7 =	smul.u32 @!p0 $0xF7A, s2;
	p2 =	seq.s32 @!p0 s5, $0x0  }
0x1f: {  	s9 =	smul.u32 $0xF7A, s1;
	s8 =	simm.s32 @!p0 $0x1BF5;
	p2 =	por !p2, p0  }
0x20: {  	[sflag:s8] =	ssyncset.s32 @!p0 $0xFFFFF086;
	s6 =	sadd.s32 @!p0 s3, s7;
	s7 =	simm.s32 @!p0 $0x108  }
0x21: {  	s3 =	sadd.s32 s3, s9;
	s6 =	sadd.s32 @!p0 $0x88, s6;
	s7 =	simm.s32 @p2 $0x1082  }
0x22: {  	[simem:s7], [sflag:s8] =	dma.local @!p0 [hbm:s6], $0xF7A  }
0x23: {  	s9 =	sor.u32 $0xD0000000, s2;
	s6 =	simm.s32 $0x108;
	_ =	swait.ge @!p0 [sflag:s8], $0x0  }
0x24: {  	s3 =	sadd.s32 $0x88, s3;
	s6 =	simm.s32 @!p1 $0x1082;
	[sflag:s4] =	ssyncset.s32 $0xFFFFF086  }
0x25: {  	[simem:s6], [sflag:s4] =	dma.local [hbm:s3], $0xF7A  }
0x26: {  	[smem:$0x3F9B] =	sst s1;
	(tag) =	ssettag s2;
	_ =	strace s9  }
0x27: {  	s1 =	sld [smem:$0x3FAB]  }
0x28: {  	s2 =	sld [smem:$0x3FAC]  }
0x29: {  	s4 =	sld [smem:$0x3FAE]  }
0x2a: {  	p0 =	seq.s32 s5, $0x0;
	s5 =	sld [smem:$0x3FAF]  }
0x2b: {  	s6 =	sld [smem:$0x3FB0]  }
0x2c: {  	s7 =	sld [smem:$0x3FB1]  }
0x2d: {  	s3 =	simm.s32 $0x108;
	s8 =	sld [smem:$0x3FB2]  }
0x2e: {  	s3 =	simm.s32 @!p0 $0x1082;
	s9 =	sld [smem:$0x3FB3]  }
0x2f: {  	lr =	sadd.s32 s0, s3;
	s0 =	sld [smem:$0x3FAA]  }
0x30: {  	s3 =	sld [smem:$0x3FAD]  }
0x31: {  	[smem:$0x3FB6] =	sst s10  }
0x32: {  	s10 =	sld [smem:$0x3FB4];
	_ =	sdelay $0x3  }
0x33: {  	p0 =	seq.s32 s10, $0x1;
	s10 =	sld [smem:$0x3FB6];
	_ =	sdelay $0x3  }
0x34: {  	[smem:$0x3FB6] =	sst s10  }
0x35: {  	s10 =	sld [smem:$0x3FB5];
	_ =	sdelay $0x3  }
0x36: {  	p1 =	seq.s32 s10, $0x1;
	s10 =	sld [smem:$0x3FB6];
	_ =	sdelay $0x3  }
0x37: {  	[smem:$0x3FB6] =	sst s10  }
0x38: {  	s10 =	sld [smem:$0x3FB7]  }
0x39: {  	_ = 	snop;
	(pc) =	sbr.ind lr, $3  }
0x3a: {  	_ = 	snop  }
0x3b: {  	_ = 	snop  }
0x3c: {  	p2 =	seq.s32 s10, $0x1;
	s10 =	sld [smem:$0x3FB6]  }
0x3d: {  	_ =	shalt  }
0x3e: {  	_ =	shalt  }
0x3f: {  	_ =	shalt  }
0x40: {  	_ =	shalt  }
0x41: {  	_ =	shalt  }
0x42: {  	_ =	shalt  }
0x43: {  	_ =	shalt  }
0x44: {  	_ =	shalt  }
0x45: {  	_ =	shalt  }
0x46: {  	_ =	shalt  }
0x47: {  	_ =	shalt  }
0x48: {  	_ =	shalt  }
0x49: {  	_ =	shalt  }
0x4a: {  	_ =	shalt  }
0x4b: {  	_ =	shalt  }
0x4c: {  	_ =	shalt  }
0x4d: {  	_ =	shalt  }
0x4e: {  	_ =	shalt  }
0x4f: {  	_ =	shalt  }
0x50: {  	_ =	shalt  }
0x51: {  	_ =	shalt  }
0x52: {  	_ =	shalt  }
0x53: {  	_ =	shalt  }
0x54: {  	_ =	shalt  }
0x55: {  	_ =	shalt  }
0x56: {  	_ =	shalt  }
0x57: {  	_ =	shalt  }
0x58: {  	_ =	shalt  }
0x59: {  	_ =	shalt  }
0x5a: {  	_ =	shalt  }
0x5b: {  	_ =	shalt  }
0x5c: {  	_ =	shalt  }
0x5d: {  	_ =	shalt  }
0x5e: {  	_ =	shalt  }
0x5f: {  	_ =	shalt  }
0x60: {  	_ =	shalt  }
0x61: {  	_ =	shalt  }
0x62: {  	_ =	shalt  }
0x63: {  	_ =	shalt  }
0x64: {  	_ =	shalt  }
0x65: {  	_ =	shalt  }
0x66: {  	_ =	shalt  }
0x67: {  	_ =	shalt  }
0x68: {  	_ =	shalt  }
0x69: {  	_ =	shalt  }
0x6a: {  	_ =	shalt  }
0x6b: {  	_ =	shalt  }
0x6c: {  	_ =	shalt  }
0x6d: {  	_ =	shalt  }
0x6e: {  	_ =	shalt  }
0x6f: {  	_ =	shalt  }
0x70: {  	_ =	shalt  }
0x71: {  	_ =	shalt  }
0x72: {  	_ =	shalt  }
0x73: {  	_ =	shalt  }
0x74: {  	_ =	shalt  }
0x75: {  	_ =	shalt  }
0x76: {  	_ =	shalt  }
0x77: {  	_ =	shalt  }
0x78: {  	_ =	shalt  }
0x79: {  	_ =	shalt  }
0x7a: {  	_ =	shalt  }
0x7b: {  	_ =	shalt  }
0x7c: {  	_ =	shalt  }
0x7d: {  	_ =	shalt  }
0x7e: {  	_ =	shalt  }
0x7f: {  	_ =	shalt  }
0x80: {  	_ =	shalt  }
0x81: {  	_ =	shalt  }
0x82: {  	_ =	shalt  }
0x83: {  	_ =	shalt  }
0x84: {  	_ =	shalt  }
0x85: {  	_ =	shalt  }
0x86: {  	_ =	shalt  }
0x87: {  	_ =	shalt  }
.Lfunc_end0:
.L_simem_size_0:
called_computation_lowered:
.L_overlay_start_0:
0x88: {  	s2 =	sld [smem:$0x3FD9]  }
0x89: {  	s3 =	sld [smem:$0x3FFE];
	_ =	sdelay $0x1  }
0x8a: {  	s1 =	srdreg.scid  }
0x8b: {  	s0 =	sand.u32 $0x1, s1  }
0x8c: {  	s17 =	sshll.u32 s0, $0xA;
	s2 =	sadd.s32 s3, s2  }
0x8d: {  	s2 =	sadd.s32 s2, s17  }
0x8e: {  	[smem:$0x3FC2] =	sst s2  }
0x8f: {  	_ = 	snop  }
0x90: {  	s2 =	sld [smem:$0x3FD0];
	(tm) =	ssettm $0x1  }
0x91: {  	s18 =	sld [smem:$0x3FFB];
	_ =	sdelay $0x3  }
0x92: {  	_ =	strace s18  }
0x93: {  	s3 =	sld [smem:$0x3FFC];
	_ =	sdelay $0x3  }
0x94: {  	_ =	strace s3  }
0x95: {  	s3 =	sld [smem:$0x3FFD];
	_ =	sdelay $0x3  }
0x96: {  	_ =	strace s3  }
0x97: {  	_ =	strace $0x8FFFFFFF  }
0x98: {  	s19 =	sld [smem:$0x3FDB];
	_ =	sdelay $0x1  }
0x99: {  	s4 =	simm.s32 $_scs_section_size  }
0x9a: {  	s5 =	simm.s32 $_size__tile_overlayer_lowered;
	s6 =	simm.s32 $_tile_overlayer_lowered  }
0x9b: {  	s22 =	simm.s32 $0x1BFF;
	s21 =	sshll.u32 s6, $0x1;
	s3 =	sadd.s32 s4, s19  }
0x9c: {  	s7 =	simm.s32 $0x0;
	s20 =	sshll.u32 s5, $0x1;
	s5 =	sadd.s32 s21, s3  }
0x9d: {  	[timem:s7], [sflag:s22] =	dma.local [hbm:s5], s20  }
0x9e: {  	_ =	swait.ge [sflag:s22], s20  }
0x9f: {  	s4 =	ssub.s32 $0x0, s20;
	[sflag:s22] =	ssyncset.done $0x0  }
0xa0: {  	[sflag:s22] =	ssyncadd.s32 s4;
	_ =	sdelay $0x1  }
0xa1: {  	s23 =	simm.s32 $0x1B8B  }
0xa2: {  	_ =	swait.ge [sflag:s23], $0x1  }
0xa3: {  	[sflag:s23] =	ssyncset.done $0x0  }
0xa4: {  	s25 =	simm.s32 $0x1B8E;
	s24 =	sld [smem:$0x3FFE];
	[sflag:s23] =	ssyncadd.s32 $0xFFFFFFFF  }
0xa5: {  	s26 =	simm.s32 $execute0_lowered;
	[smem:$0x3FD2] =	sst s25  }
0xa6: {  	s5 =	sshll.u32 s26, $0x1;
	_ =	strace $0x80000046;
	[dreg:$0x1] =	wrdreg $0xFFFFFFFF  }
0xa7: {  	s28 =	simm.s32 $_size_execute0_lowered;
	s3 =	sadd.s32 s3, s5;
	[dreg:$0x0] =	wrdreg $0x0  }
0xa8: {  	s5 =	sshll.u32 s28, $0x1;
	[dreg:$0x2] =	wrdreg s3  }
0xa9: {  	[dreg:$0x3] =	wrdreg s5  }
0xaa: {  	[dreg:$0x4] =	wrdreg $0xC0  }
0xab: {  	_ =	task [dreg:s7], $0x5FFFF  }
0xac: {  	[dreg:$0x1] =	wrdreg $0xFFFFFFFF  }
0xad: {  	[dreg:$0x0] =	wrdreg $0x60  }
0xae: {  	[dreg:$0x2] =	wrdreg s24  }
0xaf: {  	[dreg:$0x3] =	wrdreg s2  }
0xb0: {  	[dreg:$0x4] =	wrdreg $0x17700  }
0xb1: {  	[dreg:$0x5] =	wrdreg $0x9  }
0xb2: {  	_ =	task.clear_ibuf [dreg:s7], $0x6FFFF;
	_ =	strace $0x90000046  }
0xb3: {  	s29 =	simm.s32 $0x9;
	_ =	strace $0x80000048  }
0xb4: {  	_ =	swait.ge [sflag:s29], $0x1  }
0xb5: {  	[sflag:s29] =	ssyncadd.s32 $0xFFFFFFFF  }
0xb6: {  	_ =	strace $0x90000048  }
0xb7: {  	_ =	sfence  }
0xb8: {  	s30 =	sld [smem:$0x0];
	_ =	sdelay $0x2  }
0xb9: {  	s31 =	sshll.u32 s1, $0xD;
	s1 =	sshrl.u32 s1, $0x2  }
0xba: {  	s3 =	sand.u32 $0x4000, s31;
	s1 =	sadd.s32 s1, s30  }
0xbb: {  	s0 =	sor.u32 s3, s0;
	s1 =	sshll.u32 s1, $0x11  }
0xbc: {  	s0 =	sor.u32 s1, s0  }
0xbd: {  	s0 =	sadd.s32 $0x8F2B, s0  }
0xbe: {  	[sflag:s0] =	ssyncadd.remote.s32 $0x1  }
0xbf: {  	_ =	sfence.sel $0xFFFF  }
0xc0: {  	[dreg:$0x0] =	wrdreg $0xFFFFFFFF;
	(pc) =	sbr.abs _section_cstart, $3  }
0xc1: {  	[dreg:$0x1] =	wrdreg $0xFFFFFFFF  }
0xc2: {  	_ =	task.clear_ibuf [dreg:s7], $0x2FFFF;
	_ =	strace $0x9FFFFFFF  }
0xc3: {  	(tm) =	ssettm $0x7FFFFFFF  }
tec
execute0_lowered:
.L_overlay_start_1:
0x0: {  	(tag) =	ssettag $0x1  }
0x1: {  	s18 =	rddreg [dreg:$0x0]  }
0x2: {  	s4 =	rddreg [dreg:$0x1]  }
0x3: {  	s2 =	rddreg [dreg:$0x2]  }
0x4: {  	s0 =	rddreg [dreg:$0x3]  }
0x5: {  	s3 =	simm.s32 $0x0;
	s1 =	stileid.u32;
	s5 =	srdreg.scid  }
0x6: {  	[smem:$0x7FF] =	sst s3;
	s19 =	smul.u32 $0x280, s1  }
0x7: {  	s20 =	sand.u32 $0x1, s5;
	s29 =	sshll.u32 s1, $0x6;
	_ =	strace $0x80000047  }
0x8: {  	s5 =	sor.u32 $0x1C03, s29;
	s28 =	sshrl.u32 s19, $0x3;
	s6 =	sadd.s32 s19, s2  }
0x9: {  	s4 =	sadd.s32 s4, s28;
	s7 =	sshrl.u32 s6, $0x3;
	s6 =	simm.s32 $0x3  }
0xa: {  	[spmem:s7], [sflag:s5] =	dma.local [hbm:s4], $0x50  }
0xb: {  	s8 =	sshll.u32 s1, $0x1;
	_ =	swait.ge [sflag:s6], $0x50  }
0xc: {  	s9 =	simm.s32 $0xFA0;
	s8 =	sor.u32 s20, s8;
	[sflag:s6] =	ssyncset.done $0x0  }
0xd: {  	s10 =	smul.u32 $0x2710, s8;
	s8 =	sadd.s32 $0x15200, s18;
	[sflag:s6] =	ssyncadd.s32 $0xFFFFFFB0  }
0xe: {  	[tilespmem:s9], [sflag:$0x3] =	stream.linear.gather [hbm4b:s8+s3], $0x7D0, $0x38;
	[tilespmem:$0x19F0] =	vst v63  }
0xf: {  	_ =	swait.ge [sflag:s6], $0x7D0  }
0x10: {  	s10 =	sshrl.u32 s10, $0x3;
	[sflag:s6] =	ssyncset.done $0x0  }
0x11: {  	s17 =	sadd.s32 s10, s18;
	[sflag:s6] =	ssyncadd.s32 $0xFFFFF830  }
0x12: {  	s10 =	sadd.s32 $0xB440, s17;
	[bflag:$0x0] =	sbarrier.arrive $0xFFFF  }
0x13: {  	[tilespmem:s3], [sflag:$0x3] =	stream.linear.gather [hbm4b:s10+s3], $0x7D0, $0x38;
	[tilespmem:$0x19F0] =	vst v63  }
0x14: {  	_ =	swait.ge [sflag:s6], $0x7D0  }
0x15: {  	[sflag:s6] =	ssyncset.done $0x0  }
0x16: {  	s11 =	simm.s32 $0x7D0;
	[sflag:s6] =	ssyncadd.s32 $0xFFFFF830  }
0x17: {  	[spmem:s2] =	stream.indirect.scatter.add.f32 [tilespmem:s9], [sflag:$0x1], $0x1, s3, s11, $0xb8;
	[tilespmem:$0x19F0] =	vst v63  }
0x18: {  	s12 =	sadd.s32 $0xB53A, s17  }
0x19: {  	[tilespmem:s11], [sflag:$0x3] =	stream.linear.gather [hbm4b:s12+s3], $0x7D0, $0x38;
	[tilespmem:$0x19F0] =	vst v63  }
0x1a: {  	_ =	swait.ge [sflag:s6], $0x7D0  }
0x1b: {  	[sflag:s6] =	ssyncset.done $0x0  }
0x1c: {  	s13 =	simm.s32 $0x1;
	[sflag:s6] =	ssyncadd.s32 $0xFFFFF830  }
0x1d: {  	[spmem:s2] =	stream.indirect.scatter.add.f32 [tilespmem:s9], [sflag:$0x2], $0x1, s11, s11, $0xb8;
	[tilespmem:$0x19F0] =	vst v63  }
0x1e: {  	_ =	swait.ge [sflag:s13], $0x7D0  }
0x1f: {  	[sflag:s13] =	ssyncset.done $0x0  }
0x20: {  	s14 =	sadd.s32 $0xB634, s17;
	[sflag:s13] =	ssyncadd.s32 $0xFFFFF830  }
0x21: {  	[tilespmem:s3], [sflag:$0x3] =	stream.linear.gather [hbm4b:s14+s3], $0x7D0, $0x38;
	[tilespmem:$0x19F0] =	vst v63  }
0x22: {  	_ =	swait.ge [sflag:s6], $0x7D0  }
0x23: {  	[sflag:s6] =	ssyncset.done $0x0  }
0x24: {  	s15 =	simm.s32 $0x2;
	[sflag:s6] =	ssyncadd.s32 $0xFFFFF830  }
0x25: {  	[spmem:s2] =	stream.indirect.scatter.add.f32 [tilespmem:s9], [sflag:$0x1], $0x1, s3, s11, $0xb8;
	[tilespmem:$0x19F0] =	vst v63  }
0x26: {  	_ =	swait.ge [sflag:s15], $0x7D0  }
0x27: {  	[sflag:s15] =	ssyncset.done $0x0  }
0x28: {  	s16 =	sadd.s32 $0xB72E, s17;
	[sflag:s15] =	ssyncadd.s32 $0xFFFFF830  }
0x29: {  	[tilespmem:s11], [sflag:$0x3] =	stream.linear.gather [hbm4b:s16+s3], $0x7D0, $0x38;
	[tilespmem:$0x19F0] =	vst v63  }
0x2a: {  	_ =	swait.ge [sflag:s6], $0x7D0  }
0x2b: {  	[sflag:s6] =	ssyncset.done $0x0  }
0x2c: {  	[sflag:s6] =	ssyncadd.s32 $0xFFFFF830  }
0x2d: {  	[spmem:s2] =	stream.indirect.scatter.add.f32 [tilespmem:s9], [sflag:$0x2], $0x1, s11, s11, $0xb8;
	[tilespmem:$0x19F0] =	vst v63  }
0x2e: {  	_ =	swait.ge [sflag:s13], $0x7D0  }
0x2f: {  	[sflag:s13] =	ssyncset.done $0x0  }
0x30: {  	s17 =	sadd.s32 $0xB828, s17;
	[sflag:s13] =	ssyncadd.s32 $0xFFFFF830  }
0x31: {  	[tilespmem:s3], [sflag:$0x3] =	stream.linear.gather [hbm4b:s17+s3], $0x7D0, $0x38;
	[tilespmem:$0x19F0] =	vst v63  }
0x32: {  	_ =	swait.ge [sflag:s6], $0x7D0  }
0x33: {  	[sflag:s6] =	ssyncset.done $0x0  }
0x34: {  	s21 =	smul.u32 $0x2800, s20;
	[sflag:s6] =	ssyncadd.s32 $0xFFFFF830  }
0x35: {  	[spmem:s2] =	stream.indirect.scatter.add.f32 [tilespmem:s9], [sflag:$0x1], $0x1, s3, s11, $0xb8;
	[tilespmem:$0x19F0] =	vst v63  }
0x36: {  	s20 =	ssub.s32 $0x2, s20;
	_ =	swait.ge [sflag:s15], $0x7D0  }
0x37: {  	s30 =	sshrl.u32 s20, $0x1;
	s19 =	sadd.s32 s19, s21;
	[sflag:s15] =	ssyncset.done $0x0  }
0x38: {  	s31 =	ssub.s32 s20, s30;
	s19 =	sshrl.u32 s19, $0x3;
	[sflag:s15] =	ssyncadd.s32 $0xFFFFF830  }
0x39: {  	s18 =	sadd.s32 s19, s18;
	s19 =	smax.u32 s31, $0x1;
	_ =	swait.ge [sflag:s13], $0x7D0  }
0x3a: {  	p0 =	sne.s32 s19, $0x1;
	[sflag:s13] =	ssyncset.done $0x0  }
.Ltmp0:
0x3b: {  	[sflag:s13] =	ssyncadd.s32 $0xFFFFF830;
	(pc) =	sbr.rel @!p0 .LBB2_2-.Ltmp0, $4  }
0x3c: {  	s18 =	sadd.s32 $0x15400, s18;
	[bflag:$0x0] =	sbarrier.arrive $0xFFFF  }
0x3d: {  	[hbm:s18], [sflag:s5] =	dma.local [spmem:s7], $0x50  }
0x3e: {  	_ =	swait.ge [sflag:s6], $0x50  }
0x3f: {  	s19 =	sadd.s32 $0xFFFFFFFF, s19;
	[sflag:s6] =	ssyncset.done $0x0  }
.LBB2_1:
0x40: {  	p0 =	sne.s32 s19, $0x1;
	s19 =	sadd.s32 $0xFFFFFFFF, s19;
	[sflag:s6] =	ssyncadd.s32 $0xFFFFFFB0  }
0x41: {  	[spmem:s7], [sflag:s5] =	dma.local [hbm:s4], $0x50  }
0x42: {  	_ =	swait.ge [sflag:s6], $0x50  }
0x43: {  	[sflag:s6] =	ssyncset.done $0x0  }
0x44: {  	[sflag:s6] =	ssyncadd.s32 $0xFFFFFFB0  }
0x45: {  	[tilespmem:s9], [sflag:$0x3] =	stream.linear.gather [hbm4b:s8+s3], $0x7D0, $0x38;
	[tilespmem:$0x19F0] =	vst v63  }
0x46: {  	_ =	swait.ge [sflag:s6], $0x7D0  }
0x47: {  	[sflag:s6] =	ssyncset.done $0x0  }
0x48: {  	[sflag:s6] =	ssyncadd.s32 $0xFFFFF830  }
0x49: {  	[bflag:$0x0] =	sbarrier.arrive $0xFFFF  }
0x4a: {  	[tilespmem:s3], [sflag:$0x3] =	stream.linear.gather [hbm4b:s10+s3], $0x7D0, $0x38;
	[tilespmem:$0x19F0] =	vst v63  }
0x4b: {  	_ =	swait.ge [sflag:s6], $0x7D0  }
0x4c: {  	[sflag:s6] =	ssyncset.done $0x0  }
0x4d: {  	[sflag:s6] =	ssyncadd.s32 $0xFFFFF830  }
0x4e: {  	[spmem:s2] =	stream.indirect.scatter.add.f32 [tilespmem:s9], [sflag:$0x1], $0x1, s3, s11, $0xb8;
	[tilespmem:$0x19F0] =	vst v63  }
0x4f: {  	_ = 	snop  }
0x50: {  	[tilespmem:s11], [sflag:$0x3] =	stream.linear.gather [hbm4b:s12+s3], $0x7D0, $0x38;
	[tilespmem:$0x19F0] =	vst v63  }
0x51: {  	_ =	swait.ge [sflag:s6], $0x7D0  }
0x52: {  	[sflag:s6] =	ssyncset.done $0x0  }
0x53: {  	[sflag:s6] =	ssyncadd.s32 $0xFFFFF830  }
0x54: {  	[spmem:s2] =	stream.indirect.scatter.add.f32 [tilespmem:s9], [sflag:$0x2], $0x1, s11, s11, $0xb8;
	[tilespmem:$0x19F0] =	vst v63  }
0x55: {  	_ =	swait.ge [sflag:s13], $0x7D0  }
0x56: {  	[sflag:s13] =	ssyncset.done $0x0  }
0x57: {  	[sflag:s13] =	ssyncadd.s32 $0xFFFFF830  }
0x58: {  	[tilespmem:s3], [sflag:$0x3] =	stream.linear.gather [hbm4b:s14+s3], $0x7D0, $0x38;
	[tilespmem:$0x19F0] =	vst v63  }
0x59: {  	_ =	swait.ge [sflag:s6], $0x7D0  }
0x5a: {  	[sflag:s6] =	ssyncset.done $0x0  }
0x5b: {  	[sflag:s6] =	ssyncadd.s32 $0xFFFFF830  }
0x5c: {  	[spmem:s2] =	stream.indirect.scatter.add.f32 [tilespmem:s9], [sflag:$0x1], $0x1, s3, s11, $0xb8;
	[tilespmem:$0x19F0] =	vst v63  }
0x5d: {  	_ =	swait.ge [sflag:s15], $0x7D0  }
0x5e: {  	[sflag:s15] =	ssyncset.done $0x0  }
0x5f: {  	[sflag:s15] =	ssyncadd.s32 $0xFFFFF830  }
0x60: {  	[tilespmem:s11], [sflag:$0x3] =	stream.linear.gather [hbm4b:s16+s3], $0x7D0, $0x38;
	[tilespmem:$0x19F0] =	vst v63  }
0x61: {  	_ =	swait.ge [sflag:s6], $0x7D0  }
0x62: {  	[sflag:s6] =	ssyncset.done $0x0  }
0x63: {  	[sflag:s6] =	ssyncadd.s32 $0xFFFFF830  }
0x64: {  	[spmem:s2] =	stream.indirect.scatter.add.f32 [tilespmem:s9], [sflag:$0x2], $0x1, s11, s11, $0xb8;
	[tilespmem:$0x19F0] =	vst v63  }
0x65: {  	_ =	swait.ge [sflag:s13], $0x7D0  }
0x66: {  	[sflag:s13] =	ssyncset.done $0x0  }
0x67: {  	[sflag:s13] =	ssyncadd.s32 $0xFFFFF830  }
0x68: {  	[tilespmem:s3], [sflag:$0x3] =	stream.linear.gather [hbm4b:s17+s3], $0x7D0, $0x38;
	[tilespmem:$0x19F0] =	vst v63  }
0x69: {  	_ =	swait.ge [sflag:s6], $0x7D0  }
0x6a: {  	[sflag:s6] =	ssyncset.done $0x0  }
0x6b: {  	[sflag:s6] =	ssyncadd.s32 $0xFFFFF830  }
0x6c: {  	[spmem:s2] =	stream.indirect.scatter.add.f32 [tilespmem:s9], [sflag:$0x1], $0x1, s3, s11, $0xb8;
	[tilespmem:$0x19F0] =	vst v63  }
0x6d: {  	_ =	swait.ge [sflag:s15], $0x7D0  }
0x6e: {  	[sflag:s15] =	ssyncset.done $0x0  }
0x6f: {  	[sflag:s15] =	ssyncadd.s32 $0xFFFFF830  }
0x70: {  	_ =	swait.ge [sflag:s13], $0x7D0  }
0x71: {  	[sflag:s13] =	ssyncset.done $0x0  }
.Ltmp1:
0x72: {  	[sflag:s13] =	ssyncadd.s32 $0xFFFFF830;
	(pc) =	sbr.rel @p0 .LBB2_1-.Ltmp1, $4  }
0x73: {  	[bflag:$0x0] =	sbarrier.arrive $0xFFFF  }
0x74: {  	[hbm:s18], [sflag:s5] =	dma.local [spmem:s7], $0x50  }
0x75: {  	_ =	swait.ge [sflag:s6], $0x50  }
0x76: {  	[sflag:s6] =	ssyncset.done $0x0  }
.LBB2_2:
0x77: {  	[sflag:s6] =	ssyncadd.s32 $0xFFFFFFB0  }
0x78: {  	_ =	sfence.sel $0x180000  }
0x79: {  	[bflag:$0x0] =	sbarrier.arrive $0xFFFF  }
0x7a: {  	p0 =	sne.s32 s1, $0x0;
	_ =	strace $0x90000047  }
0x7b: {  	s0 =	sadd.s32 @!p0 $0x100000, s0;
	[bflag:$0x2] =	sbarrier.arrive $0xFFFF  }
0x7c: {  	[sflag:s0] =	ssyncadd.tile.s32 @!p0 $0x1;
	_ =	shalt  }
.Lfunc_end2:
_tile_overlayer_lowered:
.L_overlay_start_2:
0x7d: {  	(tag) =	ssettag $0x2  }
0x7e: {  	s0 =	rddreg [dreg:$0x0];
	s2 =	stileid.u32  }
0x7f: {  	s1 =	rddreg [dreg:$0x1];
	p0 =	sne.s32 s2, $0x0  }
0x80: {  	s3 =	rddreg [dreg:$0x2];
	[bflag:$0x3] =	sbarrier.arrive $0xFFFF;
	s2 =	simm.s32 @!p0 $0x1C03  }
0x81: {  	[timem:s3], [sflag:s2] =	dma.local @!p0 [hbm:s0], s1  }
0x82: {  	s0 =	simm.s32 @!p0 $0x3  }
0x83: {  	_ =	swait.ge @!p0 [sflag:s0], s1  }
0x84: {  	s1 =	ssub.s32 @!p0 $0x0, s1;
	[sflag:s0] =	ssyncset.done @!p0 $0x0  }
0x85: {  	[sflag:s0] =	ssyncadd.s32 @!p0 s1  }
0x86: {  	[bflag:$0x3] =	sbarrier.arrive $0xFFFF  }
0x87: {  	_ =	shalt  }

</sc_bundles>
